<compile_context>
chip_gen: v7x
topology: tpu7x:2x2x1
jax: 0.10.2.dev20260603
libtpu: 0.0.44.dev20260713+nightly
codegen_flags: <defaults>
</compile_context>

<pallas_src>
import functools

import jax
import jax.numpy as jnp
from jax import lax
from jax.experimental import pallas as pl
from jax.experimental.pallas import tpu as pltpu
from jax.experimental.pallas import tpu_sc as plsc


def _make_sc_kernel(num_out, num_in, num_cb, igs, cb_size):
    info = plsc.get_sparse_core_info()
    nc, ns, L = info.num_cores, info.num_subcores, info.num_lanes
    nw = nc * ns
    rows_per_w = num_out // nw
    flat_cb_len = num_cb * cb_size * igs
    num_in_elems = num_in * igs
    codes_row_len = num_in * num_cb
    blocks = num_in // L

    mesh = plsc.VectorSubcoreMesh(core_axis_name="c", subcore_axis_name="s")

    @functools.partial(
        pl.kernel,
        mesh=mesh,
        out_type=jax.ShapeDtypeStruct((num_out, num_in_elems), jnp.float32),
        scratch_types=[
            pltpu.VMEM((flat_cb_len // 2,), jnp.int32),
            pltpu.VMEM((rows_per_w,), jnp.float32),
            pltpu.VMEM((2, codes_row_len), jnp.int32),
            pltpu.VMEM((2, num_in_elems), jnp.float32),
            pltpu.SemaphoreType.DMA,
            pltpu.SemaphoreType.DMA,
            pltpu.SemaphoreType.DMA,
            pltpu.SemaphoreType.DMA,
        ],
        compiler_params=pltpu.CompilerParams(needs_layout_passes=False),
    )
    def k(codes_hbm, cb_hbm, scales_hbm, out_hbm, cb_v, sc_v, codes_v, out_v,
          si0, si1, so0, so1):
        wid = lax.axis_index("s") * nc + lax.axis_index("c")
        row0 = wid * rows_per_w
        pltpu.sync_copy(cb_hbm, cb_v)
        pltpu.sync_copy(scales_hbm.at[pl.ds(row0, rows_per_w)], sc_v)

        lane = lax.iota(jnp.int32, L)
        scat_pats = [lane * igs + j for j in range(igs)]
        sis = (si0, si1)
        sos = (so0, so1)

        def cp_in(row, b):
            return pltpu.make_async_copy(
                codes_hbm.at[row], codes_v.at[b], sis[b])

        def cp_out(row, b):
            return pltpu.make_async_copy(
                out_v.at[b], out_hbm.at[row], sos[b])

        cp_in(row0, 0).start()
        cp_in(row0 + 1, 1).start()
        pairs = rows_per_w // 2

        def pair_body(p, carry):
            for b in range(2):
                r = p * 2 + b
                row = row0 + r
                cp_in(row, b).wait()

                @pl.when(p > 0)
                def _wait_out():
                    cp_out(row - 2, b).wait()

                s = plsc.load_gather(sc_v, [jnp.full((L,), r, jnp.int32)])

                @plsc.parallel_loop(0, blocks, unroll=2)
                def blk_body(ib):
                    out_blk = out_v.at[b].at[pl.ds(ib * (L * igs), L * igs)]
                    cvecs = [
                        codes_v[b, pl.ds(m * num_in + ib * L, L)]
                        for m in range(num_cb)
                    ]
                    for jp in range(igs // 2):
                        acc_lo = jnp.zeros((L,), jnp.float32)
                        acc_hi = jnp.zeros((L,), jnp.float32)
                        for m in range(num_cb):
                            off = (jp * num_cb + m) * cb_size
                            w = plsc.load_gather(
                                cb_v.at[pl.ds(off, cb_size)], [cvecs[m]])
                            acc_lo = acc_lo + plsc.bitcast(w << 16, jnp.float32)
                            acc_hi = acc_hi + plsc.bitcast(w, jnp.float32)
                        plsc.store_scatter(out_blk, [scat_pats[2 * jp]],
                                           acc_lo * s)
                        plsc.store_scatter(out_blk, [scat_pats[2 * jp + 1]],
                                           acc_hi * s)

                cp_out(row, b).start()

                @pl.when(p < pairs - 1)
                def _next_in():
                    cp_in(row + 2, b).start()

            return carry

        lax.fori_loop(0, pairs, pair_body, 0)
        cp_out(row0 + rows_per_w - 2, 0).wait()
        cp_out(row0 + rows_per_w - 1, 1).wait()

    return k


def kernel(codes, codebooks, scales):
    num_out, num_in, num_cb = codes.shape
    _, cb_size, ogs, igs = codebooks.shape
    codes2d = codes.transpose(0, 2, 1).reshape(num_out, num_cb * num_in)
    cbj = codebooks.reshape(num_cb, cb_size, igs)
    bits = jax.lax.bitcast_convert_type(
        cbj.astype(jnp.bfloat16), jnp.uint16).astype(jnp.uint32)
    words = bits[:, :, 0::2] | (bits[:, :, 1::2] << 16)
    flat_cb = jax.lax.bitcast_convert_type(
        words.transpose(2, 0, 1).reshape(-1), jnp.int32)
    scales1d = scales.reshape(num_out)
    k = _make_sc_kernel(num_out, num_in, num_cb, igs, cb_size)
    return k(codes2d, flat_cb, scales1d)

# --- scband reference (transcript-rebuilt; emitter-appended) ---
"""Pipeline reference for scband-quantized-weight-1726576856662 (READ-ONLY COPY).

The authoritative reference and input builder live on the scoring server;
editing this copy changes nothing except your own understanding.
"""

import jax, jax.numpy as jnp
import numpy as np


def setup_inputs(seed: int = 0) -> dict:
    key = jax.random.key(seed)
    k1, k2, k3 = jax.random.split(key, 3)
    num_out_groups, num_in_groups = 4096, 512
    num_codebooks, codebook_size = 8, 256
    out_group_size, in_group_size = 1, 8
    codes = jax.random.randint(k1, (num_out_groups, num_in_groups, num_codebooks), 0, codebook_size, dtype=jnp.int32)
    codebooks = jax.random.normal(k2, (num_codebooks, codebook_size, out_group_size, in_group_size), dtype=jnp.float32)
    scales = jax.random.uniform(k3, (num_out_groups, 1, 1, 1), dtype=jnp.float32) + 0.5
    return {"codes": codes, "codebooks": codebooks, "scales": scales}


def reference(codes, codebooks, scales):
    # Faithful jax port of AQLM QuantizedWeight.forward() / _dequantize_weight():
    # for each (out_group, in_group), sum the selected codebook entries across
    # all codebooks, apply per-out-group scales, and fold groups back into a
    # dense [out_features, in_features] weight matrix.
    num_out_groups, num_in_groups, num_codebooks = codes.shape
    _, codebook_size, out_group_size, in_group_size = codebooks.shape
    # offset codes of codebook m by m*codebook_size so we can do ONE flat gather
    offsets = (jnp.arange(num_codebooks, dtype=codes.dtype) * codebook_size)
    flat_codes = (codes + offsets[None, None, :]).reshape(-1)
    flat_codebooks = codebooks.reshape(num_codebooks * codebook_size, out_group_size, in_group_size)
    gathered = jnp.take(flat_codebooks, flat_codes, axis=0)
    gathered = gathered.reshape(num_out_groups, num_in_groups, num_codebooks, out_group_size, in_group_size)
    recon = gathered.sum(axis=2)  # additive quantization: sum over codebooks
    recon = recon * scales  # per-out-group scales broadcast over [O, I, og, ig]
    weight = recon.transpose(0, 2, 1, 3).reshape(num_out_groups * out_group_size, num_in_groups * in_group_size)
    return weight

if __name__ == "__main__":
    import jax
    _d = setup_inputs()
    print(jax.jit(kernel)(*tuple(_d.values())))

</pallas_src>

<mosaic_0001>
#map = affine_map<(d0, d1) -> (0, 0)>
#map1 = affine_map<(d0, d1) -> (0)>
module attributes {stable_mosaic.version = 14 : i64} {
  func.func @k(%arg0: i32, %arg1: i32, %arg2: memref<4096x4096xi32, #tpu.memory_space<hbm>>, %arg3: memref<8192xi32, #tpu.memory_space<hbm>>, %arg4: memref<4096xf32, #tpu.memory_space<hbm>>, %arg5: memref<4096x4096xf32, #tpu.memory_space<hbm>>, %arg6: memref<8192xi32, #tpu.memory_space<vmem>>, %arg7: memref<128xf32, #tpu.memory_space<vmem>>, %arg8: memref<2x4096xi32, #tpu.memory_space<vmem>>, %arg9: memref<2x4096xf32, #tpu.memory_space<vmem>>, %arg10: memref<!tpu.dma_semaphore, #tpu.memory_space<semaphore_mem>>, %arg11: memref<!tpu.dma_semaphore, #tpu.memory_space<semaphore_mem>>, %arg12: memref<!tpu.dma_semaphore, #tpu.memory_space<semaphore_mem>>, %arg13: memref<!tpu.dma_semaphore, #tpu.memory_space<semaphore_mem>>) attributes {dimension_semantics = [#tpu.dimension_semantics<core_parallel>, #tpu.dimension_semantics<subcore_parallel>], iteration_bounds = array<i64: 2, 16>, scalar_prefetch = 0 : i64, scratch_operands = 8 : i64, tpu.core_type = #tpu.core_type<sc_vector_subcore>, window_params = [{transform_indices = #map}, {transform_indices = #map1}, {transform_indices = #map1}, {transform_indices = #map}]} {
    %mul3A = arith.constant 2 : i32
    %mul3A_0 = arith.muli %arg1, %mul3A : i32
    %add3A = arith.addi %mul3A_0, %arg0 : i32
    %mul3A_1 = arith.constant 128 : i32
    %mul3A_2 = arith.muli %add3A, %mul3A_1 : i32
    "tpu.region"() ({
      %run_scoped3A = tpu.sem_alloc : memref<!tpu.dma_semaphore, #tpu.memory_space<semaphore_mem>>
      tpu.enqueue_dma source(%arg3 : memref<8192xi32, #tpu.memory_space<hbm>>) target(%arg6 : memref<8192xi32, #tpu.memory_space<vmem>>) target_semaphore(%run_scoped3A : memref<!tpu.dma_semaphore, #tpu.memory_space<semaphore_mem>>)
      tpu.wait_dma2 semaphore(%run_scoped3A : memref<!tpu.dma_semaphore, #tpu.memory_space<semaphore_mem>>) src(%arg3 : memref<8192xi32, #tpu.memory_space<hbm>>) dst(%arg6 : memref<8192xi32, #tpu.memory_space<vmem>>)
      tpu.yield
    }) : () -> ()
    "tpu.region"() ({
      %run_scoped3A = tpu.sem_alloc : memref<!tpu.dma_semaphore, #tpu.memory_space<semaphore_mem>>
      %dma_start3A_115 = tpu.memref_slice %arg4[%mul3A_2] : memref<4096xf32, #tpu.memory_space<hbm>> -> memref<128xf32, #tpu.memory_space<hbm>>
      %dma_start3A_116 = tpu.memref_slice %arg4[%mul3A_2] : memref<4096xf32, #tpu.memory_space<hbm>> -> memref<128xf32, #tpu.memory_space<hbm>>
      tpu.enqueue_dma source(%dma_start3A_116 : memref<128xf32, #tpu.memory_space<hbm>>) target(%arg7 : memref<128xf32, #tpu.memory_space<vmem>>) target_semaphore(%run_scoped3A : memref<!tpu.dma_semaphore, #tpu.memory_space<semaphore_mem>>)
      %dma_wait3A_117 = tpu.memref_slice %arg4[%mul3A_2] : memref<4096xf32, #tpu.memory_space<hbm>> -> memref<128xf32, #tpu.memory_space<hbm>>
      %dma_wait3A_118 = tpu.memref_slice %arg4[%mul3A_2] : memref<4096xf32, #tpu.memory_space<hbm>> -> memref<128xf32, #tpu.memory_space<hbm>>
      tpu.wait_dma2 semaphore(%run_scoped3A : memref<!tpu.dma_semaphore, #tpu.memory_space<semaphore_mem>>) src(%dma_wait3A_118 : memref<128xf32, #tpu.memory_space<hbm>>) dst(%arg7 : memref<128xf32, #tpu.memory_space<vmem>>)
      tpu.yield
    }) : () -> ()
    %iota3A = tpu.iota {dimensions = array<i32: 0>} : vector<16xi32>
    %mul3A_3 = arith.constant 8 : i32
    %mul3A_4 = vector.broadcast %mul3A_3 : i32 to vector<16xi32>
    %mul3A_5 = arith.muli %iota3A, %mul3A_4 : vector<16xi32>
    %add3A_6 = arith.constant 0 : i32
    %add3A_7 = vector.broadcast %add3A_6 : i32 to vector<16xi32>
    %add3A_8 = arith.addi %mul3A_5, %add3A_7 : vector<16xi32>
    %mul3A_9 = arith.constant 8 : i32
    %mul3A_10 = vector.broadcast %mul3A_9 : i32 to vector<16xi32>
    %mul3A_11 = arith.muli %iota3A, %mul3A_10 : vector<16xi32>
    %add3A_12 = arith.constant 1 : i32
    %add3A_13 = vector.broadcast %add3A_12 : i32 to vector<16xi32>
    %add3A_14 = arith.addi %mul3A_11, %add3A_13 : vector<16xi32>
    %mul3A_15 = arith.constant 8 : i32
    %mul3A_16 = vector.broadcast %mul3A_15 : i32 to vector<16xi32>
    %mul3A_17 = arith.muli %iota3A, %mul3A_16 : vector<16xi32>
    %add3A_18 = arith.constant 2 : i32
    %add3A_19 = vector.broadcast %add3A_18 : i32 to vector<16xi32>
    %add3A_20 = arith.addi %mul3A_17, %add3A_19 : vector<16xi32>
    %mul3A_21 = arith.constant 8 : i32
    %mul3A_22 = vector.broadcast %mul3A_21 : i32 to vector<16xi32>
    %mul3A_23 = arith.muli %iota3A, %mul3A_22 : vector<16xi32>
    %add3A_24 = arith.constant 3 : i32
    %add3A_25 = vector.broadcast %add3A_24 : i32 to vector<16xi32>
    %add3A_26 = arith.addi %mul3A_23, %add3A_25 : vector<16xi32>
    %mul3A_27 = arith.constant 8 : i32
    %mul3A_28 = vector.broadcast %mul3A_27 : i32 to vector<16xi32>
    %mul3A_29 = arith.muli %iota3A, %mul3A_28 : vector<16xi32>
    %add3A_30 = arith.constant 4 : i32
    %add3A_31 = vector.broadcast %add3A_30 : i32 to vector<16xi32>
    %add3A_32 = arith.addi %mul3A_29, %add3A_31 : vector<16xi32>
    %mul3A_33 = arith.constant 8 : i32
    %mul3A_34 = vector.broadcast %mul3A_33 : i32 to vector<16xi32>
    %mul3A_35 = arith.muli %iota3A, %mul3A_34 : vector<16xi32>
    %add3A_36 = arith.constant 5 : i32
    %add3A_37 = vector.broadcast %add3A_36 : i32 to vector<16xi32>
    %add3A_38 = arith.addi %mul3A_35, %add3A_37 : vector<16xi32>
    %mul3A_39 = arith.constant 8 : i32
    %mul3A_40 = vector.broadcast %mul3A_39 : i32 to vector<16xi32>
    %mul3A_41 = arith.muli %iota3A, %mul3A_40 : vector<16xi32>
    %add3A_42 = arith.constant 6 : i32
    %add3A_43 = vector.broadcast %add3A_42 : i32 to vector<16xi32>
    %add3A_44 = arith.addi %mul3A_41, %add3A_43 : vector<16xi32>
    %mul3A_45 = arith.constant 8 : i32
    %mul3A_46 = vector.broadcast %mul3A_45 : i32 to vector<16xi32>
    %mul3A_47 = arith.muli %iota3A, %mul3A_46 : vector<16xi32>
    %add3A_48 = arith.constant 7 : i32
    %add3A_49 = vector.broadcast %add3A_48 : i32 to vector<16xi32>
    %add3A_50 = arith.addi %mul3A_47, %add3A_49 : vector<16xi32>
    %dma_start3A = arith.constant 0 : i32
    %dma_start3A_51 = arith.constant 0 : i32
    %dma_start3A_52 = tpu.memref_slice %arg8[%dma_start3A, %dma_start3A_51] : memref<2x4096xi32, #tpu.memory_space<vmem>> -> memref<1x4096xi32, #tpu.memory_space<vmem>>
    %dma_start3A_53 = tpu.memref_squeeze %dma_start3A_52 : memref<1x4096xi32, #tpu.memory_space<vmem>> -> memref<4096xi32, #tpu.memory_space<vmem>>
    %dma_start3A_54 = arith.constant 0 : i32
    %dma_start3A_55 = tpu.memref_slice %arg2[%mul3A_2, %dma_start3A_54] : memref<4096x4096xi32, #tpu.memory_space<hbm>> -> memref<1x4096xi32, #tpu.memory_space<hbm>>
    %dma_start3A_56 = tpu.memref_squeeze %dma_start3A_55 : memref<1x4096xi32, #tpu.memory_space<hbm>> -> memref<4096xi32, #tpu.memory_space<hbm>>
    %dma_start3A_57 = arith.constant 0 : i32
    %dma_start3A_58 = tpu.memref_slice %arg8[%dma_start3A, %dma_start3A_57] : memref<2x4096xi32, #tpu.memory_space<vmem>> -> memref<1x4096xi32, #tpu.memory_space<vmem>>
    %dma_start3A_59 = tpu.memref_squeeze %dma_start3A_58 : memref<1x4096xi32, #tpu.memory_space<vmem>> -> memref<4096xi32, #tpu.memory_space<vmem>>
    %dma_start3A_60 = arith.constant 0 : i32
    %dma_start3A_61 = tpu.memref_slice %arg2[%mul3A_2, %dma_start3A_60] : memref<4096x4096xi32, #tpu.memory_space<hbm>> -> memref<1x4096xi32, #tpu.memory_space<hbm>>
    %dma_start3A_62 = tpu.memref_squeeze %dma_start3A_61 : memref<1x4096xi32, #tpu.memory_space<hbm>> -> memref<4096xi32, #tpu.memory_space<hbm>>
    tpu.enqueue_dma source(%dma_start3A_62 : memref<4096xi32, #tpu.memory_space<hbm>>) target(%dma_start3A_59 : memref<4096xi32, #tpu.memory_space<vmem>>) target_semaphore(%arg10 : memref<!tpu.dma_semaphore, #tpu.memory_space<semaphore_mem>>)
    %add3A_63 = arith.constant 1 : i32
    %add3A_64 = arith.addi %mul3A_2, %add3A_63 : i32
    %dma_start3A_65 = arith.constant 1 : i32
    %dma_start3A_66 = arith.constant 0 : i32
    %dma_start3A_67 = tpu.memref_slice %arg8[%dma_start3A_65, %dma_start3A_66] : memref<2x4096xi32, #tpu.memory_space<vmem>> -> memref<1x4096xi32, #tpu.memory_space<vmem>>
    %dma_start3A_68 = tpu.memref_squeeze %dma_start3A_67 : memref<1x4096xi32, #tpu.memory_space<vmem>> -> memref<4096xi32, #tpu.memory_space<vmem>>
    %dma_start3A_69 = arith.constant 0 : i32
    %dma_start3A_70 = tpu.memref_slice %arg2[%add3A_64, %dma_start3A_69] : memref<4096x4096xi32, #tpu.memory_space<hbm>> -> memref<1x4096xi32, #tpu.memory_space<hbm>>
    %dma_start3A_71 = tpu.memref_squeeze %dma_start3A_70 : memref<1x4096xi32, #tpu.memory_space<hbm>> -> memref<4096xi32, #tpu.memory_space<hbm>>
    %dma_start3A_72 = arith.constant 0 : i32
    %dma_start3A_73 = tpu.memref_slice %arg8[%dma_start3A_65, %dma_start3A_72] : memref<2x4096xi32, #tpu.memory_space<vmem>> -> memref<1x4096xi32, #tpu.memory_space<vmem>>
    %dma_start3A_74 = tpu.memref_squeeze %dma_start3A_73 : memref<1x4096xi32, #tpu.memory_space<vmem>> -> memref<4096xi32, #tpu.memory_space<vmem>>
    %dma_start3A_75 = arith.constant 0 : i32
    %dma_start3A_76 = tpu.memref_slice %arg2[%add3A_64, %dma_start3A_75] : memref<4096x4096xi32, #tpu.memory_space<hbm>> -> memref<1x4096xi32, #tpu.memory_space<hbm>>
    %dma_start3A_77 = tpu.memref_squeeze %dma_start3A_76 : memref<1x4096xi32, #tpu.memory_space<hbm>> -> memref<4096xi32, #tpu.memory_space<hbm>>
    tpu.enqueue_dma source(%dma_start3A_77 : memref<4096xi32, #tpu.memory_space<hbm>>) target(%dma_start3A_74 : memref<4096xi32, #tpu.memory_space<vmem>>) target_semaphore(%arg11 : memref<!tpu.dma_semaphore, #tpu.memory_space<semaphore_mem>>)
    %scan3A = arith.constant 0 : i32
    %scan3A_78 = arith.constant 0 : i32
    %scan3A_79 = arith.constant 64 : i32
    %scan3A_80 = arith.addi %scan3A_78, %scan3A_79 : i32
    %scan3A_81 = arith.constant 1 : i32
    scf.for %scan3A_115 = %scan3A_78 to %scan3A_80 step %scan3A_81  : i32 {
      %mul3A_116 = arith.constant 2 : i32
      %mul3A_117 = arith.muli %scan3A_115, %mul3A_116 : i32
      %add3A_118 = arith.constant 0 : i32
      %add3A_119 = arith.addi %mul3A_117, %add3A_118 : i32
      %add3A_120 = arith.addi %mul3A_2, %add3A_119 : i32
      %dma_wait3A_121 = arith.constant 0 : i32
      %dma_wait3A_122 = arith.constant 0 : i32
      %dma_wait3A_123 = tpu.memref_slice %arg8[%dma_wait3A_121, %dma_wait3A_122] : memref<2x4096xi32, #tpu.memory_space<vmem>> -> memref<1x4096xi32, #tpu.memory_space<vmem>>
      %dma_wait3A_124 = tpu.memref_squeeze %dma_wait3A_123 : memref<1x4096xi32, #tpu.memory_space<vmem>> -> memref<4096xi32, #tpu.memory_space<vmem>>
      %dma_wait3A_125 = arith.constant 0 : i32
      %dma_wait3A_126 = tpu.memref_slice %arg2[%add3A_120, %dma_wait3A_125] : memref<4096x4096xi32, #tpu.memory_space<hbm>> -> memref<1x4096xi32, #tpu.memory_space<hbm>>
      %dma_wait3A_127 = tpu.memref_squeeze %dma_wait3A_126 : memref<1x4096xi32, #tpu.memory_space<hbm>> -> memref<4096xi32, #tpu.memory_space<hbm>>
      %dma_wait3A_128 = arith.constant 0 : i32
      %dma_wait3A_129 = tpu.memref_slice %arg8[%dma_wait3A_121, %dma_wait3A_128] : memref<2x4096xi32, #tpu.memory_space<vmem>> -> memref<1x4096xi32, #tpu.memory_space<vmem>>
      %dma_wait3A_130 = tpu.memref_squeeze %dma_wait3A_129 : memref<1x4096xi32, #tpu.memory_space<vmem>> -> memref<4096xi32, #tpu.memory_space<vmem>>
      %dma_wait3A_131 = arith.constant 0 : i32
      %dma_wait3A_132 = tpu.memref_slice %arg2[%add3A_120, %dma_wait3A_131] : memref<4096x4096xi32, #tpu.memory_space<hbm>> -> memref<1x4096xi32, #tpu.memory_space<hbm>>
      %dma_wait3A_133 = tpu.memref_squeeze %dma_wait3A_132 : memref<1x4096xi32, #tpu.memory_space<hbm>> -> memref<4096xi32, #tpu.memory_space<hbm>>
      tpu.wait_dma2 semaphore(%arg10 : memref<!tpu.dma_semaphore, #tpu.memory_space<semaphore_mem>>) src(%dma_wait3A_133 : memref<4096xi32, #tpu.memory_space<hbm>>) dst(%dma_wait3A_130 : memref<4096xi32, #tpu.memory_space<vmem>>)
      %gt3A = arith.constant 0 : i32
      %gt3A_134 = arith.cmpi sgt, %scan3A_115, %gt3A : i32
      %convert_element_type3A = arith.extui %gt3A_134 : i1 to i32
      %cond3A = arith.constant 0 : i32
      %cond3A_135 = arith.cmpi ne, %convert_element_type3A, %cond3A : i32
      scf.if %cond3A_135 {
        %sub3A_201 = arith.constant 2 : i32
        %sub3A_202 = arith.subi %add3A_120, %sub3A_201 : i32
        %dma_wait3A_203 = arith.constant 0 : i32
        %dma_wait3A_204 = arith.constant 0 : i32
        %dma_wait3A_205 = tpu.memref_slice %arg9[%dma_wait3A_203, %dma_wait3A_204] : memref<2x4096xf32, #tpu.memory_space<vmem>> -> memref<1x4096xf32, #tpu.memory_space<vmem>>
        %dma_wait3A_206 = tpu.memref_squeeze %dma_wait3A_205 : memref<1x4096xf32, #tpu.memory_space<vmem>> -> memref<4096xf32, #tpu.memory_space<vmem>>
        %dma_wait3A_207 = arith.constant 0 : i32
        %dma_wait3A_208 = tpu.memref_slice %arg5[%sub3A_202, %dma_wait3A_207] : memref<4096x4096xf32, #tpu.memory_space<hbm>> -> memref<1x4096xf32, #tpu.memory_space<hbm>>
        %dma_wait3A_209 = tpu.memref_squeeze %dma_wait3A_208 : memref<1x4096xf32, #tpu.memory_space<hbm>> -> memref<4096xf32, #tpu.memory_space<hbm>>
        %dma_wait3A_210 = arith.constant 0 : i32
        %dma_wait3A_211 = tpu.memref_slice %arg5[%sub3A_202, %dma_wait3A_210] : memref<4096x4096xf32, #tpu.memory_space<hbm>> -> memref<1x4096xf32, #tpu.memory_space<hbm>>
        %dma_wait3A_212 = tpu.memref_squeeze %dma_wait3A_211 : memref<1x4096xf32, #tpu.memory_space<hbm>> -> memref<4096xf32, #tpu.memory_space<hbm>>
        %dma_wait3A_213 = arith.constant 0 : i32
        %dma_wait3A_214 = tpu.memref_slice %arg9[%dma_wait3A_203, %dma_wait3A_213] : memref<2x4096xf32, #tpu.memory_space<vmem>> -> memref<1x4096xf32, #tpu.memory_space<vmem>>
        %dma_wait3A_215 = tpu.memref_squeeze %dma_wait3A_214 : memref<1x4096xf32, #tpu.memory_space<vmem>> -> memref<4096xf32, #tpu.memory_space<vmem>>
        tpu.wait_dma2 semaphore(%arg12 : memref<!tpu.dma_semaphore, #tpu.memory_space<semaphore_mem>>) src(%dma_wait3A_215 : memref<4096xf32, #tpu.memory_space<vmem>>) dst(%dma_wait3A_212 : memref<4096xf32, #tpu.memory_space<hbm>>)
      } else {
      }
      %broadcast_in_dim3A = vector.broadcast %add3A_119 : i32 to vector<16xi32>
      %gather3A = tpu.vector_load_idx %arg7[%broadcast_in_dim3A] : memref<128xf32, #tpu.memory_space<vmem>>[vector<16xi32>], vector<16xf32>,
      %parallel_loop3A = arith.constant 0 : i32
      %parallel_loop3A_136 = arith.constant 32 : i32
      %parallel_loop3A_137 = arith.constant 1 : i32
      scf.for %parallel_loop3A_201 = %parallel_loop3A to %parallel_loop3A_136 step %parallel_loop3A_137  : i32 {
        %parallel_loop3A_202 = arith.constant 128 : i32
        %parallel_loop3A_203 = arith.muli %parallel_loop3A_201, %parallel_loop3A_202 : i32
        %parallel_loop3A_204 = arith.constant 16 : i32
        %parallel_loop3A_205 = arith.muli %parallel_loop3A_201, %parallel_loop3A_204 : i32
        %parallel_loop3A_206 = arith.constant 0 : i32
        %parallel_loop3A_207 = arith.addi %parallel_loop3A_206, %parallel_loop3A_205 : i32
        %parallel_loop3A_208 = arith.constant 0 : i32
        %parallel_loop3A_209 = arith.index_cast %parallel_loop3A_208 : i32 to index
        %parallel_loop3A_210 = arith.index_cast %parallel_loop3A_207 : i32 to index
        %parallel_loop3A_211 = tpu.vector_load %arg8[%parallel_loop3A_209, %parallel_loop3A_210] {strides = array<i32>} : memref<2x4096xi32, #tpu.memory_space<vmem>>, vector<16xi32>,
        %parallel_loop3A_212 = arith.constant 16 : i32
        %parallel_loop3A_213 = arith.muli %parallel_loop3A_201, %parallel_loop3A_212 : i32
        %parallel_loop3A_214 = arith.constant 512 : i32
        %parallel_loop3A_215 = arith.addi %parallel_loop3A_214, %parallel_loop3A_213 : i32
        %parallel_loop3A_216 = arith.constant 0 : i32
        %parallel_loop3A_217 = arith.index_cast %parallel_loop3A_216 : i32 to index
        %parallel_loop3A_218 = arith.index_cast %parallel_loop3A_215 : i32 to index
        %parallel_loop3A_219 = tpu.vector_load %arg8[%parallel_loop3A_217, %parallel_loop3A_218] {strides = array<i32>} : memref<2x4096xi32, #tpu.memory_space<vmem>>, vector<16xi32>,
        %parallel_loop3A_220 = arith.constant 16 : i32
        %parallel_loop3A_221 = arith.muli %parallel_loop3A_201, %parallel_loop3A_220 : i32
        %parallel_loop3A_222 = arith.constant 1024 : i32
        %parallel_loop3A_223 = arith.addi %parallel_loop3A_222, %parallel_loop3A_221 : i32
        %parallel_loop3A_224 = arith.constant 0 : i32
        %parallel_loop3A_225 = arith.index_cast %parallel_loop3A_224 : i32 to index
        %parallel_loop3A_226 = arith.index_cast %parallel_loop3A_223 : i32 to index
        %parallel_loop3A_227 = tpu.vector_load %arg8[%parallel_loop3A_225, %parallel_loop3A_226] {strides = array<i32>} : memref<2x4096xi32, #tpu.memory_space<vmem>>, vector<16xi32>,
        %parallel_loop3A_228 = arith.constant 16 : i32
        %parallel_loop3A_229 = arith.muli %parallel_loop3A_201, %parallel_loop3A_228 : i32
        %parallel_loop3A_230 = arith.constant 1536 : i32
        %parallel_loop3A_231 = arith.addi %parallel_loop3A_230, %parallel_loop3A_229 : i32
        %parallel_loop3A_232 = arith.constant 0 : i32
        %parallel_loop3A_233 = arith.index_cast %parallel_loop3A_232 : i32 to index
        %parallel_loop3A_234 = arith.index_cast %parallel_loop3A_231 : i32 to index
        %parallel_loop3A_235 = tpu.vector_load %arg8[%parallel_loop3A_233, %parallel_loop3A_234] {strides = array<i32>} : memref<2x4096xi32, #tpu.memory_space<vmem>>, vector<16xi32>,
        %parallel_loop3A_236 = arith.constant 16 : i32
        %parallel_loop3A_237 = arith.muli %parallel_loop3A_201, %parallel_loop3A_236 : i32
        %parallel_loop3A_238 = arith.constant 2048 : i32
        %parallel_loop3A_239 = arith.addi %parallel_loop3A_238, %parallel_loop3A_237 : i32
        %parallel_loop3A_240 = arith.constant 0 : i32
        %parallel_loop3A_241 = arith.index_cast %parallel_loop3A_240 : i32 to index
        %parallel_loop3A_242 = arith.index_cast %parallel_loop3A_239 : i32 to index
        %parallel_loop3A_243 = tpu.vector_load %arg8[%parallel_loop3A_241, %parallel_loop3A_242] {strides = array<i32>} : memref<2x4096xi32, #tpu.memory_space<vmem>>, vector<16xi32>,
        %parallel_loop3A_244 = arith.constant 16 : i32
        %parallel_loop3A_245 = arith.muli %parallel_loop3A_201, %parallel_loop3A_244 : i32
        %parallel_loop3A_246 = arith.constant 2560 : i32
        %parallel_loop3A_247 = arith.addi %parallel_loop3A_246, %parallel_loop3A_245 : i32
        %parallel_loop3A_248 = arith.constant 0 : i32
        %parallel_loop3A_249 = arith.index_cast %parallel_loop3A_248 : i32 to index
        %parallel_loop3A_250 = arith.index_cast %parallel_loop3A_247 : i32 to index
        %parallel_loop3A_251 = tpu.vector_load %arg8[%parallel_loop3A_249, %parallel_loop3A_250] {strides = array<i32>} : memref<2x4096xi32, #tpu.memory_space<vmem>>, vector<16xi32>,
        %parallel_loop3A_252 = arith.constant 16 : i32
        %parallel_loop3A_253 = arith.muli %parallel_loop3A_201, %parallel_loop3A_252 : i32
        %parallel_loop3A_254 = arith.constant 3072 : i32
        %parallel_loop3A_255 = arith.addi %parallel_loop3A_254, %parallel_loop3A_253 : i32
        %parallel_loop3A_256 = arith.constant 0 : i32
        %parallel_loop3A_257 = arith.index_cast %parallel_loop3A_256 : i32 to index
        %parallel_loop3A_258 = arith.index_cast %parallel_loop3A_255 : i32 to index
        %parallel_loop3A_259 = tpu.vector_load %arg8[%parallel_loop3A_257, %parallel_loop3A_258] {strides = array<i32>} : memref<2x4096xi32, #tpu.memory_space<vmem>>, vector<16xi32>,
        %parallel_loop3A_260 = arith.constant 16 : i32
        %parallel_loop3A_261 = arith.muli %parallel_loop3A_201, %parallel_loop3A_260 : i32
        %parallel_loop3A_262 = arith.constant 3584 : i32
        %parallel_loop3A_263 = arith.addi %parallel_loop3A_262, %parallel_loop3A_261 : i32
        %parallel_loop3A_264 = arith.constant 0 : i32
        %parallel_loop3A_265 = arith.index_cast %parallel_loop3A_264 : i32 to index
        %parallel_loop3A_266 = arith.index_cast %parallel_loop3A_263 : i32 to index
        %parallel_loop3A_267 = tpu.vector_load %arg8[%parallel_loop3A_265, %parallel_loop3A_266] {strides = array<i32>} : memref<2x4096xi32, #tpu.memory_space<vmem>>, vector<16xi32>,
        %parallel_loop3A_268 = arith.constant 0.000000e+00 : f32
        %parallel_loop3A_269 = vector.broadcast %parallel_loop3A_268 : f32 to vector<16xf32>
        %parallel_loop3A_270 = arith.constant 0.000000e+00 : f32
        %parallel_loop3A_271 = vector.broadcast %parallel_loop3A_270 : f32 to vector<16xf32>
        %parallel_loop3A_272 = arith.constant 0 : i32
        %parallel_loop3A_273 = tpu.memref_slice %arg6[%parallel_loop3A_272] : memref<8192xi32, #tpu.memory_space<vmem>> -> memref<256xi32, #tpu.memory_space<vmem>>
        %parallel_loop3A_274 = tpu.vector_load_idx %parallel_loop3A_273[%parallel_loop3A_211] : memref<256xi32, #tpu.memory_space<vmem>>[vector<16xi32>], vector<16xi32>,
        %parallel_loop3A_275 = arith.constant 16 : i32
        %parallel_loop3A_276 = vector.broadcast %parallel_loop3A_275 : i32 to vector<16xi32>
        %parallel_loop3A_277 = arith.shli %parallel_loop3A_274, %parallel_loop3A_276 : vector<16xi32>
        %parallel_loop3A_278 = vector.bitcast %parallel_loop3A_277 : vector<16xi32> to vector<16xf32>
        %parallel_loop3A_279 = arith.addf %parallel_loop3A_269, %parallel_loop3A_278 : vector<16xf32>
        %parallel_loop3A_280 = vector.bitcast %parallel_loop3A_274 : vector<16xi32> to vector<16xf32>
        %parallel_loop3A_281 = arith.addf %parallel_loop3A_271, %parallel_loop3A_280 : vector<16xf32>
        %parallel_loop3A_282 = arith.constant 256 : i32
        %parallel_loop3A_283 = tpu.memref_slice %arg6[%parallel_loop3A_282] : memref<8192xi32, #tpu.memory_space<vmem>> -> memref<256xi32, #tpu.memory_space<vmem>>
        %parallel_loop3A_284 = tpu.vector_load_idx %parallel_loop3A_283[%parallel_loop3A_219] : memref<256xi32, #tpu.memory_space<vmem>>[vector<16xi32>], vector<16xi32>,
        %parallel_loop3A_285 = arith.constant 16 : i32
        %parallel_loop3A_286 = vector.broadcast %parallel_loop3A_285 : i32 to vector<16xi32>
        %parallel_loop3A_287 = arith.shli %parallel_loop3A_284, %parallel_loop3A_286 : vector<16xi32>
        %parallel_loop3A_288 = vector.bitcast %parallel_loop3A_287 : vector<16xi32> to vector<16xf32>
        %parallel_loop3A_289 = arith.addf %parallel_loop3A_279, %parallel_loop3A_288 : vector<16xf32>
        %parallel_loop3A_290 = vector.bitcast %parallel_loop3A_284 : vector<16xi32> to vector<16xf32>
        %parallel_loop3A_291 = arith.addf %parallel_loop3A_281, %parallel_loop3A_290 : vector<16xf32>
        %parallel_loop3A_292 = arith.constant 512 : i32
        %parallel_loop3A_293 = tpu.memref_slice %arg6[%parallel_loop3A_292] : memref<8192xi32, #tpu.memory_space<vmem>> -> memref<256xi32, #tpu.memory_space<vmem>>
        %parallel_loop3A_294 = tpu.vector_load_idx %parallel_loop3A_293[%parallel_loop3A_227] : memref<256xi32, #tpu.memory_space<vmem>>[vector<16xi32>], vector<16xi32>,
        %parallel_loop3A_295 = arith.constant 16 : i32
        %parallel_loop3A_296 = vector.broadcast %parallel_loop3A_295 : i32 to vector<16xi32>
        %parallel_loop3A_297 = arith.shli %parallel_loop3A_294, %parallel_loop3A_296 : vector<16xi32>
        %parallel_loop3A_298 = vector.bitcast %parallel_loop3A_297 : vector<16xi32> to vector<16xf32>
        %parallel_loop3A_299 = arith.addf %parallel_loop3A_289, %parallel_loop3A_298 : vector<16xf32>
        %parallel_loop3A_300 = vector.bitcast %parallel_loop3A_294 : vector<16xi32> to vector<16xf32>
        %parallel_loop3A_301 = arith.addf %parallel_loop3A_291, %parallel_loop3A_300 : vector<16xf32>
        %parallel_loop3A_302 = arith.constant 768 : i32
        %parallel_loop3A_303 = tpu.memref_slice %arg6[%parallel_loop3A_302] : memref<8192xi32, #tpu.memory_space<vmem>> -> memref<256xi32, #tpu.memory_space<vmem>>
        %parallel_loop3A_304 = tpu.vector_load_idx %parallel_loop3A_303[%parallel_loop3A_235] : memref<256xi32, #tpu.memory_space<vmem>>[vector<16xi32>], vector<16xi32>,
        %parallel_loop3A_305 = arith.constant 16 : i32
        %parallel_loop3A_306 = vector.broadcast %parallel_loop3A_305 : i32 to vector<16xi32>
        %parallel_loop3A_307 = arith.shli %parallel_loop3A_304, %parallel_loop3A_306 : vector<16xi32>
        %parallel_loop3A_308 = vector.bitcast %parallel_loop3A_307 : vector<16xi32> to vector<16xf32>
        %parallel_loop3A_309 = arith.addf %parallel_loop3A_299, %parallel_loop3A_308 : vector<16xf32>
        %parallel_loop3A_310 = vector.bitcast %parallel_loop3A_304 : vector<16xi32> to vector<16xf32>
        %parallel_loop3A_311 = arith.addf %parallel_loop3A_301, %parallel_loop3A_310 : vector<16xf32>
        %parallel_loop3A_312 = arith.constant 1024 : i32
        %parallel_loop3A_313 = tpu.memref_slice %arg6[%parallel_loop3A_312] : memref<8192xi32, #tpu.memory_space<vmem>> -> memref<256xi32, #tpu.memory_space<vmem>>
        %parallel_loop3A_314 = tpu.vector_load_idx %parallel_loop3A_313[%parallel_loop3A_243] : memref<256xi32, #tpu.memory_space<vmem>>[vector<16xi32>], vector<16xi32>,
        %parallel_loop3A_315 = arith.constant 16 : i32
        %parallel_loop3A_316 = vector.broadcast %parallel_loop3A_315 : i32 to vector<16xi32>
        %parallel_loop3A_317 = arith.shli %parallel_loop3A_314, %parallel_loop3A_316 : vector<16xi32>
        %parallel_loop3A_318 = vector.bitcast %parallel_loop3A_317 : vector<16xi32> to vector<16xf32>
        %parallel_loop3A_319 = arith.addf %parallel_loop3A_309, %parallel_loop3A_318 : vector<16xf32>
        %parallel_loop3A_320 = vector.bitcast %parallel_loop3A_314 : vector<16xi32> to vector<16xf32>
        %parallel_loop3A_321 = arith.addf %parallel_loop3A_311, %parallel_loop3A_320 : vector<16xf32>
        %parallel_loop3A_322 = arith.constant 1280 : i32
        %parallel_loop3A_323 = tpu.memref_slice %arg6[%parallel_loop3A_322] : memref<8192xi32, #tpu.memory_space<vmem>> -> memref<256xi32, #tpu.memory_space<vmem>>
        %parallel_loop3A_324 = tpu.vector_load_idx %parallel_loop3A_323[%parallel_loop3A_251] : memref<256xi32, #tpu.memory_space<vmem>>[vector<16xi32>], vector<16xi32>,
        %parallel_loop3A_325 = arith.constant 16 : i32
        %parallel_loop3A_326 = vector.broadcast %parallel_loop3A_325 : i32 to vector<16xi32>
        %parallel_loop3A_327 = arith.shli %parallel_loop3A_324, %parallel_loop3A_326 : vector<16xi32>
        %parallel_loop3A_328 = vector.bitcast %parallel_loop3A_327 : vector<16xi32> to vector<16xf32>
        %parallel_loop3A_329 = arith.addf %parallel_loop3A_319, %parallel_loop3A_328 : vector<16xf32>
        %parallel_loop3A_330 = vector.bitcast %parallel_loop3A_324 : vector<16xi32> to vector<16xf32>
        %parallel_loop3A_331 = arith.addf %parallel_loop3A_321, %parallel_loop3A_330 : vector<16xf32>
        %parallel_loop3A_332 = arith.constant 1536 : i32
        %parallel_loop3A_333 = tpu.memref_slice %arg6[%parallel_loop3A_332] : memref<8192xi32, #tpu.memory_space<vmem>> -> memref<256xi32, #tpu.memory_space<vmem>>
        %parallel_loop3A_334 = tpu.vector_load_idx %parallel_loop3A_333[%parallel_loop3A_259] : memref<256xi32, #tpu.memory_space<vmem>>[vector<16xi32>], vector<16xi32>,
        %parallel_loop3A_335 = arith.constant 16 : i32
        %parallel_loop3A_336 = vector.broadcast %parallel_loop3A_335 : i32 to vector<16xi32>
        %parallel_loop3A_337 = arith.shli %parallel_loop3A_334, %parallel_loop3A_336 : vector<16xi32>
        %parallel_loop3A_338 = vector.bitcast %parallel_loop3A_337 : vector<16xi32> to vector<16xf32>
        %parallel_loop3A_339 = arith.addf %parallel_loop3A_329, %parallel_loop3A_338 : vector<16xf32>
        %parallel_loop3A_340 = vector.bitcast %parallel_loop3A_334 : vector<16xi32> to vector<16xf32>
        %parallel_loop3A_341 = arith.addf %parallel_loop3A_331, %parallel_loop3A_340 : vector<16xf32>
        %parallel_loop3A_342 = arith.constant 1792 : i32
        %parallel_loop3A_343 = tpu.memref_slice %arg6[%parallel_loop3A_342] : memref<8192xi32, #tpu.memory_space<vmem>> -> memref<256xi32, #tpu.memory_space<vmem>>
        %parallel_loop3A_344 = tpu.vector_load_idx %parallel_loop3A_343[%parallel_loop3A_267] : memref<256xi32, #tpu.memory_space<vmem>>[vector<16xi32>], vector<16xi32>,
        %parallel_loop3A_345 = arith.constant 16 : i32
        %parallel_loop3A_346 = vector.broadcast %parallel_loop3A_345 : i32 to vector<16xi32>
        %parallel_loop3A_347 = arith.shli %parallel_loop3A_344, %parallel_loop3A_346 : vector<16xi32>
        %parallel_loop3A_348 = vector.bitcast %parallel_loop3A_347 : vector<16xi32> to vector<16xf32>
        %parallel_loop3A_349 = arith.addf %parallel_loop3A_339, %parallel_loop3A_348 : vector<16xf32>
        %parallel_loop3A_350 = vector.bitcast %parallel_loop3A_344 : vector<16xi32> to vector<16xf32>
        %parallel_loop3A_351 = arith.addf %parallel_loop3A_341, %parallel_loop3A_350 : vector<16xf32>
        %parallel_loop3A_352 = arith.mulf %parallel_loop3A_349, %gather3A : vector<16xf32>
        %parallel_loop3A_353 = arith.constant 0 : i32
        %parallel_loop3A_354 = arith.constant 0 : i32
        %parallel_loop3A_355 = tpu.memref_slice %arg9[%parallel_loop3A_353, %parallel_loop3A_354] : memref<2x4096xf32, #tpu.memory_space<vmem>> -> memref<1x4096xf32, #tpu.memory_space<vmem>>
        %parallel_loop3A_356 = tpu.memref_squeeze %parallel_loop3A_355 : memref<1x4096xf32, #tpu.memory_space<vmem>> -> memref<4096xf32, #tpu.memory_space<vmem>>
        %parallel_loop3A_357 = tpu.memref_slice %parallel_loop3A_356[%parallel_loop3A_203] : memref<4096xf32, #tpu.memory_space<vmem>> -> memref<128xf32, #tpu.memory_space<vmem>>
        tpu.vector_store_idx %parallel_loop3A_357[%add3A_8], %parallel_loop3A_352 : memref<128xf32, #tpu.memory_space<vmem>>[vector<16xi32>], vector<16xf32>,
        %parallel_loop3A_358 = arith.mulf %parallel_loop3A_351, %gather3A : vector<16xf32>
        %parallel_loop3A_359 = arith.constant 0 : i32
        %parallel_loop3A_360 = arith.constant 0 : i32
        %parallel_loop3A_361 = tpu.memref_slice %arg9[%parallel_loop3A_359, %parallel_loop3A_360] : memref<2x4096xf32, #tpu.memory_space<vmem>> -> memref<1x4096xf32, #tpu.memory_space<vmem>>
        %parallel_loop3A_362 = tpu.memref_squeeze %parallel_loop3A_361 : memref<1x4096xf32, #tpu.memory_space<vmem>> -> memref<4096xf32, #tpu.memory_space<vmem>>
        %parallel_loop3A_363 = tpu.memref_slice %parallel_loop3A_362[%parallel_loop3A_203] : memref<4096xf32, #tpu.memory_space<vmem>> -> memref<128xf32, #tpu.memory_space<vmem>>
        tpu.vector_store_idx %parallel_loop3A_363[%add3A_14], %parallel_loop3A_358 : memref<128xf32, #tpu.memory_space<vmem>>[vector<16xi32>], vector<16xf32>,
        %parallel_loop3A_364 = arith.constant 0.000000e+00 : f32
        %parallel_loop3A_365 = vector.broadcast %parallel_loop3A_364 : f32 to vector<16xf32>
        %parallel_loop3A_366 = arith.constant 0.000000e+00 : f32
        %parallel_loop3A_367 = vector.broadcast %parallel_loop3A_366 : f32 to vector<16xf32>
        %parallel_loop3A_368 = arith.constant 2048 : i32
        %parallel_loop3A_369 = tpu.memref_slice %arg6[%parallel_loop3A_368] : memref<8192xi32, #tpu.memory_space<vmem>> -> memref<256xi32, #tpu.memory_space<vmem>>
        %parallel_loop3A_370 = tpu.vector_load_idx %parallel_loop3A_369[%parallel_loop3A_211] : memref<256xi32, #tpu.memory_space<vmem>>[vector<16xi32>], vector<16xi32>,
        %parallel_loop3A_371 = arith.constant 16 : i32
        %parallel_loop3A_372 = vector.broadcast %parallel_loop3A_371 : i32 to vector<16xi32>
        %parallel_loop3A_373 = arith.shli %parallel_loop3A_370, %parallel_loop3A_372 : vector<16xi32>
        %parallel_loop3A_374 = vector.bitcast %parallel_loop3A_373 : vector<16xi32> to vector<16xf32>
        %parallel_loop3A_375 = arith.addf %parallel_loop3A_365, %parallel_loop3A_374 : vector<16xf32>
        %parallel_loop3A_376 = vector.bitcast %parallel_loop3A_370 : vector<16xi32> to vector<16xf32>
        %parallel_loop3A_377 = arith.addf %parallel_loop3A_367, %parallel_loop3A_376 : vector<16xf32>
        %parallel_loop3A_378 = arith.constant 2304 : i32
        %parallel_loop3A_379 = tpu.memref_slice %arg6[%parallel_loop3A_378] : memref<8192xi32, #tpu.memory_space<vmem>> -> memref<256xi32, #tpu.memory_space<vmem>>
        %parallel_loop3A_380 = tpu.vector_load_idx %parallel_loop3A_379[%parallel_loop3A_219] : memref<256xi32, #tpu.memory_space<vmem>>[vector<16xi32>], vector<16xi32>,
        %parallel_loop3A_381 = arith.constant 16 : i32
        %parallel_loop3A_382 = vector.broadcast %parallel_loop3A_381 : i32 to vector<16xi32>
        %parallel_loop3A_383 = arith.shli %parallel_loop3A_380, %parallel_loop3A_382 : vector<16xi32>
        %parallel_loop3A_384 = vector.bitcast %parallel_loop3A_383 : vector<16xi32> to vector<16xf32>
        %parallel_loop3A_385 = arith.addf %parallel_loop3A_375, %parallel_loop3A_384 : vector<16xf32>
        %parallel_loop3A_386 = vector.bitcast %parallel_loop3A_380 : vector<16xi32> to vector<16xf32>
        %parallel_loop3A_387 = arith.addf %parallel_loop3A_377, %parallel_loop3A_386 : vector<16xf32>
        %parallel_loop3A_388 = arith.constant 2560 : i32
        %parallel_loop3A_389 = tpu.memref_slice %arg6[%parallel_loop3A_388] : memref<8192xi32, #tpu.memory_space<vmem>> -> memref<256xi32, #tpu.memory_space<vmem>>
        %parallel_loop3A_390 = tpu.vector_load_idx %parallel_loop3A_389[%parallel_loop3A_227] : memref<256xi32, #tpu.memory_space<vmem>>[vector<16xi32>], vector<16xi32>,
        %parallel_loop3A_391 = arith.constant 16 : i32
        %parallel_loop3A_392 = vector.broadcast %parallel_loop3A_391 : i32 to vector<16xi32>
        %parallel_loop3A_393 = arith.shli %parallel_loop3A_390, %parallel_loop3A_392 : vector<16xi32>
        %parallel_loop3A_394 = vector.bitcast %parallel_loop3A_393 : vector<16xi32> to vector<16xf32>
        %parallel_loop3A_395 = arith.addf %parallel_loop3A_385, %parallel_loop3A_394 : vector<16xf32>
        %parallel_loop3A_396 = vector.bitcast %parallel_loop3A_390 : vector<16xi32> to vector<16xf32>
        %parallel_loop3A_397 = arith.addf %parallel_loop3A_387, %parallel_loop3A_396 : vector<16xf32>
        %parallel_loop3A_398 = arith.constant 2816 : i32
        %parallel_loop3A_399 = tpu.memref_slice %arg6[%parallel_loop3A_398] : memref<8192xi32, #tpu.memory_space<vmem>> -> memref<256xi32, #tpu.memory_space<vmem>>
        %parallel_loop3A_400 = tpu.vector_load_idx %parallel_loop3A_399[%parallel_loop3A_235] : memref<256xi32, #tpu.memory_space<vmem>>[vector<16xi32>], vector<16xi32>,
        %parallel_loop3A_401 = arith.constant 16 : i32
        %parallel_loop3A_402 = vector.broadcast %parallel_loop3A_401 : i32 to vector<16xi32>
        %parallel_loop3A_403 = arith.shli %parallel_loop3A_400, %parallel_loop3A_402 : vector<16xi32>
        %parallel_loop3A_404 = vector.bitcast %parallel_loop3A_403 : vector<16xi32> to vector<16xf32>
        %parallel_loop3A_405 = arith.addf %parallel_loop3A_395, %parallel_loop3A_404 : vector<16xf32>
        %parallel_loop3A_406 = vector.bitcast %parallel_loop3A_400 : vector<16xi32> to vector<16xf32>
        %parallel_loop3A_407 = arith.addf %parallel_loop3A_397, %parallel_loop3A_406 : vector<16xf32>
        %parallel_loop3A_408 = arith.constant 3072 : i32
        %parallel_loop3A_409 = tpu.memref_slice %arg6[%parallel_loop3A_408] : memref<8192xi32, #tpu.memory_space<vmem>> -> memref<256xi32, #tpu.memory_space<vmem>>
        %parallel_loop3A_410 = tpu.vector_load_idx %parallel_loop3A_409[%parallel_loop3A_243] : memref<256xi32, #tpu.memory_space<vmem>>[vector<16xi32>], vector<16xi32>,
        %parallel_loop3A_411 = arith.constant 16 : i32
        %parallel_loop3A_412 = vector.broadcast %parallel_loop3A_411 : i32 to vector<16xi32>
        %parallel_loop3A_413 = arith.shli %parallel_loop3A_410, %parallel_loop3A_412 : vector<16xi32>
        %parallel_loop3A_414 = vector.bitcast %parallel_loop3A_413 : vector<16xi32> to vector<16xf32>
        %parallel_loop3A_415 = arith.addf %parallel_loop3A_405, %parallel_loop3A_414 : vector<16xf32>
        %parallel_loop3A_416 = vector.bitcast %parallel_loop3A_410 : vector<16xi32> to vector<16xf32>
        %parallel_loop3A_417 = arith.addf %parallel_loop3A_407, %parallel_loop3A_416 : vector<16xf32>
        %parallel_loop3A_418 = arith.constant 3328 : i32
        %parallel_loop3A_419 = tpu.memref_slice %arg6[%parallel_loop3A_418] : memref<8192xi32, #tpu.memory_space<vmem>> -> memref<256xi32, #tpu.memory_space<vmem>>
        %parallel_loop3A_420 = tpu.vector_load_idx %parallel_loop3A_419[%parallel_loop3A_251] : memref<256xi32, #tpu.memory_space<vmem>>[vector<16xi32>], vector<16xi32>,
        %parallel_loop3A_421 = arith.constant 16 : i32
        %parallel_loop3A_422 = vector.broadcast %parallel_loop3A_421 : i32 to vector<16xi32>
        %parallel_loop3A_423 = arith.shli %parallel_loop3A_420, %parallel_loop3A_422 : vector<16xi32>
        %parallel_loop3A_424 = vector.bitcast %parallel_loop3A_423 : vector<16xi32> to vector<16xf32>
        %parallel_loop3A_425 = arith.addf %parallel_loop3A_415, %parallel_loop3A_424 : vector<16xf32>
        %parallel_loop3A_426 = vector.bitcast %parallel_loop3A_420 : vector<16xi32> to vector<16xf32>
        %parallel_loop3A_427 = arith.addf %parallel_loop3A_417, %parallel_loop3A_426 : vector<16xf32>
        %parallel_loop3A_428 = arith.constant 3584 : i32
        %parallel_loop3A_429 = tpu.memref_slice %arg6[%parallel_loop3A_428] : memref<8192xi32, #tpu.memory_space<vmem>> -> memref<256xi32, #tpu.memory_space<vmem>>
        %parallel_loop3A_430 = tpu.vector_load_idx %parallel_loop3A_429[%parallel_loop3A_259] : memref<256xi32, #tpu.memory_space<vmem>>[vector<16xi32>], vector<16xi32>,
        %parallel_loop3A_431 = arith.constant 16 : i32
        %parallel_loop3A_432 = vector.broadcast %parallel_loop3A_431 : i32 to vector<16xi32>
        %parallel_loop3A_433 = arith.shli %parallel_loop3A_430, %parallel_loop3A_432 : vector<16xi32>
        %parallel_loop3A_434 = vector.bitcast %parallel_loop3A_433 : vector<16xi32> to vector<16xf32>
        %parallel_loop3A_435 = arith.addf %parallel_loop3A_425, %parallel_loop3A_434 : vector<16xf32>
        %parallel_loop3A_436 = vector.bitcast %parallel_loop3A_430 : vector<16xi32> to vector<16xf32>
        %parallel_loop3A_437 = arith.addf %parallel_loop3A_427, %parallel_loop3A_436 : vector<16xf32>
        %parallel_loop3A_438 = arith.constant 3840 : i32
        %parallel_loop3A_439 = tpu.memref_slice %arg6[%parallel_loop3A_438] : memref<8192xi32, #tpu.memory_space<vmem>> -> memref<256xi32, #tpu.memory_space<vmem>>
        %parallel_loop3A_440 = tpu.vector_load_idx %parallel_loop3A_439[%parallel_loop3A_267] : memref<256xi32, #tpu.memory_space<vmem>>[vector<16xi32>], vector<16xi32>,
        %parallel_loop3A_441 = arith.constant 16 : i32
        %parallel_loop3A_442 = vector.broadcast %parallel_loop3A_441 : i32 to vector<16xi32>
        %parallel_loop3A_443 = arith.shli %parallel_loop3A_440, %parallel_loop3A_442 : vector<16xi32>
        %parallel_loop3A_444 = vector.bitcast %parallel_loop3A_443 : vector<16xi32> to vector<16xf32>
        %parallel_loop3A_445 = arith.addf %parallel_loop3A_435, %parallel_loop3A_444 : vector<16xf32>
        %parallel_loop3A_446 = vector.bitcast %parallel_loop3A_440 : vector<16xi32> to vector<16xf32>
        %parallel_loop3A_447 = arith.addf %parallel_loop3A_437, %parallel_loop3A_446 : vector<16xf32>
        %parallel_loop3A_448 = arith.mulf %parallel_loop3A_445, %gather3A : vector<16xf32>
        %parallel_loop3A_449 = arith.constant 0 : i32
        %parallel_loop3A_450 = arith.constant 0 : i32
        %parallel_loop3A_451 = tpu.memref_slice %arg9[%parallel_loop3A_449, %parallel_loop3A_450] : memref<2x4096xf32, #tpu.memory_space<vmem>> -> memref<1x4096xf32, #tpu.memory_space<vmem>>
        %parallel_loop3A_452 = tpu.memref_squeeze %parallel_loop3A_451 : memref<1x4096xf32, #tpu.memory_space<vmem>> -> memref<4096xf32, #tpu.memory_space<vmem>>
        %parallel_loop3A_453 = tpu.memref_slice %parallel_loop3A_452[%parallel_loop3A_203] : memref<4096xf32, #tpu.memory_space<vmem>> -> memref<128xf32, #tpu.memory_space<vmem>>
        tpu.vector_store_idx %parallel_loop3A_453[%add3A_20], %parallel_loop3A_448 : memref<128xf32, #tpu.memory_space<vmem>>[vector<16xi32>], vector<16xf32>,
        %parallel_loop3A_454 = arith.mulf %parallel_loop3A_447, %gather3A : vector<16xf32>
        %parallel_loop3A_455 = arith.constant 0 : i32
        %parallel_loop3A_456 = arith.constant 0 : i32
        %parallel_loop3A_457 = tpu.memref_slice %arg9[%parallel_loop3A_455, %parallel_loop3A_456] : memref<2x4096xf32, #tpu.memory_space<vmem>> -> memref<1x4096xf32, #tpu.memory_space<vmem>>
        %parallel_loop3A_458 = tpu.memref_squeeze %parallel_loop3A_457 : memref<1x4096xf32, #tpu.memory_space<vmem>> -> memref<4096xf32, #tpu.memory_space<vmem>>
        %parallel_loop3A_459 = tpu.memref_slice %parallel_loop3A_458[%parallel_loop3A_203] : memref<4096xf32, #tpu.memory_space<vmem>> -> memref<128xf32, #tpu.memory_space<vmem>>
        tpu.vector_store_idx %parallel_loop3A_459[%add3A_26], %parallel_loop3A_454 : memref<128xf32, #tpu.memory_space<vmem>>[vector<16xi32>], vector<16xf32>,
        %parallel_loop3A_460 = arith.constant 0.000000e+00 : f32
        %parallel_loop3A_461 = vector.broadcast %parallel_loop3A_460 : f32 to vector<16xf32>
        %parallel_loop3A_462 = arith.constant 0.000000e+00 : f32
        %parallel_loop3A_463 = vector.broadcast %parallel_loop3A_462 : f32 to vector<16xf32>
        %parallel_loop3A_464 = arith.constant 4096 : i32
        %parallel_loop3A_465 = tpu.memref_slice %arg6[%parallel_loop3A_464] : memref<8192xi32, #tpu.memory_space<vmem>> -> memref<256xi32, #tpu.memory_space<vmem>>
        %parallel_loop3A_466 = tpu.vector_load_idx %parallel_loop3A_465[%parallel_loop3A_211] : memref<256xi32, #tpu.memory_space<vmem>>[vector<16xi32>], vector<16xi32>,
        %parallel_loop3A_467 = arith.constant 16 : i32
        %parallel_loop3A_468 = vector.broadcast %parallel_loop3A_467 : i32 to vector<16xi32>
        %parallel_loop3A_469 = arith.shli %parallel_loop3A_466, %parallel_loop3A_468 : vector<16xi32>
        %parallel_loop3A_470 = vector.bitcast %parallel_loop3A_469 : vector<16xi32> to vector<16xf32>
        %parallel_loop3A_471 = arith.addf %parallel_loop3A_461, %parallel_loop3A_470 : vector<16xf32>
        %parallel_loop3A_472 = vector.bitcast %parallel_loop3A_466 : vector<16xi32> to vector<16xf32>
        %parallel_loop3A_473 = arith.addf %parallel_loop3A_463, %parallel_loop3A_472 : vector<16xf32>
        %parallel_loop3A_474 = arith.constant 4352 : i32
        %parallel_loop3A_475 = tpu.memref_slice %arg6[%parallel_loop3A_474] : memref<8192xi32, #tpu.memory_space<vmem>> -> memref<256xi32, #tpu.memory_space<vmem>>
        %parallel_loop3A_476 = tpu.vector_load_idx %parallel_loop3A_475[%parallel_loop3A_219] : memref<256xi32, #tpu.memory_space<vmem>>[vector<16xi32>], vector<16xi32>,
        %parallel_loop3A_477 = arith.constant 16 : i32
        %parallel_loop3A_478 = vector.broadcast %parallel_loop3A_477 : i32 to vector<16xi32>
        %parallel_loop3A_479 = arith.shli %parallel_loop3A_476, %parallel_loop3A_478 : vector<16xi32>
        %parallel_loop3A_480 = vector.bitcast %parallel_loop3A_479 : vector<16xi32> to vector<16xf32>
        %parallel_loop3A_481 = arith.addf %parallel_loop3A_471, %parallel_loop3A_480 : vector<16xf32>
        %parallel_loop3A_482 = vector.bitcast %parallel_loop3A_476 : vector<16xi32> to vector<16xf32>
        %parallel_loop3A_483 = arith.addf %parallel_loop3A_473, %parallel_loop3A_482 : vector<16xf32>
        %parallel_loop3A_484 = arith.constant 4608 : i32
        %parallel_loop3A_485 = tpu.memref_slice %arg6[%parallel_loop3A_484] : memref<8192xi32, #tpu.memory_space<vmem>> -> memref<256xi32, #tpu.memory_space<vmem>>
        %parallel_loop3A_486 = tpu.vector_load_idx %parallel_loop3A_485[%parallel_loop3A_227] : memref<256xi32, #tpu.memory_space<vmem>>[vector<16xi32>], vector<16xi32>,
        %parallel_loop3A_487 = arith.constant 16 : i32
        %parallel_loop3A_488 = vector.broadcast %parallel_loop3A_487 : i32 to vector<16xi32>
        %parallel_loop3A_489 = arith.shli %parallel_loop3A_486, %parallel_loop3A_488 : vector<16xi32>
        %parallel_loop3A_490 = vector.bitcast %parallel_loop3A_489 : vector<16xi32> to vector<16xf32>
        %parallel_loop3A_491 = arith.addf %parallel_loop3A_481, %parallel_loop3A_490 : vector<16xf32>
        %parallel_loop3A_492 = vector.bitcast %parallel_loop3A_486 : vector<16xi32> to vector<16xf32>
        %parallel_loop3A_493 = arith.addf %parallel_loop3A_483, %parallel_loop3A_492 : vector<16xf32>
        %parallel_loop3A_494 = arith.constant 4864 : i32
        %parallel_loop3A_495 = tpu.memref_slice %arg6[%parallel_loop3A_494] : memref<8192xi32, #tpu.memory_space<vmem>> -> memref<256xi32, #tpu.memory_space<vmem>>
        %parallel_loop3A_496 = tpu.vector_load_idx %parallel_loop3A_495[%parallel_loop3A_235] : memref<256xi32, #tpu.memory_space<vmem>>[vector<16xi32>], vector<16xi32>,
        %parallel_loop3A_497 = arith.constant 16 : i32
        %parallel_loop3A_498 = vector.broadcast %parallel_loop3A_497 : i32 to vector<16xi32>
        %parallel_loop3A_499 = arith.shli %parallel_loop3A_496, %parallel_loop3A_498 : vector<16xi32>
        %parallel_loop3A_500 = vector.bitcast %parallel_loop3A_499 : vector<16xi32> to vector<16xf32>
        %parallel_loop3A_501 = arith.addf %parallel_loop3A_491, %parallel_loop3A_500 : vector<16xf32>
        %parallel_loop3A_502 = vector.bitcast %parallel_loop3A_496 : vector<16xi32> to vector<16xf32>
        %parallel_loop3A_503 = arith.addf %parallel_loop3A_493, %parallel_loop3A_502 : vector<16xf32>
        %parallel_loop3A_504 = arith.constant 5120 : i32
        %parallel_loop3A_505 = tpu.memref_slice %arg6[%parallel_loop3A_504] : memref<8192xi32, #tpu.memory_space<vmem>> -> memref<256xi32, #tpu.memory_space<vmem>>
        %parallel_loop3A_506 = tpu.vector_load_idx %parallel_loop3A_505[%parallel_loop3A_243] : memref<256xi32, #tpu.memory_space<vmem>>[vector<16xi32>], vector<16xi32>,
        %parallel_loop3A_507 = arith.constant 16 : i32
        %parallel_loop3A_508 = vector.broadcast %parallel_loop3A_507 : i32 to vector<16xi32>
        %parallel_loop3A_509 = arith.shli %parallel_loop3A_506, %parallel_loop3A_508 : vector<16xi32>
        %parallel_loop3A_510 = vector.bitcast %parallel_loop3A_509 : vector<16xi32> to vector<16xf32>
        %parallel_loop3A_511 = arith.addf %parallel_loop3A_501, %parallel_loop3A_510 : vector<16xf32>
        %parallel_loop3A_512 = vector.bitcast %parallel_loop3A_506 : vector<16xi32> to vector<16xf32>
        %parallel_loop3A_513 = arith.addf %parallel_loop3A_503, %parallel_loop3A_512 : vector<16xf32>
        %parallel_loop3A_514 = arith.constant 5376 : i32
        %parallel_loop3A_515 = tpu.memref_slice %arg6[%parallel_loop3A_514] : memref<8192xi32, #tpu.memory_space<vmem>> -> memref<256xi32, #tpu.memory_space<vmem>>
        %parallel_loop3A_516 = tpu.vector_load_idx %parallel_loop3A_515[%parallel_loop3A_251] : memref<256xi32, #tpu.memory_space<vmem>>[vector<16xi32>], vector<16xi32>,
        %parallel_loop3A_517 = arith.constant 16 : i32
        %parallel_loop3A_518 = vector.broadcast %parallel_loop3A_517 : i32 to vector<16xi32>
        %parallel_loop3A_519 = arith.shli %parallel_loop3A_516, %parallel_loop3A_518 : vector<16xi32>
        %parallel_loop3A_520 = vector.bitcast %parallel_loop3A_519 : vector<16xi32> to vector<16xf32>
        %parallel_loop3A_521 = arith.addf %parallel_loop3A_511, %parallel_loop3A_520 : vector<16xf32>
        %parallel_loop3A_522 = vector.bitcast %parallel_loop3A_516 : vector<16xi32> to vector<16xf32>
        %parallel_loop3A_523 = arith.addf %parallel_loop3A_513, %parallel_loop3A_522 : vector<16xf32>
        %parallel_loop3A_524 = arith.constant 5632 : i32
        %parallel_loop3A_525 = tpu.memref_slice %arg6[%parallel_loop3A_524] : memref<8192xi32, #tpu.memory_space<vmem>> -> memref<256xi32, #tpu.memory_space<vmem>>
        %parallel_loop3A_526 = tpu.vector_load_idx %parallel_loop3A_525[%parallel_loop3A_259] : memref<256xi32, #tpu.memory_space<vmem>>[vector<16xi32>], vector<16xi32>,
        %parallel_loop3A_527 = arith.constant 16 : i32
        %parallel_loop3A_528 = vector.broadcast %parallel_loop3A_527 : i32 to vector<16xi32>
        %parallel_loop3A_529 = arith.shli %parallel_loop3A_526, %parallel_loop3A_528 : vector<16xi32>
        %parallel_loop3A_530 = vector.bitcast %parallel_loop3A_529 : vector<16xi32> to vector<16xf32>
        %parallel_loop3A_531 = arith.addf %parallel_loop3A_521, %parallel_loop3A_530 : vector<16xf32>
        %parallel_loop3A_532 = vector.bitcast %parallel_loop3A_526 : vector<16xi32> to vector<16xf32>
        %parallel_loop3A_533 = arith.addf %parallel_loop3A_523, %parallel_loop3A_532 : vector<16xf32>
        %parallel_loop3A_534 = arith.constant 5888 : i32
        %parallel_loop3A_535 = tpu.memref_slice %arg6[%parallel_loop3A_534] : memref<8192xi32, #tpu.memory_space<vmem>> -> memref<256xi32, #tpu.memory_space<vmem>>
        %parallel_loop3A_536 = tpu.vector_load_idx %parallel_loop3A_535[%parallel_loop3A_267] : memref<256xi32, #tpu.memory_space<vmem>>[vector<16xi32>], vector<16xi32>,
        %parallel_loop3A_537 = arith.constant 16 : i32
        %parallel_loop3A_538 = vector.broadcast %parallel_loop3A_537 : i32 to vector<16xi32>
        %parallel_loop3A_539 = arith.shli %parallel_loop3A_536, %parallel_loop3A_538 : vector<16xi32>
        %parallel_loop3A_540 = vector.bitcast %parallel_loop3A_539 : vector<16xi32> to vector<16xf32>
        %parallel_loop3A_541 = arith.addf %parallel_loop3A_531, %parallel_loop3A_540 : vector<16xf32>
        %parallel_loop3A_542 = vector.bitcast %parallel_loop3A_536 : vector<16xi32> to vector<16xf32>
        %parallel_loop3A_543 = arith.addf %parallel_loop3A_533, %parallel_loop3A_542 : vector<16xf32>
        %parallel_loop3A_544 = arith.mulf %parallel_loop3A_541, %gather3A : vector<16xf32>
        %parallel_loop3A_545 = arith.constant 0 : i32
        %parallel_loop3A_546 = arith.constant 0 : i32
        %parallel_loop3A_547 = tpu.memref_slice %arg9[%parallel_loop3A_545, %parallel_loop3A_546] : memref<2x4096xf32, #tpu.memory_space<vmem>> -> memref<1x4096xf32, #tpu.memory_space<vmem>>
        %parallel_loop3A_548 = tpu.memref_squeeze %parallel_loop3A_547 : memref<1x4096xf32, #tpu.memory_space<vmem>> -> memref<4096xf32, #tpu.memory_space<vmem>>
        %parallel_loop3A_549 = tpu.memref_slice %parallel_loop3A_548[%parallel_loop3A_203] : memref<4096xf32, #tpu.memory_space<vmem>> -> memref<128xf32, #tpu.memory_space<vmem>>
        tpu.vector_store_idx %parallel_loop3A_549[%add3A_32], %parallel_loop3A_544 : memref<128xf32, #tpu.memory_space<vmem>>[vector<16xi32>], vector<16xf32>,
        %parallel_loop3A_550 = arith.mulf %parallel_loop3A_543, %gather3A : vector<16xf32>
        %parallel_loop3A_551 = arith.constant 0 : i32
        %parallel_loop3A_552 = arith.constant 0 : i32
        %parallel_loop3A_553 = tpu.memref_slice %arg9[%parallel_loop3A_551, %parallel_loop3A_552] : memref<2x4096xf32, #tpu.memory_space<vmem>> -> memref<1x4096xf32, #tpu.memory_space<vmem>>
        %parallel_loop3A_554 = tpu.memref_squeeze %parallel_loop3A_553 : memref<1x4096xf32, #tpu.memory_space<vmem>> -> memref<4096xf32, #tpu.memory_space<vmem>>
        %parallel_loop3A_555 = tpu.memref_slice %parallel_loop3A_554[%parallel_loop3A_203] : memref<4096xf32, #tpu.memory_space<vmem>> -> memref<128xf32, #tpu.memory_space<vmem>>
        tpu.vector_store_idx %parallel_loop3A_555[%add3A_38], %parallel_loop3A_550 : memref<128xf32, #tpu.memory_space<vmem>>[vector<16xi32>], vector<16xf32>,
        %parallel_loop3A_556 = arith.constant 0.000000e+00 : f32
        %parallel_loop3A_557 = vector.broadcast %parallel_loop3A_556 : f32 to vector<16xf32>
        %parallel_loop3A_558 = arith.constant 0.000000e+00 : f32
        %parallel_loop3A_559 = vector.broadcast %parallel_loop3A_558 : f32 to vector<16xf32>
        %parallel_loop3A_560 = arith.constant 6144 : i32
        %parallel_loop3A_561 = tpu.memref_slice %arg6[%parallel_loop3A_560] : memref<8192xi32, #tpu.memory_space<vmem>> -> memref<256xi32, #tpu.memory_space<vmem>>
        %parallel_loop3A_562 = tpu.vector_load_idx %parallel_loop3A_561[%parallel_loop3A_211] : memref<256xi32, #tpu.memory_space<vmem>>[vector<16xi32>], vector<16xi32>,
        %parallel_loop3A_563 = arith.constant 16 : i32
        %parallel_loop3A_564 = vector.broadcast %parallel_loop3A_563 : i32 to vector<16xi32>
        %parallel_loop3A_565 = arith.shli %parallel_loop3A_562, %parallel_loop3A_564 : vector<16xi32>
        %parallel_loop3A_566 = vector.bitcast %parallel_loop3A_565 : vector<16xi32> to vector<16xf32>
        %parallel_loop3A_567 = arith.addf %parallel_loop3A_557, %parallel_loop3A_566 : vector<16xf32>
        %parallel_loop3A_568 = vector.bitcast %parallel_loop3A_562 : vector<16xi32> to vector<16xf32>
        %parallel_loop3A_569 = arith.addf %parallel_loop3A_559, %parallel_loop3A_568 : vector<16xf32>
        %parallel_loop3A_570 = arith.constant 6400 : i32
        %parallel_loop3A_571 = tpu.memref_slice %arg6[%parallel_loop3A_570] : memref<8192xi32, #tpu.memory_space<vmem>> -> memref<256xi32, #tpu.memory_space<vmem>>
        %parallel_loop3A_572 = tpu.vector_load_idx %parallel_loop3A_571[%parallel_loop3A_219] : memref<256xi32, #tpu.memory_space<vmem>>[vector<16xi32>], vector<16xi32>,
        %parallel_loop3A_573 = arith.constant 16 : i32
        %parallel_loop3A_574 = vector.broadcast %parallel_loop3A_573 : i32 to vector<16xi32>
        %parallel_loop3A_575 = arith.shli %parallel_loop3A_572, %parallel_loop3A_574 : vector<16xi32>
        %parallel_loop3A_576 = vector.bitcast %parallel_loop3A_575 : vector<16xi32> to vector<16xf32>
        %parallel_loop3A_577 = arith.addf %parallel_loop3A_567, %parallel_loop3A_576 : vector<16xf32>
        %parallel_loop3A_578 = vector.bitcast %parallel_loop3A_572 : vector<16xi32> to vector<16xf32>
        %parallel_loop3A_579 = arith.addf %parallel_loop3A_569, %parallel_loop3A_578 : vector<16xf32>
        %parallel_loop3A_580 = arith.constant 6656 : i32
        %parallel_loop3A_581 = tpu.memref_slice %arg6[%parallel_loop3A_580] : memref<8192xi32, #tpu.memory_space<vmem>> -> memref<256xi32, #tpu.memory_space<vmem>>
        %parallel_loop3A_582 = tpu.vector_load_idx %parallel_loop3A_581[%parallel_loop3A_227] : memref<256xi32, #tpu.memory_space<vmem>>[vector<16xi32>], vector<16xi32>,
        %parallel_loop3A_583 = arith.constant 16 : i32
        %parallel_loop3A_584 = vector.broadcast %parallel_loop3A_583 : i32 to vector<16xi32>
        %parallel_loop3A_585 = arith.shli %parallel_loop3A_582, %parallel_loop3A_584 : vector<16xi32>
        %parallel_loop3A_586 = vector.bitcast %parallel_loop3A_585 : vector<16xi32> to vector<16xf32>
        %parallel_loop3A_587 = arith.addf %parallel_loop3A_577, %parallel_loop3A_586 : vector<16xf32>
        %parallel_loop3A_588 = vector.bitcast %parallel_loop3A_582 : vector<16xi32> to vector<16xf32>
        %parallel_loop3A_589 = arith.addf %parallel_loop3A_579, %parallel_loop3A_588 : vector<16xf32>
        %parallel_loop3A_590 = arith.constant 6912 : i32
        %parallel_loop3A_591 = tpu.memref_slice %arg6[%parallel_loop3A_590] : memref<8192xi32, #tpu.memory_space<vmem>> -> memref<256xi32, #tpu.memory_space<vmem>>
        %parallel_loop3A_592 = tpu.vector_load_idx %parallel_loop3A_591[%parallel_loop3A_235] : memref<256xi32, #tpu.memory_space<vmem>>[vector<16xi32>], vector<16xi32>,
        %parallel_loop3A_593 = arith.constant 16 : i32
        %parallel_loop3A_594 = vector.broadcast %parallel_loop3A_593 : i32 to vector<16xi32>
        %parallel_loop3A_595 = arith.shli %parallel_loop3A_592, %parallel_loop3A_594 : vector<16xi32>
        %parallel_loop3A_596 = vector.bitcast %parallel_loop3A_595 : vector<16xi32> to vector<16xf32>
        %parallel_loop3A_597 = arith.addf %parallel_loop3A_587, %parallel_loop3A_596 : vector<16xf32>
        %parallel_loop3A_598 = vector.bitcast %parallel_loop3A_592 : vector<16xi32> to vector<16xf32>
        %parallel_loop3A_599 = arith.addf %parallel_loop3A_589, %parallel_loop3A_598 : vector<16xf32>
        %parallel_loop3A_600 = arith.constant 7168 : i32
        %parallel_loop3A_601 = tpu.memref_slice %arg6[%parallel_loop3A_600] : memref<8192xi32, #tpu.memory_space<vmem>> -> memref<256xi32, #tpu.memory_space<vmem>>
        %parallel_loop3A_602 = tpu.vector_load_idx %parallel_loop3A_601[%parallel_loop3A_243] : memref<256xi32, #tpu.memory_space<vmem>>[vector<16xi32>], vector<16xi32>,
        %parallel_loop3A_603 = arith.constant 16 : i32
        %parallel_loop3A_604 = vector.broadcast %parallel_loop3A_603 : i32 to vector<16xi32>
        %parallel_loop3A_605 = arith.shli %parallel_loop3A_602, %parallel_loop3A_604 : vector<16xi32>
        %parallel_loop3A_606 = vector.bitcast %parallel_loop3A_605 : vector<16xi32> to vector<16xf32>
        %parallel_loop3A_607 = arith.addf %parallel_loop3A_597, %parallel_loop3A_606 : vector<16xf32>
        %parallel_loop3A_608 = vector.bitcast %parallel_loop3A_602 : vector<16xi32> to vector<16xf32>
        %parallel_loop3A_609 = arith.addf %parallel_loop3A_599, %parallel_loop3A_608 : vector<16xf32>
        %parallel_loop3A_610 = arith.constant 7424 : i32
        %parallel_loop3A_611 = tpu.memref_slice %arg6[%parallel_loop3A_610] : memref<8192xi32, #tpu.memory_space<vmem>> -> memref<256xi32, #tpu.memory_space<vmem>>
        %parallel_loop3A_612 = tpu.vector_load_idx %parallel_loop3A_611[%parallel_loop3A_251] : memref<256xi32, #tpu.memory_space<vmem>>[vector<16xi32>], vector<16xi32>,
        %parallel_loop3A_613 = arith.constant 16 : i32
        %parallel_loop3A_614 = vector.broadcast %parallel_loop3A_613 : i32 to vector<16xi32>
        %parallel_loop3A_615 = arith.shli %parallel_loop3A_612, %parallel_loop3A_614 : vector<16xi32>
        %parallel_loop3A_616 = vector.bitcast %parallel_loop3A_615 : vector<16xi32> to vector<16xf32>
        %parallel_loop3A_617 = arith.addf %parallel_loop3A_607, %parallel_loop3A_616 : vector<16xf32>
        %parallel_loop3A_618 = vector.bitcast %parallel_loop3A_612 : vector<16xi32> to vector<16xf32>
        %parallel_loop3A_619 = arith.addf %parallel_loop3A_609, %parallel_loop3A_618 : vector<16xf32>
        %parallel_loop3A_620 = arith.constant 7680 : i32
        %parallel_loop3A_621 = tpu.memref_slice %arg6[%parallel_loop3A_620] : memref<8192xi32, #tpu.memory_space<vmem>> -> memref<256xi32, #tpu.memory_space<vmem>>
        %parallel_loop3A_622 = tpu.vector_load_idx %parallel_loop3A_621[%parallel_loop3A_259] : memref<256xi32, #tpu.memory_space<vmem>>[vector<16xi32>], vector<16xi32>,
        %parallel_loop3A_623 = arith.constant 16 : i32
        %parallel_loop3A_624 = vector.broadcast %parallel_loop3A_623 : i32 to vector<16xi32>
        %parallel_loop3A_625 = arith.shli %parallel_loop3A_622, %parallel_loop3A_624 : vector<16xi32>
        %parallel_loop3A_626 = vector.bitcast %parallel_loop3A_625 : vector<16xi32> to vector<16xf32>
        %parallel_loop3A_627 = arith.addf %parallel_loop3A_617, %parallel_loop3A_626 : vector<16xf32>
        %parallel_loop3A_628 = vector.bitcast %parallel_loop3A_622 : vector<16xi32> to vector<16xf32>
        %parallel_loop3A_629 = arith.addf %parallel_loop3A_619, %parallel_loop3A_628 : vector<16xf32>
        %parallel_loop3A_630 = arith.constant 7936 : i32
        %parallel_loop3A_631 = tpu.memref_slice %arg6[%parallel_loop3A_630] : memref<8192xi32, #tpu.memory_space<vmem>> -> memref<256xi32, #tpu.memory_space<vmem>>
        %parallel_loop3A_632 = tpu.vector_load_idx %parallel_loop3A_631[%parallel_loop3A_267] : memref<256xi32, #tpu.memory_space<vmem>>[vector<16xi32>], vector<16xi32>,
        %parallel_loop3A_633 = arith.constant 16 : i32
        %parallel_loop3A_634 = vector.broadcast %parallel_loop3A_633 : i32 to vector<16xi32>
        %parallel_loop3A_635 = arith.shli %parallel_loop3A_632, %parallel_loop3A_634 : vector<16xi32>
        %parallel_loop3A_636 = vector.bitcast %parallel_loop3A_635 : vector<16xi32> to vector<16xf32>
        %parallel_loop3A_637 = arith.addf %parallel_loop3A_627, %parallel_loop3A_636 : vector<16xf32>
        %parallel_loop3A_638 = vector.bitcast %parallel_loop3A_632 : vector<16xi32> to vector<16xf32>
        %parallel_loop3A_639 = arith.addf %parallel_loop3A_629, %parallel_loop3A_638 : vector<16xf32>
        %parallel_loop3A_640 = arith.mulf %parallel_loop3A_637, %gather3A : vector<16xf32>
        %parallel_loop3A_641 = arith.constant 0 : i32
        %parallel_loop3A_642 = arith.constant 0 : i32
        %parallel_loop3A_643 = tpu.memref_slice %arg9[%parallel_loop3A_641, %parallel_loop3A_642] : memref<2x4096xf32, #tpu.memory_space<vmem>> -> memref<1x4096xf32, #tpu.memory_space<vmem>>
        %parallel_loop3A_644 = tpu.memref_squeeze %parallel_loop3A_643 : memref<1x4096xf32, #tpu.memory_space<vmem>> -> memref<4096xf32, #tpu.memory_space<vmem>>
        %parallel_loop3A_645 = tpu.memref_slice %parallel_loop3A_644[%parallel_loop3A_203] : memref<4096xf32, #tpu.memory_space<vmem>> -> memref<128xf32, #tpu.memory_space<vmem>>
        tpu.vector_store_idx %parallel_loop3A_645[%add3A_44], %parallel_loop3A_640 : memref<128xf32, #tpu.memory_space<vmem>>[vector<16xi32>], vector<16xf32>,
        %parallel_loop3A_646 = arith.mulf %parallel_loop3A_639, %gather3A : vector<16xf32>
        %parallel_loop3A_647 = arith.constant 0 : i32
        %parallel_loop3A_648 = arith.constant 0 : i32
        %parallel_loop3A_649 = tpu.memref_slice %arg9[%parallel_loop3A_647, %parallel_loop3A_648] : memref<2x4096xf32, #tpu.memory_space<vmem>> -> memref<1x4096xf32, #tpu.memory_space<vmem>>
        %parallel_loop3A_650 = tpu.memref_squeeze %parallel_loop3A_649 : memref<1x4096xf32, #tpu.memory_space<vmem>> -> memref<4096xf32, #tpu.memory_space<vmem>>
        %parallel_loop3A_651 = tpu.memref_slice %parallel_loop3A_650[%parallel_loop3A_203] : memref<4096xf32, #tpu.memory_space<vmem>> -> memref<128xf32, #tpu.memory_space<vmem>>
        tpu.vector_store_idx %parallel_loop3A_651[%add3A_50], %parallel_loop3A_646 : memref<128xf32, #tpu.memory_space<vmem>>[vector<16xi32>], vector<16xf32>,
      } {sc.loop_unroll_factor = 2 : i64, sc.parallel_access}
      %dma_start3A_138 = arith.constant 0 : i32
      %dma_start3A_139 = arith.constant 0 : i32
      %dma_start3A_140 = tpu.memref_slice %arg9[%dma_start3A_138, %dma_start3A_139] : memref<2x4096xf32, #tpu.memory_space<vmem>> -> memref<1x4096xf32, #tpu.memory_space<vmem>>
      %dma_start3A_141 = tpu.memref_squeeze %dma_start3A_140 : memref<1x4096xf32, #tpu.memory_space<vmem>> -> memref<4096xf32, #tpu.memory_space<vmem>>
      %dma_start3A_142 = arith.constant 0 : i32
      %dma_start3A_143 = tpu.memref_slice %arg5[%add3A_120, %dma_start3A_142] : memref<4096x4096xf32, #tpu.memory_space<hbm>> -> memref<1x4096xf32, #tpu.memory_space<hbm>>
      %dma_start3A_144 = tpu.memref_squeeze %dma_start3A_143 : memref<1x4096xf32, #tpu.memory_space<hbm>> -> memref<4096xf32, #tpu.memory_space<hbm>>
      %dma_start3A_145 = arith.constant 0 : i32
      %dma_start3A_146 = tpu.memref_slice %arg5[%add3A_120, %dma_start3A_145] : memref<4096x4096xf32, #tpu.memory_space<hbm>> -> memref<1x4096xf32, #tpu.memory_space<hbm>>
      %dma_start3A_147 = tpu.memref_squeeze %dma_start3A_146 : memref<1x4096xf32, #tpu.memory_space<hbm>> -> memref<4096xf32, #tpu.memory_space<hbm>>
      %dma_start3A_148 = arith.constant 0 : i32
      %dma_start3A_149 = tpu.memref_slice %arg9[%dma_start3A_138, %dma_start3A_148] : memref<2x4096xf32, #tpu.memory_space<vmem>> -> memref<1x4096xf32, #tpu.memory_space<vmem>>
      %dma_start3A_150 = tpu.memref_squeeze %dma_start3A_149 : memref<1x4096xf32, #tpu.memory_space<vmem>> -> memref<4096xf32, #tpu.memory_space<vmem>>
      tpu.enqueue_dma source(%dma_start3A_150 : memref<4096xf32, #tpu.memory_space<vmem>>) target(%dma_start3A_147 : memref<4096xf32, #tpu.memory_space<hbm>>) target_semaphore(%arg12 : memref<!tpu.dma_semaphore, #tpu.memory_space<semaphore_mem>>)
      %lt3A = arith.constant 63 : i32
      %lt3A_151 = arith.cmpi slt, %scan3A_115, %lt3A : i32
      %convert_element_type3A_152 = arith.extui %lt3A_151 : i1 to i32
      %cond3A_153 = arith.constant 0 : i32
      %cond3A_154 = arith.cmpi ne, %convert_element_type3A_152, %cond3A_153 : i32
      scf.if %cond3A_154 {
        %add3A_201 = arith.constant 2 : i32
        %add3A_202 = arith.addi %add3A_120, %add3A_201 : i32
        %dma_start3A_203 = arith.constant 0 : i32
        %dma_start3A_204 = arith.constant 0 : i32
        %dma_start3A_205 = tpu.memref_slice %arg8[%dma_start3A_203, %dma_start3A_204] : memref<2x4096xi32, #tpu.memory_space<vmem>> -> memref<1x4096xi32, #tpu.memory_space<vmem>>
        %dma_start3A_206 = tpu.memref_squeeze %dma_start3A_205 : memref<1x4096xi32, #tpu.memory_space<vmem>> -> memref<4096xi32, #tpu.memory_space<vmem>>
        %dma_start3A_207 = arith.constant 0 : i32
        %dma_start3A_208 = tpu.memref_slice %arg2[%add3A_202, %dma_start3A_207] : memref<4096x4096xi32, #tpu.memory_space<hbm>> -> memref<1x4096xi32, #tpu.memory_space<hbm>>
        %dma_start3A_209 = tpu.memref_squeeze %dma_start3A_208 : memref<1x4096xi32, #tpu.memory_space<hbm>> -> memref<4096xi32, #tpu.memory_space<hbm>>
        %dma_start3A_210 = arith.constant 0 : i32
        %dma_start3A_211 = tpu.memref_slice %arg8[%dma_start3A_203, %dma_start3A_210] : memref<2x4096xi32, #tpu.memory_space<vmem>> -> memref<1x4096xi32, #tpu.memory_space<vmem>>
        %dma_start3A_212 = tpu.memref_squeeze %dma_start3A_211 : memref<1x4096xi32, #tpu.memory_space<vmem>> -> memref<4096xi32, #tpu.memory_space<vmem>>
        %dma_start3A_213 = arith.constant 0 : i32
        %dma_start3A_214 = tpu.memref_slice %arg2[%add3A_202, %dma_start3A_213] : memref<4096x4096xi32, #tpu.memory_space<hbm>> -> memref<1x4096xi32, #tpu.memory_space<hbm>>
        %dma_start3A_215 = tpu.memref_squeeze %dma_start3A_214 : memref<1x4096xi32, #tpu.memory_space<hbm>> -> memref<4096xi32, #tpu.memory_space<hbm>>
        tpu.enqueue_dma source(%dma_start3A_215 : memref<4096xi32, #tpu.memory_space<hbm>>) target(%dma_start3A_212 : memref<4096xi32, #tpu.memory_space<vmem>>) target_semaphore(%arg10 : memref<!tpu.dma_semaphore, #tpu.memory_space<semaphore_mem>>)
      } else {
      }
      %mul3A_155 = arith.constant 2 : i32
      %mul3A_156 = arith.muli %scan3A_115, %mul3A_155 : i32
      %add3A_157 = arith.constant 1 : i32
      %add3A_158 = arith.addi %mul3A_156, %add3A_157 : i32
      %add3A_159 = arith.addi %mul3A_2, %add3A_158 : i32
      %dma_wait3A_160 = arith.constant 1 : i32
      %dma_wait3A_161 = arith.constant 0 : i32
      %dma_wait3A_162 = tpu.memref_slice %arg8[%dma_wait3A_160, %dma_wait3A_161] : memref<2x4096xi32, #tpu.memory_space<vmem>> -> memref<1x4096xi32, #tpu.memory_space<vmem>>
      %dma_wait3A_163 = tpu.memref_squeeze %dma_wait3A_162 : memref<1x4096xi32, #tpu.memory_space<vmem>> -> memref<4096xi32, #tpu.memory_space<vmem>>
      %dma_wait3A_164 = arith.constant 0 : i32
      %dma_wait3A_165 = tpu.memref_slice %arg2[%add3A_159, %dma_wait3A_164] : memref<4096x4096xi32, #tpu.memory_space<hbm>> -> memref<1x4096xi32, #tpu.memory_space<hbm>>
      %dma_wait3A_166 = tpu.memref_squeeze %dma_wait3A_165 : memref<1x4096xi32, #tpu.memory_space<hbm>> -> memref<4096xi32, #tpu.memory_space<hbm>>
      %dma_wait3A_167 = arith.constant 0 : i32
      %dma_wait3A_168 = tpu.memref_slice %arg8[%dma_wait3A_160, %dma_wait3A_167] : memref<2x4096xi32, #tpu.memory_space<vmem>> -> memref<1x4096xi32, #tpu.memory_space<vmem>>
      %dma_wait3A_169 = tpu.memref_squeeze %dma_wait3A_168 : memref<1x4096xi32, #tpu.memory_space<vmem>> -> memref<4096xi32, #tpu.memory_space<vmem>>
      %dma_wait3A_170 = arith.constant 0 : i32
      %dma_wait3A_171 = tpu.memref_slice %arg2[%add3A_159, %dma_wait3A_170] : memref<4096x4096xi32, #tpu.memory_space<hbm>> -> memref<1x4096xi32, #tpu.memory_space<hbm>>
      %dma_wait3A_172 = tpu.memref_squeeze %dma_wait3A_171 : memref<1x4096xi32, #tpu.memory_space<hbm>> -> memref<4096xi32, #tpu.memory_space<hbm>>
      tpu.wait_dma2 semaphore(%arg11 : memref<!tpu.dma_semaphore, #tpu.memory_space<semaphore_mem>>) src(%dma_wait3A_172 : memref<4096xi32, #tpu.memory_space<hbm>>) dst(%dma_wait3A_169 : memref<4096xi32, #tpu.memory_space<vmem>>)
      %gt3A_173 = arith.constant 0 : i32
      %gt3A_174 = arith.cmpi sgt, %scan3A_115, %gt3A_173 : i32
      %convert_element_type3A_175 = arith.extui %gt3A_174 : i1 to i32
      %cond3A_176 = arith.constant 0 : i32
      %cond3A_177 = arith.cmpi ne, %convert_element_type3A_175, %cond3A_176 : i32
      scf.if %cond3A_177 {
        %sub3A_201 = arith.constant 2 : i32
        %sub3A_202 = arith.subi %add3A_159, %sub3A_201 : i32
        %dma_wait3A_203 = arith.constant 1 : i32
        %dma_wait3A_204 = arith.constant 0 : i32
        %dma_wait3A_205 = tpu.memref_slice %arg9[%dma_wait3A_203, %dma_wait3A_204] : memref<2x4096xf32, #tpu.memory_space<vmem>> -> memref<1x4096xf32, #tpu.memory_space<vmem>>
        %dma_wait3A_206 = tpu.memref_squeeze %dma_wait3A_205 : memref<1x4096xf32, #tpu.memory_space<vmem>> -> memref<4096xf32, #tpu.memory_space<vmem>>
        %dma_wait3A_207 = arith.constant 0 : i32
        %dma_wait3A_208 = tpu.memref_slice %arg5[%sub3A_202, %dma_wait3A_207] : memref<4096x4096xf32, #tpu.memory_space<hbm>> -> memref<1x4096xf32, #tpu.memory_space<hbm>>
        %dma_wait3A_209 = tpu.memref_squeeze %dma_wait3A_208 : memref<1x4096xf32, #tpu.memory_space<hbm>> -> memref<4096xf32, #tpu.memory_space<hbm>>
        %dma_wait3A_210 = arith.constant 0 : i32
        %dma_wait3A_211 = tpu.memref_slice %arg5[%sub3A_202, %dma_wait3A_210] : memref<4096x4096xf32, #tpu.memory_space<hbm>> -> memref<1x4096xf32, #tpu.memory_space<hbm>>
        %dma_wait3A_212 = tpu.memref_squeeze %dma_wait3A_211 : memref<1x4096xf32, #tpu.memory_space<hbm>> -> memref<4096xf32, #tpu.memory_space<hbm>>
        %dma_wait3A_213 = arith.constant 0 : i32
        %dma_wait3A_214 = tpu.memref_slice %arg9[%dma_wait3A_203, %dma_wait3A_213] : memref<2x4096xf32, #tpu.memory_space<vmem>> -> memref<1x4096xf32, #tpu.memory_space<vmem>>
        %dma_wait3A_215 = tpu.memref_squeeze %dma_wait3A_214 : memref<1x4096xf32, #tpu.memory_space<vmem>> -> memref<4096xf32, #tpu.memory_space<vmem>>
        tpu.wait_dma2 semaphore(%arg13 : memref<!tpu.dma_semaphore, #tpu.memory_space<semaphore_mem>>) src(%dma_wait3A_215 : memref<4096xf32, #tpu.memory_space<vmem>>) dst(%dma_wait3A_212 : memref<4096xf32, #tpu.memory_space<hbm>>)
      } else {
      }
      %broadcast_in_dim3A_178 = vector.broadcast %add3A_158 : i32 to vector<16xi32>
      %gather3A_179 = tpu.vector_load_idx %arg7[%broadcast_in_dim3A_178] : memref<128xf32, #tpu.memory_space<vmem>>[vector<16xi32>], vector<16xf32>,
      %parallel_loop3A_180 = arith.constant 0 : i32
      %parallel_loop3A_181 = arith.constant 32 : i32
      %parallel_loop3A_182 = arith.constant 1 : i32
      scf.for %parallel_loop3A_201 = %parallel_loop3A_180 to %parallel_loop3A_181 step %parallel_loop3A_182  : i32 {
        %parallel_loop3A_202 = arith.constant 128 : i32
        %parallel_loop3A_203 = arith.muli %parallel_loop3A_201, %parallel_loop3A_202 : i32
        %parallel_loop3A_204 = arith.constant 16 : i32
        %parallel_loop3A_205 = arith.muli %parallel_loop3A_201, %parallel_loop3A_204 : i32
        %parallel_loop3A_206 = arith.constant 0 : i32
        %parallel_loop3A_207 = arith.addi %parallel_loop3A_206, %parallel_loop3A_205 : i32
        %parallel_loop3A_208 = arith.constant 1 : i32
        %parallel_loop3A_209 = arith.index_cast %parallel_loop3A_208 : i32 to index
        %parallel_loop3A_210 = arith.index_cast %parallel_loop3A_207 : i32 to index
        %parallel_loop3A_211 = tpu.vector_load %arg8[%parallel_loop3A_209, %parallel_loop3A_210] {strides = array<i32>} : memref<2x4096xi32, #tpu.memory_space<vmem>>, vector<16xi32>,
        %parallel_loop3A_212 = arith.constant 16 : i32
        %parallel_loop3A_213 = arith.muli %parallel_loop3A_201, %parallel_loop3A_212 : i32
        %parallel_loop3A_214 = arith.constant 512 : i32
        %parallel_loop3A_215 = arith.addi %parallel_loop3A_214, %parallel_loop3A_213 : i32
        %parallel_loop3A_216 = arith.constant 1 : i32
        %parallel_loop3A_217 = arith.index_cast %parallel_loop3A_216 : i32 to index
        %parallel_loop3A_218 = arith.index_cast %parallel_loop3A_215 : i32 to index
        %parallel_loop3A_219 = tpu.vector_load %arg8[%parallel_loop3A_217, %parallel_loop3A_218] {strides = array<i32>} : memref<2x4096xi32, #tpu.memory_space<vmem>>, vector<16xi32>,
        %parallel_loop3A_220 = arith.constant 16 : i32
        %parallel_loop3A_221 = arith.muli %parallel_loop3A_201, %parallel_loop3A_220 : i32
        %parallel_loop3A_222 = arith.constant 1024 : i32
        %parallel_loop3A_223 = arith.addi %parallel_loop3A_222, %parallel_loop3A_221 : i32
        %parallel_loop3A_224 = arith.constant 1 : i32
        %parallel_loop3A_225 = arith.index_cast %parallel_loop3A_224 : i32 to index
        %parallel_loop3A_226 = arith.index_cast %parallel_loop3A_223 : i32 to index
        %parallel_loop3A_227 = tpu.vector_load %arg8[%parallel_loop3A_225, %parallel_loop3A_226] {strides = array<i32>} : memref<2x4096xi32, #tpu.memory_space<vmem>>, vector<16xi32>,
        %parallel_loop3A_228 = arith.constant 16 : i32
        %parallel_loop3A_229 = arith.muli %parallel_loop3A_201, %parallel_loop3A_228 : i32
        %parallel_loop3A_230 = arith.constant 1536 : i32
        %parallel_loop3A_231 = arith.addi %parallel_loop3A_230, %parallel_loop3A_229 : i32
        %parallel_loop3A_232 = arith.constant 1 : i32
        %parallel_loop3A_233 = arith.index_cast %parallel_loop3A_232 : i32 to index
        %parallel_loop3A_234 = arith.index_cast %parallel_loop3A_231 : i32 to index
        %parallel_loop3A_235 = tpu.vector_load %arg8[%parallel_loop3A_233, %parallel_loop3A_234] {strides = array<i32>} : memref<2x4096xi32, #tpu.memory_space<vmem>>, vector<16xi32>,
        %parallel_loop3A_236 = arith.constant 16 : i32
        %parallel_loop3A_237 = arith.muli %parallel_loop3A_201, %parallel_loop3A_236 : i32
        %parallel_loop3A_238 = arith.constant 2048 : i32
        %parallel_loop3A_239 = arith.addi %parallel_loop3A_238, %parallel_loop3A_237 : i32
        %parallel_loop3A_240 = arith.constant 1 : i32
        %parallel_loop3A_241 = arith.index_cast %parallel_loop3A_240 : i32 to index
        %parallel_loop3A_242 = arith.index_cast %parallel_loop3A_239 : i32 to index
        %parallel_loop3A_243 = tpu.vector_load %arg8[%parallel_loop3A_241, %parallel_loop3A_242] {strides = array<i32>} : memref<2x4096xi32, #tpu.memory_space<vmem>>, vector<16xi32>,
        %parallel_loop3A_244 = arith.constant 16 : i32
        %parallel_loop3A_245 = arith.muli %parallel_loop3A_201, %parallel_loop3A_244 : i32
        %parallel_loop3A_246 = arith.constant 2560 : i32
        %parallel_loop3A_247 = arith.addi %parallel_loop3A_246, %parallel_loop3A_245 : i32
        %parallel_loop3A_248 = arith.constant 1 : i32
        %parallel_loop3A_249 = arith.index_cast %parallel_loop3A_248 : i32 to index
        %parallel_loop3A_250 = arith.index_cast %parallel_loop3A_247 : i32 to index
        %parallel_loop3A_251 = tpu.vector_load %arg8[%parallel_loop3A_249, %parallel_loop3A_250] {strides = array<i32>} : memref<2x4096xi32, #tpu.memory_space<vmem>>, vector<16xi32>,
        %parallel_loop3A_252 = arith.constant 16 : i32
        %parallel_loop3A_253 = arith.muli %parallel_loop3A_201, %parallel_loop3A_252 : i32
        %parallel_loop3A_254 = arith.constant 3072 : i32
        %parallel_loop3A_255 = arith.addi %parallel_loop3A_254, %parallel_loop3A_253 : i32
        %parallel_loop3A_256 = arith.constant 1 : i32
        %parallel_loop3A_257 = arith.index_cast %parallel_loop3A_256 : i32 to index
        %parallel_loop3A_258 = arith.index_cast %parallel_loop3A_255 : i32 to index
        %parallel_loop3A_259 = tpu.vector_load %arg8[%parallel_loop3A_257, %parallel_loop3A_258] {strides = array<i32>} : memref<2x4096xi32, #tpu.memory_space<vmem>>, vector<16xi32>,
        %parallel_loop3A_260 = arith.constant 16 : i32
        %parallel_loop3A_261 = arith.muli %parallel_loop3A_201, %parallel_loop3A_260 : i32
        %parallel_loop3A_262 = arith.constant 3584 : i32
        %parallel_loop3A_263 = arith.addi %parallel_loop3A_262, %parallel_loop3A_261 : i32
        %parallel_loop3A_264 = arith.constant 1 : i32
        %parallel_loop3A_265 = arith.index_cast %parallel_loop3A_264 : i32 to index
        %parallel_loop3A_266 = arith.index_cast %parallel_loop3A_263 : i32 to index
        %parallel_loop3A_267 = tpu.vector_load %arg8[%parallel_loop3A_265, %parallel_loop3A_266] {strides = array<i32>} : memref<2x4096xi32, #tpu.memory_space<vmem>>, vector<16xi32>,
        %parallel_loop3A_268 = arith.constant 0.000000e+00 : f32
        %parallel_loop3A_269 = vector.broadcast %parallel_loop3A_268 : f32 to vector<16xf32>
        %parallel_loop3A_270 = arith.constant 0.000000e+00 : f32
        %parallel_loop3A_271 = vector.broadcast %parallel_loop3A_270 : f32 to vector<16xf32>
        %parallel_loop3A_272 = arith.constant 0 : i32
        %parallel_loop3A_273 = tpu.memref_slice %arg6[%parallel_loop3A_272] : memref<8192xi32, #tpu.memory_space<vmem>> -> memref<256xi32, #tpu.memory_space<vmem>>
        %parallel_loop3A_274 = tpu.vector_load_idx %parallel_loop3A_273[%parallel_loop3A_211] : memref<256xi32, #tpu.memory_space<vmem>>[vector<16xi32>], vector<16xi32>,
        %parallel_loop3A_275 = arith.constant 16 : i32
        %parallel_loop3A_276 = vector.broadcast %parallel_loop3A_275 : i32 to vector<16xi32>
        %parallel_loop3A_277 = arith.shli %parallel_loop3A_274, %parallel_loop3A_276 : vector<16xi32>
        %parallel_loop3A_278 = vector.bitcast %parallel_loop3A_277 : vector<16xi32> to vector<16xf32>
        %parallel_loop3A_279 = arith.addf %parallel_loop3A_269, %parallel_loop3A_278 : vector<16xf32>
        %parallel_loop3A_280 = vector.bitcast %parallel_loop3A_274 : vector<16xi32> to vector<16xf32>
        %parallel_loop3A_281 = arith.addf %parallel_loop3A_271, %parallel_loop3A_280 : vector<16xf32>
        %parallel_loop3A_282 = arith.constant 256 : i32
        %parallel_loop3A_283 = tpu.memref_slice %arg6[%parallel_loop3A_282] : memref<8192xi32, #tpu.memory_space<vmem>> -> memref<256xi32, #tpu.memory_space<vmem>>
        %parallel_loop3A_284 = tpu.vector_load_idx %parallel_loop3A_283[%parallel_loop3A_219] : memref<256xi32, #tpu.memory_space<vmem>>[vector<16xi32>], vector<16xi32>,
        %parallel_loop3A_285 = arith.constant 16 : i32
        %parallel_loop3A_286 = vector.broadcast %parallel_loop3A_285 : i32 to vector<16xi32>
        %parallel_loop3A_287 = arith.shli %parallel_loop3A_284, %parallel_loop3A_286 : vector<16xi32>
        %parallel_loop3A_288 = vector.bitcast %parallel_loop3A_287 : vector<16xi32> to vector<16xf32>
        %parallel_loop3A_289 = arith.addf %parallel_loop3A_279, %parallel_loop3A_288 : vector<16xf32>
        %parallel_loop3A_290 = vector.bitcast %parallel_loop3A_284 : vector<16xi32> to vector<16xf32>
        %parallel_loop3A_291 = arith.addf %parallel_loop3A_281, %parallel_loop3A_290 : vector<16xf32>
        %parallel_loop3A_292 = arith.constant 512 : i32
        %parallel_loop3A_293 = tpu.memref_slice %arg6[%parallel_loop3A_292] : memref<8192xi32, #tpu.memory_space<vmem>> -> memref<256xi32, #tpu.memory_space<vmem>>
        %parallel_loop3A_294 = tpu.vector_load_idx %parallel_loop3A_293[%parallel_loop3A_227] : memref<256xi32, #tpu.memory_space<vmem>>[vector<16xi32>], vector<16xi32>,
        %parallel_loop3A_295 = arith.constant 16 : i32
        %parallel_loop3A_296 = vector.broadcast %parallel_loop3A_295 : i32 to vector<16xi32>
        %parallel_loop3A_297 = arith.shli %parallel_loop3A_294, %parallel_loop3A_296 : vector<16xi32>
        %parallel_loop3A_298 = vector.bitcast %parallel_loop3A_297 : vector<16xi32> to vector<16xf32>
        %parallel_loop3A_299 = arith.addf %parallel_loop3A_289, %parallel_loop3A_298 : vector<16xf32>
        %parallel_loop3A_300 = vector.bitcast %parallel_loop3A_294 : vector<16xi32> to vector<16xf32>
        %parallel_loop3A_301 = arith.addf %parallel_loop3A_291, %parallel_loop3A_300 : vector<16xf32>
        %parallel_loop3A_302 = arith.constant 768 : i32
        %parallel_loop3A_303 = tpu.memref_slice %arg6[%parallel_loop3A_302] : memref<8192xi32, #tpu.memory_space<vmem>> -> memref<256xi32, #tpu.memory_space<vmem>>
        %parallel_loop3A_304 = tpu.vector_load_idx %parallel_loop3A_303[%parallel_loop3A_235] : memref<256xi32, #tpu.memory_space<vmem>>[vector<16xi32>], vector<16xi32>,
        %parallel_loop3A_305 = arith.constant 16 : i32
        %parallel_loop3A_306 = vector.broadcast %parallel_loop3A_305 : i32 to vector<16xi32>
        %parallel_loop3A_307 = arith.shli %parallel_loop3A_304, %parallel_loop3A_306 : vector<16xi32>
        %parallel_loop3A_308 = vector.bitcast %parallel_loop3A_307 : vector<16xi32> to vector<16xf32>
        %parallel_loop3A_309 = arith.addf %parallel_loop3A_299, %parallel_loop3A_308 : vector<16xf32>
        %parallel_loop3A_310 = vector.bitcast %parallel_loop3A_304 : vector<16xi32> to vector<16xf32>
        %parallel_loop3A_311 = arith.addf %parallel_loop3A_301, %parallel_loop3A_310 : vector<16xf32>
        %parallel_loop3A_312 = arith.constant 1024 : i32
        %parallel_loop3A_313 = tpu.memref_slice %arg6[%parallel_loop3A_312] : memref<8192xi32, #tpu.memory_space<vmem>> -> memref<256xi32, #tpu.memory_space<vmem>>
        %parallel_loop3A_314 = tpu.vector_load_idx %parallel_loop3A_313[%parallel_loop3A_243] : memref<256xi32, #tpu.memory_space<vmem>>[vector<16xi32>], vector<16xi32>,
        %parallel_loop3A_315 = arith.constant 16 : i32
        %parallel_loop3A_316 = vector.broadcast %parallel_loop3A_315 : i32 to vector<16xi32>
        %parallel_loop3A_317 = arith.shli %parallel_loop3A_314, %parallel_loop3A_316 : vector<16xi32>
        %parallel_loop3A_318 = vector.bitcast %parallel_loop3A_317 : vector<16xi32> to vector<16xf32>
        %parallel_loop3A_319 = arith.addf %parallel_loop3A_309, %parallel_loop3A_318 : vector<16xf32>
        %parallel_loop3A_320 = vector.bitcast %parallel_loop3A_314 : vector<16xi32> to vector<16xf32>
        %parallel_loop3A_321 = arith.addf %parallel_loop3A_311, %parallel_loop3A_320 : vector<16xf32>
        %parallel_loop3A_322 = arith.constant 1280 : i32
        %parallel_loop3A_323 = tpu.memref_slice %arg6[%parallel_loop3A_322] : memref<8192xi32, #tpu.memory_space<vmem>> -> memref<256xi32, #tpu.memory_space<vmem>>
        %parallel_loop3A_324 = tpu.vector_load_idx %parallel_loop3A_323[%parallel_loop3A_251] : memref<256xi32, #tpu.memory_space<vmem>>[vector<16xi32>], vector<16xi32>,
        %parallel_loop3A_325 = arith.constant 16 : i32
        %parallel_loop3A_326 = vector.broadcast %parallel_loop3A_325 : i32 to vector<16xi32>
        %parallel_loop3A_327 = arith.shli %parallel_loop3A_324, %parallel_loop3A_326 : vector<16xi32>
        %parallel_loop3A_328 = vector.bitcast %parallel_loop3A_327 : vector<16xi32> to vector<16xf32>
        %parallel_loop3A_329 = arith.addf %parallel_loop3A_319, %parallel_loop3A_328 : vector<16xf32>
        %parallel_loop3A_330 = vector.bitcast %parallel_loop3A_324 : vector<16xi32> to vector<16xf32>
        %parallel_loop3A_331 = arith.addf %parallel_loop3A_321, %parallel_loop3A_330 : vector<16xf32>
        %parallel_loop3A_332 = arith.constant 1536 : i32
        %parallel_loop3A_333 = tpu.memref_slice %arg6[%parallel_loop3A_332] : memref<8192xi32, #tpu.memory_space<vmem>> -> memref<256xi32, #tpu.memory_space<vmem>>
        %parallel_loop3A_334 = tpu.vector_load_idx %parallel_loop3A_333[%parallel_loop3A_259] : memref<256xi32, #tpu.memory_space<vmem>>[vector<16xi32>], vector<16xi32>,
        %parallel_loop3A_335 = arith.constant 16 : i32
        %parallel_loop3A_336 = vector.broadcast %parallel_loop3A_335 : i32 to vector<16xi32>
        %parallel_loop3A_337 = arith.shli %parallel_loop3A_334, %parallel_loop3A_336 : vector<16xi32>
        %parallel_loop3A_338 = vector.bitcast %parallel_loop3A_337 : vector<16xi32> to vector<16xf32>
        %parallel_loop3A_339 = arith.addf %parallel_loop3A_329, %parallel_loop3A_338 : vector<16xf32>
        %parallel_loop3A_340 = vector.bitcast %parallel_loop3A_334 : vector<16xi32> to vector<16xf32>
        %parallel_loop3A_341 = arith.addf %parallel_loop3A_331, %parallel_loop3A_340 : vector<16xf32>
        %parallel_loop3A_342 = arith.constant 1792 : i32
        %parallel_loop3A_343 = tpu.memref_slice %arg6[%parallel_loop3A_342] : memref<8192xi32, #tpu.memory_space<vmem>> -> memref<256xi32, #tpu.memory_space<vmem>>
        %parallel_loop3A_344 = tpu.vector_load_idx %parallel_loop3A_343[%parallel_loop3A_267] : memref<256xi32, #tpu.memory_space<vmem>>[vector<16xi32>], vector<16xi32>,
        %parallel_loop3A_345 = arith.constant 16 : i32
        %parallel_loop3A_346 = vector.broadcast %parallel_loop3A_345 : i32 to vector<16xi32>
        %parallel_loop3A_347 = arith.shli %parallel_loop3A_344, %parallel_loop3A_346 : vector<16xi32>
        %parallel_loop3A_348 = vector.bitcast %parallel_loop3A_347 : vector<16xi32> to vector<16xf32>
        %parallel_loop3A_349 = arith.addf %parallel_loop3A_339, %parallel_loop3A_348 : vector<16xf32>
        %parallel_loop3A_350 = vector.bitcast %parallel_loop3A_344 : vector<16xi32> to vector<16xf32>
        %parallel_loop3A_351 = arith.addf %parallel_loop3A_341, %parallel_loop3A_350 : vector<16xf32>
        %parallel_loop3A_352 = arith.mulf %parallel_loop3A_349, %gather3A_179 : vector<16xf32>
        %parallel_loop3A_353 = arith.constant 1 : i32
        %parallel_loop3A_354 = arith.constant 0 : i32
        %parallel_loop3A_355 = tpu.memref_slice %arg9[%parallel_loop3A_353, %parallel_loop3A_354] : memref<2x4096xf32, #tpu.memory_space<vmem>> -> memref<1x4096xf32, #tpu.memory_space<vmem>>
        %parallel_loop3A_356 = tpu.memref_squeeze %parallel_loop3A_355 : memref<1x4096xf32, #tpu.memory_space<vmem>> -> memref<4096xf32, #tpu.memory_space<vmem>>
        %parallel_loop3A_357 = tpu.memref_slice %parallel_loop3A_356[%parallel_loop3A_203] : memref<4096xf32, #tpu.memory_space<vmem>> -> memref<128xf32, #tpu.memory_space<vmem>>
        tpu.vector_store_idx %parallel_loop3A_357[%add3A_8], %parallel_loop3A_352 : memref<128xf32, #tpu.memory_space<vmem>>[vector<16xi32>], vector<16xf32>,
        %parallel_loop3A_358 = arith.mulf %parallel_loop3A_351, %gather3A_179 : vector<16xf32>
        %parallel_loop3A_359 = arith.constant 1 : i32
        %parallel_loop3A_360 = arith.constant 0 : i32
        %parallel_loop3A_361 = tpu.memref_slice %arg9[%parallel_loop3A_359, %parallel_loop3A_360] : memref<2x4096xf32, #tpu.memory_space<vmem>> -> memref<1x4096xf32, #tpu.memory_space<vmem>>
        %parallel_loop3A_362 = tpu.memref_squeeze %parallel_loop3A_361 : memref<1x4096xf32, #tpu.memory_space<vmem>> -> memref<4096xf32, #tpu.memory_space<vmem>>
        %parallel_loop3A_363 = tpu.memref_slice %parallel_loop3A_362[%parallel_loop3A_203] : memref<4096xf32, #tpu.memory_space<vmem>> -> memref<128xf32, #tpu.memory_space<vmem>>
        tpu.vector_store_idx %parallel_loop3A_363[%add3A_14], %parallel_loop3A_358 : memref<128xf32, #tpu.memory_space<vmem>>[vector<16xi32>], vector<16xf32>,
        %parallel_loop3A_364 = arith.constant 0.000000e+00 : f32
        %parallel_loop3A_365 = vector.broadcast %parallel_loop3A_364 : f32 to vector<16xf32>
        %parallel_loop3A_366 = arith.constant 0.000000e+00 : f32
        %parallel_loop3A_367 = vector.broadcast %parallel_loop3A_366 : f32 to vector<16xf32>
        %parallel_loop3A_368 = arith.constant 2048 : i32
        %parallel_loop3A_369 = tpu.memref_slice %arg6[%parallel_loop3A_368] : memref<8192xi32, #tpu.memory_space<vmem>> -> memref<256xi32, #tpu.memory_space<vmem>>
        %parallel_loop3A_370 = tpu.vector_load_idx %parallel_loop3A_369[%parallel_loop3A_211] : memref<256xi32, #tpu.memory_space<vmem>>[vector<16xi32>], vector<16xi32>,
        %parallel_loop3A_371 = arith.constant 16 : i32
        %parallel_loop3A_372 = vector.broadcast %parallel_loop3A_371 : i32 to vector<16xi32>
        %parallel_loop3A_373 = arith.shli %parallel_loop3A_370, %parallel_loop3A_372 : vector<16xi32>
        %parallel_loop3A_374 = vector.bitcast %parallel_loop3A_373 : vector<16xi32> to vector<16xf32>
        %parallel_loop3A_375 = arith.addf %parallel_loop3A_365, %parallel_loop3A_374 : vector<16xf32>
        %parallel_loop3A_376 = vector.bitcast %parallel_loop3A_370 : vector<16xi32> to vector<16xf32>
        %parallel_loop3A_377 = arith.addf %parallel_loop3A_367, %parallel_loop3A_376 : vector<16xf32>
        %parallel_loop3A_378 = arith.constant 2304 : i32
        %parallel_loop3A_379 = tpu.memref_slice %arg6[%parallel_loop3A_378] : memref<8192xi32, #tpu.memory_space<vmem>> -> memref<256xi32, #tpu.memory_space<vmem>>
        %parallel_loop3A_380 = tpu.vector_load_idx %parallel_loop3A_379[%parallel_loop3A_219] : memref<256xi32, #tpu.memory_space<vmem>>[vector<16xi32>], vector<16xi32>,
        %parallel_loop3A_381 = arith.constant 16 : i32
        %parallel_loop3A_382 = vector.broadcast %parallel_loop3A_381 : i32 to vector<16xi32>
        %parallel_loop3A_383 = arith.shli %parallel_loop3A_380, %parallel_loop3A_382 : vector<16xi32>
        %parallel_loop3A_384 = vector.bitcast %parallel_loop3A_383 : vector<16xi32> to vector<16xf32>
        %parallel_loop3A_385 = arith.addf %parallel_loop3A_375, %parallel_loop3A_384 : vector<16xf32>
        %parallel_loop3A_386 = vector.bitcast %parallel_loop3A_380 : vector<16xi32> to vector<16xf32>
        %parallel_loop3A_387 = arith.addf %parallel_loop3A_377, %parallel_loop3A_386 : vector<16xf32>
        %parallel_loop3A_388 = arith.constant 2560 : i32
        %parallel_loop3A_389 = tpu.memref_slice %arg6[%parallel_loop3A_388] : memref<8192xi32, #tpu.memory_space<vmem>> -> memref<256xi32, #tpu.memory_space<vmem>>
        %parallel_loop3A_390 = tpu.vector_load_idx %parallel_loop3A_389[%parallel_loop3A_227] : memref<256xi32, #tpu.memory_space<vmem>>[vector<16xi32>], vector<16xi32>,
        %parallel_loop3A_391 = arith.constant 16 : i32
        %parallel_loop3A_392 = vector.broadcast %parallel_loop3A_391 : i32 to vector<16xi32>
        %parallel_loop3A_393 = arith.shli %parallel_loop3A_390, %parallel_loop3A_392 : vector<16xi32>
        %parallel_loop3A_394 = vector.bitcast %parallel_loop3A_393 : vector<16xi32> to vector<16xf32>
        %parallel_loop3A_395 = arith.addf %parallel_loop3A_385, %parallel_loop3A_394 : vector<16xf32>
        %parallel_loop3A_396 = vector.bitcast %parallel_loop3A_390 : vector<16xi32> to vector<16xf32>
        %parallel_loop3A_397 = arith.addf %parallel_loop3A_387, %parallel_loop3A_396 : vector<16xf32>
        %parallel_loop3A_398 = arith.constant 2816 : i32
        %parallel_loop3A_399 = tpu.memref_slice %arg6[%parallel_loop3A_398] : memref<8192xi32, #tpu.memory_space<vmem>> -> memref<256xi32, #tpu.memory_space<vmem>>
        %parallel_loop3A_400 = tpu.vector_load_idx %parallel_loop3A_399[%parallel_loop3A_235] : memref<256xi32, #tpu.memory_space<vmem>>[vector<16xi32>], vector<16xi32>,
        %parallel_loop3A_401 = arith.constant 16 : i32
        %parallel_loop3A_402 = vector.broadcast %parallel_loop3A_401 : i32 to vector<16xi32>
        %parallel_loop3A_403 = arith.shli %parallel_loop3A_400, %parallel_loop3A_402 : vector<16xi32>
        %parallel_loop3A_404 = vector.bitcast %parallel_loop3A_403 : vector<16xi32> to vector<16xf32>
        %parallel_loop3A_405 = arith.addf %parallel_loop3A_395, %parallel_loop3A_404 : vector<16xf32>
        %parallel_loop3A_406 = vector.bitcast %parallel_loop3A_400 : vector<16xi32> to vector<16xf32>
        %parallel_loop3A_407 = arith.addf %parallel_loop3A_397, %parallel_loop3A_406 : vector<16xf32>
        %parallel_loop3A_408 = arith.constant 3072 : i32
        %parallel_loop3A_409 = tpu.memref_slice %arg6[%parallel_loop3A_408] : memref<8192xi32, #tpu.memory_space<vmem>> -> memref<256xi32, #tpu.memory_space<vmem>>
        %parallel_loop3A_410 = tpu.vector_load_idx %parallel_loop3A_409[%parallel_loop3A_243] : memref<256xi32, #tpu.memory_space<vmem>>[vector<16xi32>], vector<16xi32>,
        %parallel_loop3A_411 = arith.constant 16 : i32
        %parallel_loop3A_412 = vector.broadcast %parallel_loop3A_411 : i32 to vector<16xi32>
        %parallel_loop3A_413 = arith.shli %parallel_loop3A_410, %parallel_loop3A_412 : vector<16xi32>
        %parallel_loop3A_414 = vector.bitcast %parallel_loop3A_413 : vector<16xi32> to vector<16xf32>
        %parallel_loop3A_415 = arith.addf %parallel_loop3A_405, %parallel_loop3A_414 : vector<16xf32>
        %parallel_loop3A_416 = vector.bitcast %parallel_loop3A_410 : vector<16xi32> to vector<16xf32>
        %parallel_loop3A_417 = arith.addf %parallel_loop3A_407, %parallel_loop3A_416 : vector<16xf32>
        %parallel_loop3A_418 = arith.constant 3328 : i32
        %parallel_loop3A_419 = tpu.memref_slice %arg6[%parallel_loop3A_418] : memref<8192xi32, #tpu.memory_space<vmem>> -> memref<256xi32, #tpu.memory_space<vmem>>
        %parallel_loop3A_420 = tpu.vector_load_idx %parallel_loop3A_419[%parallel_loop3A_251] : memref<256xi32, #tpu.memory_space<vmem>>[vector<16xi32>], vector<16xi32>,
        %parallel_loop3A_421 = arith.constant 16 : i32
        %parallel_loop3A_422 = vector.broadcast %parallel_loop3A_421 : i32 to vector<16xi32>
        %parallel_loop3A_423 = arith.shli %parallel_loop3A_420, %parallel_loop3A_422 : vector<16xi32>
        %parallel_loop3A_424 = vector.bitcast %parallel_loop3A_423 : vector<16xi32> to vector<16xf32>
        %parallel_loop3A_425 = arith.addf %parallel_loop3A_415, %parallel_loop3A_424 : vector<16xf32>
        %parallel_loop3A_426 = vector.bitcast %parallel_loop3A_420 : vector<16xi32> to vector<16xf32>
        %parallel_loop3A_427 = arith.addf %parallel_loop3A_417, %parallel_loop3A_426 : vector<16xf32>
        %parallel_loop3A_428 = arith.constant 3584 : i32
        %parallel_loop3A_429 = tpu.memref_slice %arg6[%parallel_loop3A_428] : memref<8192xi32, #tpu.memory_space<vmem>> -> memref<256xi32, #tpu.memory_space<vmem>>
        %parallel_loop3A_430 = tpu.vector_load_idx %parallel_loop3A_429[%parallel_loop3A_259] : memref<256xi32, #tpu.memory_space<vmem>>[vector<16xi32>], vector<16xi32>,
        %parallel_loop3A_431 = arith.constant 16 : i32
        %parallel_loop3A_432 = vector.broadcast %parallel_loop3A_431 : i32 to vector<16xi32>
        %parallel_loop3A_433 = arith.shli %parallel_loop3A_430, %parallel_loop3A_432 : vector<16xi32>
        %parallel_loop3A_434 = vector.bitcast %parallel_loop3A_433 : vector<16xi32> to vector<16xf32>
        %parallel_loop3A_435 = arith.addf %parallel_loop3A_425, %parallel_loop3A_434 : vector<16xf32>
        %parallel_loop3A_436 = vector.bitcast %parallel_loop3A_430 : vector<16xi32> to vector<16xf32>
        %parallel_loop3A_437 = arith.addf %parallel_loop3A_427, %parallel_loop3A_436 : vector<16xf32>
        %parallel_loop3A_438 = arith.constant 3840 : i32
        %parallel_loop3A_439 = tpu.memref_slice %arg6[%parallel_loop3A_438] : memref<8192xi32, #tpu.memory_space<vmem>> -> memref<256xi32, #tpu.memory_space<vmem>>
        %parallel_loop3A_440 = tpu.vector_load_idx %parallel_loop3A_439[%parallel_loop3A_267] : memref<256xi32, #tpu.memory_space<vmem>>[vector<16xi32>], vector<16xi32>,
        %parallel_loop3A_441 = arith.constant 16 : i32
        %parallel_loop3A_442 = vector.broadcast %parallel_loop3A_441 : i32 to vector<16xi32>
        %parallel_loop3A_443 = arith.shli %parallel_loop3A_440, %parallel_loop3A_442 : vector<16xi32>
        %parallel_loop3A_444 = vector.bitcast %parallel_loop3A_443 : vector<16xi32> to vector<16xf32>
        %parallel_loop3A_445 = arith.addf %parallel_loop3A_435, %parallel_loop3A_444 : vector<16xf32>
        %parallel_loop3A_446 = vector.bitcast %parallel_loop3A_440 : vector<16xi32> to vector<16xf32>
        %parallel_loop3A_447 = arith.addf %parallel_loop3A_437, %parallel_loop3A_446 : vector<16xf32>
        %parallel_loop3A_448 = arith.mulf %parallel_loop3A_445, %gather3A_179 : vector<16xf32>
        %parallel_loop3A_449 = arith.constant 1 : i32
        %parallel_loop3A_450 = arith.constant 0 : i32
        %parallel_loop3A_451 = tpu.memref_slice %arg9[%parallel_loop3A_449, %parallel_loop3A_450] : memref<2x4096xf32, #tpu.memory_space<vmem>> -> memref<1x4096xf32, #tpu.memory_space<vmem>>
        %parallel_loop3A_452 = tpu.memref_squeeze %parallel_loop3A_451 : memref<1x4096xf32, #tpu.memory_space<vmem>> -> memref<4096xf32, #tpu.memory_space<vmem>>
        %parallel_loop3A_453 = tpu.memref_slice %parallel_loop3A_452[%parallel_loop3A_203] : memref<4096xf32, #tpu.memory_space<vmem>> -> memref<128xf32, #tpu.memory_space<vmem>>
        tpu.vector_store_idx %parallel_loop3A_453[%add3A_20], %parallel_loop3A_448 : memref<128xf32, #tpu.memory_space<vmem>>[vector<16xi32>], vector<16xf32>,
        %parallel_loop3A_454 = arith.mulf %parallel_loop3A_447, %gather3A_179 : vector<16xf32>
        %parallel_loop3A_455 = arith.constant 1 : i32
        %parallel_loop3A_456 = arith.constant 0 : i32
        %parallel_loop3A_457 = tpu.memref_slice %arg9[%parallel_loop3A_455, %parallel_loop3A_456] : memref<2x4096xf32, #tpu.memory_space<vmem>> -> memref<1x4096xf32, #tpu.memory_space<vmem>>
        %parallel_loop3A_458 = tpu.memref_squeeze %parallel_loop3A_457 : memref<1x4096xf32, #tpu.memory_space<vmem>> -> memref<4096xf32, #tpu.memory_space<vmem>>
        %parallel_loop3A_459 = tpu.memref_slice %parallel_loop3A_458[%parallel_loop3A_203] : memref<4096xf32, #tpu.memory_space<vmem>> -> memref<128xf32, #tpu.memory_space<vmem>>
        tpu.vector_store_idx %parallel_loop3A_459[%add3A_26], %parallel_loop3A_454 : memref<128xf32, #tpu.memory_space<vmem>>[vector<16xi32>], vector<16xf32>,
        %parallel_loop3A_460 = arith.constant 0.000000e+00 : f32
        %parallel_loop3A_461 = vector.broadcast %parallel_loop3A_460 : f32 to vector<16xf32>
        %parallel_loop3A_462 = arith.constant 0.000000e+00 : f32
        %parallel_loop3A_463 = vector.broadcast %parallel_loop3A_462 : f32 to vector<16xf32>
        %parallel_loop3A_464 = arith.constant 4096 : i32
        %parallel_loop3A_465 = tpu.memref_slice %arg6[%parallel_loop3A_464] : memref<8192xi32, #tpu.memory_space<vmem>> -> memref<256xi32, #tpu.memory_space<vmem>>
        %parallel_loop3A_466 = tpu.vector_load_idx %parallel_loop3A_465[%parallel_loop3A_211] : memref<256xi32, #tpu.memory_space<vmem>>[vector<16xi32>], vector<16xi32>,
        %parallel_loop3A_467 = arith.constant 16 : i32
        %parallel_loop3A_468 = vector.broadcast %parallel_loop3A_467 : i32 to vector<16xi32>
        %parallel_loop3A_469 = arith.shli %parallel_loop3A_466, %parallel_loop3A_468 : vector<16xi32>
        %parallel_loop3A_470 = vector.bitcast %parallel_loop3A_469 : vector<16xi32> to vector<16xf32>
        %parallel_loop3A_471 = arith.addf %parallel_loop3A_461, %parallel_loop3A_470 : vector<16xf32>
        %parallel_loop3A_472 = vector.bitcast %parallel_loop3A_466 : vector<16xi32> to vector<16xf32>
        %parallel_loop3A_473 = arith.addf %parallel_loop3A_463, %parallel_loop3A_472 : vector<16xf32>
        %parallel_loop3A_474 = arith.constant 4352 : i32
        %parallel_loop3A_475 = tpu.memref_slice %arg6[%parallel_loop3A_474] : memref<8192xi32, #tpu.memory_space<vmem>> -> memref<256xi32, #tpu.memory_space<vmem>>
        %parallel_loop3A_476 = tpu.vector_load_idx %parallel_loop3A_475[%parallel_loop3A_219] : memref<256xi32, #tpu.memory_space<vmem>>[vector<16xi32>], vector<16xi32>,
        %parallel_loop3A_477 = arith.constant 16 : i32
        %parallel_loop3A_478 = vector.broadcast %parallel_loop3A_477 : i32 to vector<16xi32>
        %parallel_loop3A_479 = arith.shli %parallel_loop3A_476, %parallel_loop3A_478 : vector<16xi32>
        %parallel_loop3A_480 = vector.bitcast %parallel_loop3A_479 : vector<16xi32> to vector<16xf32>
        %parallel_loop3A_481 = arith.addf %parallel_loop3A_471, %parallel_loop3A_480 : vector<16xf32>
        %parallel_loop3A_482 = vector.bitcast %parallel_loop3A_476 : vector<16xi32> to vector<16xf32>
        %parallel_loop3A_483 = arith.addf %parallel_loop3A_473, %parallel_loop3A_482 : vector<16xf32>
        %parallel_loop3A_484 = arith.constant 4608 : i32
        %parallel_loop3A_485 = tpu.memref_slice %arg6[%parallel_loop3A_484] : memref<8192xi32, #tpu.memory_space<vmem>> -> memref<256xi32, #tpu.memory_space<vmem>>
        %parallel_loop3A_486 = tpu.vector_load_idx %parallel_loop3A_485[%parallel_loop3A_227] : memref<256xi32, #tpu.memory_space<vmem>>[vector<16xi32>], vector<16xi32>,
        %parallel_loop3A_487 = arith.constant 16 : i32
        %parallel_loop3A_488 = vector.broadcast %parallel_loop3A_487 : i32 to vector<16xi32>
        %parallel_loop3A_489 = arith.shli %parallel_loop3A_486, %parallel_loop3A_488 : vector<16xi32>
        %parallel_loop3A_490 = vector.bitcast %parallel_loop3A_489 : vector<16xi32> to vector<16xf32>
        %parallel_loop3A_491 = arith.addf %parallel_loop3A_481, %parallel_loop3A_490 : vector<16xf32>
        %parallel_loop3A_492 = vector.bitcast %parallel_loop3A_486 : vector<16xi32> to vector<16xf32>
        %parallel_loop3A_493 = arith.addf %parallel_loop3A_483, %parallel_loop3A_492 : vector<16xf32>
        %parallel_loop3A_494 = arith.constant 4864 : i32
        %parallel_loop3A_495 = tpu.memref_slice %arg6[%parallel_loop3A_494] : memref<8192xi32, #tpu.memory_space<vmem>> -> memref<256xi32, #tpu.memory_space<vmem>>
        %parallel_loop3A_496 = tpu.vector_load_idx %parallel_loop3A_495[%parallel_loop3A_235] : memref<256xi32, #tpu.memory_space<vmem>>[vector<16xi32>], vector<16xi32>,
        %parallel_loop3A_497 = arith.constant 16 : i32
        %parallel_loop3A_498 = vector.broadcast %parallel_loop3A_497 : i32 to vector<16xi32>
        %parallel_loop3A_499 = arith.shli %parallel_loop3A_496, %parallel_loop3A_498 : vector<16xi32>
        %parallel_loop3A_500 = vector.bitcast %parallel_loop3A_499 : vector<16xi32> to vector<16xf32>
        %parallel_loop3A_501 = arith.addf %parallel_loop3A_491, %parallel_loop3A_500 : vector<16xf32>
        %parallel_loop3A_502 = vector.bitcast %parallel_loop3A_496 : vector<16xi32> to vector<16xf32>
        %parallel_loop3A_503 = arith.addf %parallel_loop3A_493, %parallel_loop3A_502 : vector<16xf32>
        %parallel_loop3A_504 = arith.constant 5120 : i32
        %parallel_loop3A_505 = tpu.memref_slice %arg6[%parallel_loop3A_504] : memref<8192xi32, #tpu.memory_space<vmem>> -> memref<256xi32, #tpu.memory_space<vmem>>
        %parallel_loop3A_506 = tpu.vector_load_idx %parallel_loop3A_505[%parallel_loop3A_243] : memref<256xi32, #tpu.memory_space<vmem>>[vector<16xi32>], vector<16xi32>,
        %parallel_loop3A_507 = arith.constant 16 : i32
        %parallel_loop3A_508 = vector.broadcast %parallel_loop3A_507 : i32 to vector<16xi32>
        %parallel_loop3A_509 = arith.shli %parallel_loop3A_506, %parallel_loop3A_508 : vector<16xi32>
        %parallel_loop3A_510 = vector.bitcast %parallel_loop3A_509 : vector<16xi32> to vector<16xf32>
        %parallel_loop3A_511 = arith.addf %parallel_loop3A_501, %parallel_loop3A_510 : vector<16xf32>
        %parallel_loop3A_512 = vector.bitcast %parallel_loop3A_506 : vector<16xi32> to vector<16xf32>
        %parallel_loop3A_513 = arith.addf %parallel_loop3A_503, %parallel_loop3A_512 : vector<16xf32>
        %parallel_loop3A_514 = arith.constant 5376 : i32
        %parallel_loop3A_515 = tpu.memref_slice %arg6[%parallel_loop3A_514] : memref<8192xi32, #tpu.memory_space<vmem>> -> memref<256xi32, #tpu.memory_space<vmem>>
        %parallel_loop3A_516 = tpu.vector_load_idx %parallel_loop3A_515[%parallel_loop3A_251] : memref<256xi32, #tpu.memory_space<vmem>>[vector<16xi32>], vector<16xi32>,
        %parallel_loop3A_517 = arith.constant 16 : i32
        %parallel_loop3A_518 = vector.broadcast %parallel_loop3A_517 : i32 to vector<16xi32>
        %parallel_loop3A_519 = arith.shli %parallel_loop3A_516, %parallel_loop3A_518 : vector<16xi32>
        %parallel_loop3A_520 = vector.bitcast %parallel_loop3A_519 : vector<16xi32> to vector<16xf32>
        %parallel_loop3A_521 = arith.addf %parallel_loop3A_511, %parallel_loop3A_520 : vector<16xf32>
        %parallel_loop3A_522 = vector.bitcast %parallel_loop3A_516 : vector<16xi32> to vector<16xf32>
        %parallel_loop3A_523 = arith.addf %parallel_loop3A_513, %parallel_loop3A_522 : vector<16xf32>
        %parallel_loop3A_524 = arith.constant 5632 : i32
        %parallel_loop3A_525 = tpu.memref_slice %arg6[%parallel_loop3A_524] : memref<8192xi32, #tpu.memory_space<vmem>> -> memref<256xi32, #tpu.memory_space<vmem>>
        %parallel_loop3A_526 = tpu.vector_load_idx %parallel_loop3A_525[%parallel_loop3A_259] : memref<256xi32, #tpu.memory_space<vmem>>[vector<16xi32>], vector<16xi32>,
        %parallel_loop3A_527 = arith.constant 16 : i32
        %parallel_loop3A_528 = vector.broadcast %parallel_loop3A_527 : i32 to vector<16xi32>
        %parallel_loop3A_529 = arith.shli %parallel_loop3A_526, %parallel_loop3A_528 : vector<16xi32>
        %parallel_loop3A_530 = vector.bitcast %parallel_loop3A_529 : vector<16xi32> to vector<16xf32>
        %parallel_loop3A_531 = arith.addf %parallel_loop3A_521, %parallel_loop3A_530 : vector<16xf32>
        %parallel_loop3A_532 = vector.bitcast %parallel_loop3A_526 : vector<16xi32> to vector<16xf32>
        %parallel_loop3A_533 = arith.addf %parallel_loop3A_523, %parallel_loop3A_532 : vector<16xf32>
        %parallel_loop3A_534 = arith.constant 5888 : i32
        %parallel_loop3A_535 = tpu.memref_slice %arg6[%parallel_loop3A_534] : memref<8192xi32, #tpu.memory_space<vmem>> -> memref<256xi32, #tpu.memory_space<vmem>>
        %parallel_loop3A_536 = tpu.vector_load_idx %parallel_loop3A_535[%parallel_loop3A_267] : memref<256xi32, #tpu.memory_space<vmem>>[vector<16xi32>], vector<16xi32>,
        %parallel_loop3A_537 = arith.constant 16 : i32
        %parallel_loop3A_538 = vector.broadcast %parallel_loop3A_537 : i32 to vector<16xi32>
        %parallel_loop3A_539 = arith.shli %parallel_loop3A_536, %parallel_loop3A_538 : vector<16xi32>
        %parallel_loop3A_540 = vector.bitcast %parallel_loop3A_539 : vector<16xi32> to vector<16xf32>
        %parallel_loop3A_541 = arith.addf %parallel_loop3A_531, %parallel_loop3A_540 : vector<16xf32>
        %parallel_loop3A_542 = vector.bitcast %parallel_loop3A_536 : vector<16xi32> to vector<16xf32>
        %parallel_loop3A_543 = arith.addf %parallel_loop3A_533, %parallel_loop3A_542 : vector<16xf32>
        %parallel_loop3A_544 = arith.mulf %parallel_loop3A_541, %gather3A_179 : vector<16xf32>
        %parallel_loop3A_545 = arith.constant 1 : i32
        %parallel_loop3A_546 = arith.constant 0 : i32
        %parallel_loop3A_547 = tpu.memref_slice %arg9[%parallel_loop3A_545, %parallel_loop3A_546] : memref<2x4096xf32, #tpu.memory_space<vmem>> -> memref<1x4096xf32, #tpu.memory_space<vmem>>
        %parallel_loop3A_548 = tpu.memref_squeeze %parallel_loop3A_547 : memref<1x4096xf32, #tpu.memory_space<vmem>> -> memref<4096xf32, #tpu.memory_space<vmem>>
        %parallel_loop3A_549 = tpu.memref_slice %parallel_loop3A_548[%parallel_loop3A_203] : memref<4096xf32, #tpu.memory_space<vmem>> -> memref<128xf32, #tpu.memory_space<vmem>>
        tpu.vector_store_idx %parallel_loop3A_549[%add3A_32], %parallel_loop3A_544 : memref<128xf32, #tpu.memory_space<vmem>>[vector<16xi32>], vector<16xf32>,
        %parallel_loop3A_550 = arith.mulf %parallel_loop3A_543, %gather3A_179 : vector<16xf32>
        %parallel_loop3A_551 = arith.constant 1 : i32
        %parallel_loop3A_552 = arith.constant 0 : i32
        %parallel_loop3A_553 = tpu.memref_slice %arg9[%parallel_loop3A_551, %parallel_loop3A_552] : memref<2x4096xf32, #tpu.memory_space<vmem>> -> memref<1x4096xf32, #tpu.memory_space<vmem>>
        %parallel_loop3A_554 = tpu.memref_squeeze %parallel_loop3A_553 : memref<1x4096xf32, #tpu.memory_space<vmem>> -> memref<4096xf32, #tpu.memory_space<vmem>>
        %parallel_loop3A_555 = tpu.memref_slice %parallel_loop3A_554[%parallel_loop3A_203] : memref<4096xf32, #tpu.memory_space<vmem>> -> memref<128xf32, #tpu.memory_space<vmem>>
        tpu.vector_store_idx %parallel_loop3A_555[%add3A_38], %parallel_loop3A_550 : memref<128xf32, #tpu.memory_space<vmem>>[vector<16xi32>], vector<16xf32>,
        %parallel_loop3A_556 = arith.constant 0.000000e+00 : f32
        %parallel_loop3A_557 = vector.broadcast %parallel_loop3A_556 : f32 to vector<16xf32>
        %parallel_loop3A_558 = arith.constant 0.000000e+00 : f32
        %parallel_loop3A_559 = vector.broadcast %parallel_loop3A_558 : f32 to vector<16xf32>
        %parallel_loop3A_560 = arith.constant 6144 : i32
        %parallel_loop3A_561 = tpu.memref_slice %arg6[%parallel_loop3A_560] : memref<8192xi32, #tpu.memory_space<vmem>> -> memref<256xi32, #tpu.memory_space<vmem>>
        %parallel_loop3A_562 = tpu.vector_load_idx %parallel_loop3A_561[%parallel_loop3A_211] : memref<256xi32, #tpu.memory_space<vmem>>[vector<16xi32>], vector<16xi32>,
        %parallel_loop3A_563 = arith.constant 16 : i32
        %parallel_loop3A_564 = vector.broadcast %parallel_loop3A_563 : i32 to vector<16xi32>
        %parallel_loop3A_565 = arith.shli %parallel_loop3A_562, %parallel_loop3A_564 : vector<16xi32>
        %parallel_loop3A_566 = vector.bitcast %parallel_loop3A_565 : vector<16xi32> to vector<16xf32>
        %parallel_loop3A_567 = arith.addf %parallel_loop3A_557, %parallel_loop3A_566 : vector<16xf32>
        %parallel_loop3A_568 = vector.bitcast %parallel_loop3A_562 : vector<16xi32> to vector<16xf32>
        %parallel_loop3A_569 = arith.addf %parallel_loop3A_559, %parallel_loop3A_568 : vector<16xf32>
        %parallel_loop3A_570 = arith.constant 6400 : i32
        %parallel_loop3A_571 = tpu.memref_slice %arg6[%parallel_loop3A_570] : memref<8192xi32, #tpu.memory_space<vmem>> -> memref<256xi32, #tpu.memory_space<vmem>>
        %parallel_loop3A_572 = tpu.vector_load_idx %parallel_loop3A_571[%parallel_loop3A_219] : memref<256xi32, #tpu.memory_space<vmem>>[vector<16xi32>], vector<16xi32>,
        %parallel_loop3A_573 = arith.constant 16 : i32
        %parallel_loop3A_574 = vector.broadcast %parallel_loop3A_573 : i32 to vector<16xi32>
        %parallel_loop3A_575 = arith.shli %parallel_loop3A_572, %parallel_loop3A_574 : vector<16xi32>
        %parallel_loop3A_576 = vector.bitcast %parallel_loop3A_575 : vector<16xi32> to vector<16xf32>
        %parallel_loop3A_577 = arith.addf %parallel_loop3A_567, %parallel_loop3A_576 : vector<16xf32>
        %parallel_loop3A_578 = vector.bitcast %parallel_loop3A_572 : vector<16xi32> to vector<16xf32>
        %parallel_loop3A_579 = arith.addf %parallel_loop3A_569, %parallel_loop3A_578 : vector<16xf32>
        %parallel_loop3A_580 = arith.constant 6656 : i32
        %parallel_loop3A_581 = tpu.memref_slice %arg6[%parallel_loop3A_580] : memref<8192xi32, #tpu.memory_space<vmem>> -> memref<256xi32, #tpu.memory_space<vmem>>
        %parallel_loop3A_582 = tpu.vector_load_idx %parallel_loop3A_581[%parallel_loop3A_227] : memref<256xi32, #tpu.memory_space<vmem>>[vector<16xi32>], vector<16xi32>,
        %parallel_loop3A_583 = arith.constant 16 : i32
        %parallel_loop3A_584 = vector.broadcast %parallel_loop3A_583 : i32 to vector<16xi32>
        %parallel_loop3A_585 = arith.shli %parallel_loop3A_582, %parallel_loop3A_584 : vector<16xi32>
        %parallel_loop3A_586 = vector.bitcast %parallel_loop3A_585 : vector<16xi32> to vector<16xf32>
        %parallel_loop3A_587 = arith.addf %parallel_loop3A_577, %parallel_loop3A_586 : vector<16xf32>
        %parallel_loop3A_588 = vector.bitcast %parallel_loop3A_582 : vector<16xi32> to vector<16xf32>
        %parallel_loop3A_589 = arith.addf %parallel_loop3A_579, %parallel_loop3A_588 : vector<16xf32>
        %parallel_loop3A_590 = arith.constant 6912 : i32
        %parallel_loop3A_591 = tpu.memref_slice %arg6[%parallel_loop3A_590] : memref<8192xi32, #tpu.memory_space<vmem>> -> memref<256xi32, #tpu.memory_space<vmem>>
        %parallel_loop3A_592 = tpu.vector_load_idx %parallel_loop3A_591[%parallel_loop3A_235] : memref<256xi32, #tpu.memory_space<vmem>>[vector<16xi32>], vector<16xi32>,
        %parallel_loop3A_593 = arith.constant 16 : i32
        %parallel_loop3A_594 = vector.broadcast %parallel_loop3A_593 : i32 to vector<16xi32>
        %parallel_loop3A_595 = arith.shli %parallel_loop3A_592, %parallel_loop3A_594 : vector<16xi32>
        %parallel_loop3A_596 = vector.bitcast %parallel_loop3A_595 : vector<16xi32> to vector<16xf32>
        %parallel_loop3A_597 = arith.addf %parallel_loop3A_587, %parallel_loop3A_596 : vector<16xf32>
        %parallel_loop3A_598 = vector.bitcast %parallel_loop3A_592 : vector<16xi32> to vector<16xf32>
        %parallel_loop3A_599 = arith.addf %parallel_loop3A_589, %parallel_loop3A_598 : vector<16xf32>
        %parallel_loop3A_600 = arith.constant 7168 : i32
        %parallel_loop3A_601 = tpu.memref_slice %arg6[%parallel_loop3A_600] : memref<8192xi32, #tpu.memory_space<vmem>> -> memref<256xi32, #tpu.memory_space<vmem>>
        %parallel_loop3A_602 = tpu.vector_load_idx %parallel_loop3A_601[%parallel_loop3A_243] : memref<256xi32, #tpu.memory_space<vmem>>[vector<16xi32>], vector<16xi32>,
        %parallel_loop3A_603 = arith.constant 16 : i32
        %parallel_loop3A_604 = vector.broadcast %parallel_loop3A_603 : i32 to vector<16xi32>
        %parallel_loop3A_605 = arith.shli %parallel_loop3A_602, %parallel_loop3A_604 : vector<16xi32>
        %parallel_loop3A_606 = vector.bitcast %parallel_loop3A_605 : vector<16xi32> to vector<16xf32>
        %parallel_loop3A_607 = arith.addf %parallel_loop3A_597, %parallel_loop3A_606 : vector<16xf32>
        %parallel_loop3A_608 = vector.bitcast %parallel_loop3A_602 : vector<16xi32> to vector<16xf32>
        %parallel_loop3A_609 = arith.addf %parallel_loop3A_599, %parallel_loop3A_608 : vector<16xf32>
        %parallel_loop3A_610 = arith.constant 7424 : i32
        %parallel_loop3A_611 = tpu.memref_slice %arg6[%parallel_loop3A_610] : memref<8192xi32, #tpu.memory_space<vmem>> -> memref<256xi32, #tpu.memory_space<vmem>>
        %parallel_loop3A_612 = tpu.vector_load_idx %parallel_loop3A_611[%parallel_loop3A_251] : memref<256xi32, #tpu.memory_space<vmem>>[vector<16xi32>], vector<16xi32>,
        %parallel_loop3A_613 = arith.constant 16 : i32
        %parallel_loop3A_614 = vector.broadcast %parallel_loop3A_613 : i32 to vector<16xi32>
        %parallel_loop3A_615 = arith.shli %parallel_loop3A_612, %parallel_loop3A_614 : vector<16xi32>
        %parallel_loop3A_616 = vector.bitcast %parallel_loop3A_615 : vector<16xi32> to vector<16xf32>
        %parallel_loop3A_617 = arith.addf %parallel_loop3A_607, %parallel_loop3A_616 : vector<16xf32>
        %parallel_loop3A_618 = vector.bitcast %parallel_loop3A_612 : vector<16xi32> to vector<16xf32>
        %parallel_loop3A_619 = arith.addf %parallel_loop3A_609, %parallel_loop3A_618 : vector<16xf32>
        %parallel_loop3A_620 = arith.constant 7680 : i32
        %parallel_loop3A_621 = tpu.memref_slice %arg6[%parallel_loop3A_620] : memref<8192xi32, #tpu.memory_space<vmem>> -> memref<256xi32, #tpu.memory_space<vmem>>
        %parallel_loop3A_622 = tpu.vector_load_idx %parallel_loop3A_621[%parallel_loop3A_259] : memref<256xi32, #tpu.memory_space<vmem>>[vector<16xi32>], vector<16xi32>,
        %parallel_loop3A_623 = arith.constant 16 : i32
        %parallel_loop3A_624 = vector.broadcast %parallel_loop3A_623 : i32 to vector<16xi32>
        %parallel_loop3A_625 = arith.shli %parallel_loop3A_622, %parallel_loop3A_624 : vector<16xi32>
        %parallel_loop3A_626 = vector.bitcast %parallel_loop3A_625 : vector<16xi32> to vector<16xf32>
        %parallel_loop3A_627 = arith.addf %parallel_loop3A_617, %parallel_loop3A_626 : vector<16xf32>
        %parallel_loop3A_628 = vector.bitcast %parallel_loop3A_622 : vector<16xi32> to vector<16xf32>
        %parallel_loop3A_629 = arith.addf %parallel_loop3A_619, %parallel_loop3A_628 : vector<16xf32>
        %parallel_loop3A_630 = arith.constant 7936 : i32
        %parallel_loop3A_631 = tpu.memref_slice %arg6[%parallel_loop3A_630] : memref<8192xi32, #tpu.memory_space<vmem>> -> memref<256xi32, #tpu.memory_space<vmem>>
        %parallel_loop3A_632 = tpu.vector_load_idx %parallel_loop3A_631[%parallel_loop3A_267] : memref<256xi32, #tpu.memory_space<vmem>>[vector<16xi32>], vector<16xi32>,
        %parallel_loop3A_633 = arith.constant 16 : i32
        %parallel_loop3A_634 = vector.broadcast %parallel_loop3A_633 : i32 to vector<16xi32>
        %parallel_loop3A_635 = arith.shli %parallel_loop3A_632, %parallel_loop3A_634 : vector<16xi32>
        %parallel_loop3A_636 = vector.bitcast %parallel_loop3A_635 : vector<16xi32> to vector<16xf32>
        %parallel_loop3A_637 = arith.addf %parallel_loop3A_627, %parallel_loop3A_636 : vector<16xf32>
        %parallel_loop3A_638 = vector.bitcast %parallel_loop3A_632 : vector<16xi32> to vector<16xf32>
        %parallel_loop3A_639 = arith.addf %parallel_loop3A_629, %parallel_loop3A_638 : vector<16xf32>
        %parallel_loop3A_640 = arith.mulf %parallel_loop3A_637, %gather3A_179 : vector<16xf32>
        %parallel_loop3A_641 = arith.constant 1 : i32
        %parallel_loop3A_642 = arith.constant 0 : i32
        %parallel_loop3A_643 = tpu.memref_slice %arg9[%parallel_loop3A_641, %parallel_loop3A_642] : memref<2x4096xf32, #tpu.memory_space<vmem>> -> memref<1x4096xf32, #tpu.memory_space<vmem>>
        %parallel_loop3A_644 = tpu.memref_squeeze %parallel_loop3A_643 : memref<1x4096xf32, #tpu.memory_space<vmem>> -> memref<4096xf32, #tpu.memory_space<vmem>>
        %parallel_loop3A_645 = tpu.memref_slice %parallel_loop3A_644[%parallel_loop3A_203] : memref<4096xf32, #tpu.memory_space<vmem>> -> memref<128xf32, #tpu.memory_space<vmem>>
        tpu.vector_store_idx %parallel_loop3A_645[%add3A_44], %parallel_loop3A_640 : memref<128xf32, #tpu.memory_space<vmem>>[vector<16xi32>], vector<16xf32>,
        %parallel_loop3A_646 = arith.mulf %parallel_loop3A_639, %gather3A_179 : vector<16xf32>
        %parallel_loop3A_647 = arith.constant 1 : i32
        %parallel_loop3A_648 = arith.constant 0 : i32
        %parallel_loop3A_649 = tpu.memref_slice %arg9[%parallel_loop3A_647, %parallel_loop3A_648] : memref<2x4096xf32, #tpu.memory_space<vmem>> -> memref<1x4096xf32, #tpu.memory_space<vmem>>
        %parallel_loop3A_650 = tpu.memref_squeeze %parallel_loop3A_649 : memref<1x4096xf32, #tpu.memory_space<vmem>> -> memref<4096xf32, #tpu.memory_space<vmem>>
        %parallel_loop3A_651 = tpu.memref_slice %parallel_loop3A_650[%parallel_loop3A_203] : memref<4096xf32, #tpu.memory_space<vmem>> -> memref<128xf32, #tpu.memory_space<vmem>>
        tpu.vector_store_idx %parallel_loop3A_651[%add3A_50], %parallel_loop3A_646 : memref<128xf32, #tpu.memory_space<vmem>>[vector<16xi32>], vector<16xf32>,
      } {sc.loop_unroll_factor = 2 : i64, sc.parallel_access}
      %dma_start3A_183 = arith.constant 1 : i32
      %dma_start3A_184 = arith.constant 0 : i32
      %dma_start3A_185 = tpu.memref_slice %arg9[%dma_start3A_183, %dma_start3A_184] : memref<2x4096xf32, #tpu.memory_space<vmem>> -> memref<1x4096xf32, #tpu.memory_space<vmem>>
      %dma_start3A_186 = tpu.memref_squeeze %dma_start3A_185 : memref<1x4096xf32, #tpu.memory_space<vmem>> -> memref<4096xf32, #tpu.memory_space<vmem>>
      %dma_start3A_187 = arith.constant 0 : i32
      %dma_start3A_188 = tpu.memref_slice %arg5[%add3A_159, %dma_start3A_187] : memref<4096x4096xf32, #tpu.memory_space<hbm>> -> memref<1x4096xf32, #tpu.memory_space<hbm>>
      %dma_start3A_189 = tpu.memref_squeeze %dma_start3A_188 : memref<1x4096xf32, #tpu.memory_space<hbm>> -> memref<4096xf32, #tpu.memory_space<hbm>>
      %dma_start3A_190 = arith.constant 0 : i32
      %dma_start3A_191 = tpu.memref_slice %arg5[%add3A_159, %dma_start3A_190] : memref<4096x4096xf32, #tpu.memory_space<hbm>> -> memref<1x4096xf32, #tpu.memory_space<hbm>>
      %dma_start3A_192 = tpu.memref_squeeze %dma_start3A_191 : memref<1x4096xf32, #tpu.memory_space<hbm>> -> memref<4096xf32, #tpu.memory_space<hbm>>
      %dma_start3A_193 = arith.constant 0 : i32
      %dma_start3A_194 = tpu.memref_slice %arg9[%dma_start3A_183, %dma_start3A_193] : memref<2x4096xf32, #tpu.memory_space<vmem>> -> memref<1x4096xf32, #tpu.memory_space<vmem>>
      %dma_start3A_195 = tpu.memref_squeeze %dma_start3A_194 : memref<1x4096xf32, #tpu.memory_space<vmem>> -> memref<4096xf32, #tpu.memory_space<vmem>>
      tpu.enqueue_dma source(%dma_start3A_195 : memref<4096xf32, #tpu.memory_space<vmem>>) target(%dma_start3A_192 : memref<4096xf32, #tpu.memory_space<hbm>>) target_semaphore(%arg13 : memref<!tpu.dma_semaphore, #tpu.memory_space<semaphore_mem>>)
      %lt3A_196 = arith.constant 63 : i32
      %lt3A_197 = arith.cmpi slt, %scan3A_115, %lt3A_196 : i32
      %convert_element_type3A_198 = arith.extui %lt3A_197 : i1 to i32
      %cond3A_199 = arith.constant 0 : i32
      %cond3A_200 = arith.cmpi ne, %convert_element_type3A_198, %cond3A_199 : i32
      scf.if %cond3A_200 {
        %add3A_201 = arith.constant 2 : i32
        %add3A_202 = arith.addi %add3A_159, %add3A_201 : i32
        %dma_start3A_203 = arith.constant 1 : i32
        %dma_start3A_204 = arith.constant 0 : i32
        %dma_start3A_205 = tpu.memref_slice %arg8[%dma_start3A_203, %dma_start3A_204] : memref<2x4096xi32, #tpu.memory_space<vmem>> -> memref<1x4096xi32, #tpu.memory_space<vmem>>
        %dma_start3A_206 = tpu.memref_squeeze %dma_start3A_205 : memref<1x4096xi32, #tpu.memory_space<vmem>> -> memref<4096xi32, #tpu.memory_space<vmem>>
        %dma_start3A_207 = arith.constant 0 : i32
        %dma_start3A_208 = tpu.memref_slice %arg2[%add3A_202, %dma_start3A_207] : memref<4096x4096xi32, #tpu.memory_space<hbm>> -> memref<1x4096xi32, #tpu.memory_space<hbm>>
        %dma_start3A_209 = tpu.memref_squeeze %dma_start3A_208 : memref<1x4096xi32, #tpu.memory_space<hbm>> -> memref<4096xi32, #tpu.memory_space<hbm>>
        %dma_start3A_210 = arith.constant 0 : i32
        %dma_start3A_211 = tpu.memref_slice %arg8[%dma_start3A_203, %dma_start3A_210] : memref<2x4096xi32, #tpu.memory_space<vmem>> -> memref<1x4096xi32, #tpu.memory_space<vmem>>
        %dma_start3A_212 = tpu.memref_squeeze %dma_start3A_211 : memref<1x4096xi32, #tpu.memory_space<vmem>> -> memref<4096xi32, #tpu.memory_space<vmem>>
        %dma_start3A_213 = arith.constant 0 : i32
        %dma_start3A_214 = tpu.memref_slice %arg2[%add3A_202, %dma_start3A_213] : memref<4096x4096xi32, #tpu.memory_space<hbm>> -> memref<1x4096xi32, #tpu.memory_space<hbm>>
        %dma_start3A_215 = tpu.memref_squeeze %dma_start3A_214 : memref<1x4096xi32, #tpu.memory_space<hbm>> -> memref<4096xi32, #tpu.memory_space<hbm>>
        tpu.enqueue_dma source(%dma_start3A_215 : memref<4096xi32, #tpu.memory_space<hbm>>) target(%dma_start3A_212 : memref<4096xi32, #tpu.memory_space<vmem>>) target_semaphore(%arg11 : memref<!tpu.dma_semaphore, #tpu.memory_space<semaphore_mem>>)
      } else {
      }
    }
    %scan3A_82 = arith.constant 64 : i32
    %add3A_83 = arith.constant 128 : i32
    %add3A_84 = arith.addi %mul3A_2, %add3A_83 : i32
    %sub3A = arith.constant 2 : i32
    %sub3A_85 = arith.subi %add3A_84, %sub3A : i32
    %dma_wait3A = arith.constant 0 : i32
    %dma_wait3A_86 = arith.constant 0 : i32
    %dma_wait3A_87 = tpu.memref_slice %arg9[%dma_wait3A, %dma_wait3A_86] : memref<2x4096xf32, #tpu.memory_space<vmem>> -> memref<1x4096xf32, #tpu.memory_space<vmem>>
    %dma_wait3A_88 = tpu.memref_squeeze %dma_wait3A_87 : memref<1x4096xf32, #tpu.memory_space<vmem>> -> memref<4096xf32, #tpu.memory_space<vmem>>
    %dma_wait3A_89 = arith.constant 0 : i32
    %dma_wait3A_90 = tpu.memref_slice %arg5[%sub3A_85, %dma_wait3A_89] : memref<4096x4096xf32, #tpu.memory_space<hbm>> -> memref<1x4096xf32, #tpu.memory_space<hbm>>
    %dma_wait3A_91 = tpu.memref_squeeze %dma_wait3A_90 : memref<1x4096xf32, #tpu.memory_space<hbm>> -> memref<4096xf32, #tpu.memory_space<hbm>>
    %dma_wait3A_92 = arith.constant 0 : i32
    %dma_wait3A_93 = tpu.memref_slice %arg5[%sub3A_85, %dma_wait3A_92] : memref<4096x4096xf32, #tpu.memory_space<hbm>> -> memref<1x4096xf32, #tpu.memory_space<hbm>>
    %dma_wait3A_94 = tpu.memref_squeeze %dma_wait3A_93 : memref<1x4096xf32, #tpu.memory_space<hbm>> -> memref<4096xf32, #tpu.memory_space<hbm>>
    %dma_wait3A_95 = arith.constant 0 : i32
    %dma_wait3A_96 = tpu.memref_slice %arg9[%dma_wait3A, %dma_wait3A_95] : memref<2x4096xf32, #tpu.memory_space<vmem>> -> memref<1x4096xf32, #tpu.memory_space<vmem>>
    %dma_wait3A_97 = tpu.memref_squeeze %dma_wait3A_96 : memref<1x4096xf32, #tpu.memory_space<vmem>> -> memref<4096xf32, #tpu.memory_space<vmem>>
    tpu.wait_dma2 semaphore(%arg12 : memref<!tpu.dma_semaphore, #tpu.memory_space<semaphore_mem>>) src(%dma_wait3A_97 : memref<4096xf32, #tpu.memory_space<vmem>>) dst(%dma_wait3A_94 : memref<4096xf32, #tpu.memory_space<hbm>>)
    %add3A_98 = arith.constant 128 : i32
    %add3A_99 = arith.addi %mul3A_2, %add3A_98 : i32
    %sub3A_100 = arith.constant 1 : i32
    %sub3A_101 = arith.subi %add3A_99, %sub3A_100 : i32
    %dma_wait3A_102 = arith.constant 1 : i32
    %dma_wait3A_103 = arith.constant 0 : i32
    %dma_wait3A_104 = tpu.memref_slice %arg9[%dma_wait3A_102, %dma_wait3A_103] : memref<2x4096xf32, #tpu.memory_space<vmem>> -> memref<1x4096xf32, #tpu.memory_space<vmem>>
    %dma_wait3A_105 = tpu.memref_squeeze %dma_wait3A_104 : memref<1x4096xf32, #tpu.memory_space<vmem>> -> memref<4096xf32, #tpu.memory_space<vmem>>
    %dma_wait3A_106 = arith.constant 0 : i32
    %dma_wait3A_107 = tpu.memref_slice %arg5[%sub3A_101, %dma_wait3A_106] : memref<4096x4096xf32, #tpu.memory_space<hbm>> -> memref<1x4096xf32, #tpu.memory_space<hbm>>
    %dma_wait3A_108 = tpu.memref_squeeze %dma_wait3A_107 : memref<1x4096xf32, #tpu.memory_space<hbm>> -> memref<4096xf32, #tpu.memory_space<hbm>>
    %dma_wait3A_109 = arith.constant 0 : i32
    %dma_wait3A_110 = tpu.memref_slice %arg5[%sub3A_101, %dma_wait3A_109] : memref<4096x4096xf32, #tpu.memory_space<hbm>> -> memref<1x4096xf32, #tpu.memory_space<hbm>>
    %dma_wait3A_111 = tpu.memref_squeeze %dma_wait3A_110 : memref<1x4096xf32, #tpu.memory_space<hbm>> -> memref<4096xf32, #tpu.memory_space<hbm>>
    %dma_wait3A_112 = arith.constant 0 : i32
    %dma_wait3A_113 = tpu.memref_slice %arg9[%dma_wait3A_102, %dma_wait3A_112] : memref<2x4096xf32, #tpu.memory_space<vmem>> -> memref<1x4096xf32, #tpu.memory_space<vmem>>
    %dma_wait3A_114 = tpu.memref_squeeze %dma_wait3A_113 : memref<1x4096xf32, #tpu.memory_space<vmem>> -> memref<4096xf32, #tpu.memory_space<vmem>>
    tpu.wait_dma2 semaphore(%arg13 : memref<!tpu.dma_semaphore, #tpu.memory_space<semaphore_mem>>) src(%dma_wait3A_114 : memref<4096xf32, #tpu.memory_space<vmem>>) dst(%dma_wait3A_111 : memref<4096xf32, #tpu.memory_space<hbm>>)
    return
  }
}

</mosaic_0001>

<sc_bundles>
// kernel: kernel.3.cloned.1.call-start
scs
__scs_entry_jumppad:
0x0: {  	(pc) =	sbr.rel $0x88, $3  }
0x1: {  	(tag) =	ssettag $0x0;
	lr =	simm.s32 $0x1  }
0x2: {  	[smem:$0x3F9E] =	sst lr;
	_ =	strace $0xD0000000  }
0x3: {  	_ = 	snop  }
0x4: {  	_ = 	snop  }
0x5: {  	_ = 	snop  }
0x6: {  	_ = 	snop  }
0x7: {  	_ = 	snop  }
__scs_overlays_trampoline_lowered:
0x8: {  	[smem:$0x3FAD] =	sst s0  }
0x9: {  	[smem:$0x3FAE] =	sst s1  }
0xa: {  	[smem:$0x3FAF] =	sst s2  }
0xb: {  	[smem:$0x3FB0] =	sst s3  }
0xc: {  	[smem:$0x3FB1] =	sst s4  }
0xd: {  	[smem:$0x3FB2] =	sst s5  }
0xe: {  	[smem:$0x3FB3] =	sst s6  }
0xf: {  	[smem:$0x3FB4] =	sst s7  }
0x10: {  	[smem:$0x3FB5] =	sst s8  }
0x11: {  	[smem:$0x3FB6] =	sst s9;
	s0 =	simm.s32 @!p0 $0x0  }
0x12: {  	s1 =	sld [smem:$0x3F9C];
	s0 =	simm.s32 @p0 $0x1  }
0x13: {  	[smem:$0x3FB7] =	sst s0;
	s0 =	simm.s32 @!p1 $0x0  }
0x14: {  	s2 =	sld [smem:$0x3F9B];
	s0 =	simm.s32 @p1 $0x1  }
0x15: {  	[smem:$0x3FB8] =	sst s0;
	s0 =	simm.s32 @!p2 $0x0  }
0x16: {  	s3 =	sld [smem:$0x3FDB];
	s0 =	simm.s32 @p2 $0x1  }
0x17: {  	s4 =	simm.s32 $0x1BF5;
	[smem:$0x3FBA] =	sst s0  }
0x18: {  	s0 =	sld [smem:$0x3F9D];
	_ =	swait.ge [sflag:s4], $0x0  }
0x19: {  	s7 =	sld [smem:$0x3F9E]  }
0x1a: {  	s8 =	sadd.s32 $0xFFFFE003, lr  }
0x1b: {  	s9 =	sadd.s32 $0xFFFFFEF7, lr;
	s5 =	simm.s32 $0xFFFFFFFF;
	p2 =	slt.u32 s8, $0xFFFFF086  }
0x1c: {  	p1 =	slt.u32 s9, $0xF7A;
	s5 =	simm.s32 @!p2 $0x0  }
0x1d: {  	s5 =	simm.s32 @p1 $0x1;
	p0 =	seq.s32 s7, s2  }
0x1e: {  	s7 =	smul.u32 @!p0 $0xF7A, s2;
	p2 =	seq.s32 @!p0 s5, $0x0  }
0x1f: {  	s9 =	smul.u32 $0xF7A, s1;
	s8 =	simm.s32 @!p0 $0x1BF5;
	p2 =	por !p2, p0  }
0x20: {  	[sflag:s8] =	ssyncset.s32 @!p0 $0xFFFFF086;
	s6 =	sadd.s32 @!p0 s3, s7;
	s7 =	simm.s32 @!p0 $0x108  }
0x21: {  	s3 =	sadd.s32 s3, s9;
	s6 =	sadd.s32 @!p0 $0x88, s6;
	s7 =	simm.s32 @p2 $0x1082  }
0x22: {  	[simem:s7], [sflag:s8] =	dma.local @!p0 [hbm:s6], $0xF7A  }
0x23: {  	s9 =	sor.u32 $0xD0000000, s2;
	s6 =	simm.s32 $0x108;
	_ =	swait.ge @!p0 [sflag:s8], $0x0  }
0x24: {  	s3 =	sadd.s32 $0x88, s3;
	s6 =	simm.s32 @!p1 $0x1082;
	[sflag:s4] =	ssyncset.s32 $0xFFFFF086  }
0x25: {  	[simem:s6], [sflag:s4] =	dma.local [hbm:s3], $0xF7A  }
0x26: {  	[smem:$0x3F9E] =	sst s1;
	(tag) =	ssettag s2;
	_ =	strace s9  }
0x27: {  	s1 =	sld [smem:$0x3FAE]  }
0x28: {  	s2 =	sld [smem:$0x3FAF]  }
0x29: {  	s4 =	sld [smem:$0x3FB1]  }
0x2a: {  	p0 =	seq.s32 s5, $0x0;
	s5 =	sld [smem:$0x3FB2]  }
0x2b: {  	s6 =	sld [smem:$0x3FB3]  }
0x2c: {  	s7 =	sld [smem:$0x3FB4]  }
0x2d: {  	s3 =	simm.s32 $0x108;
	s8 =	sld [smem:$0x3FB5]  }
0x2e: {  	s3 =	simm.s32 @!p0 $0x1082;
	s9 =	sld [smem:$0x3FB6]  }
0x2f: {  	lr =	sadd.s32 s0, s3;
	s0 =	sld [smem:$0x3FAD]  }
0x30: {  	s3 =	sld [smem:$0x3FB0]  }
0x31: {  	[smem:$0x3FB9] =	sst s10  }
0x32: {  	s10 =	sld [smem:$0x3FB7];
	_ =	sdelay $0x3  }
0x33: {  	p0 =	seq.s32 s10, $0x1;
	s10 =	sld [smem:$0x3FB9];
	_ =	sdelay $0x3  }
0x34: {  	[smem:$0x3FB9] =	sst s10  }
0x35: {  	s10 =	sld [smem:$0x3FB8];
	_ =	sdelay $0x3  }
0x36: {  	p1 =	seq.s32 s10, $0x1;
	s10 =	sld [smem:$0x3FB9];
	_ =	sdelay $0x3  }
0x37: {  	[smem:$0x3FB9] =	sst s10  }
0x38: {  	s10 =	sld [smem:$0x3FBA]  }
0x39: {  	_ = 	snop;
	(pc) =	sbr.ind lr, $3  }
0x3a: {  	_ = 	snop  }
0x3b: {  	_ = 	snop  }
0x3c: {  	p2 =	seq.s32 s10, $0x1;
	s10 =	sld [smem:$0x3FB9]  }
0x3d: {  	_ =	shalt  }
0x3e: {  	_ =	shalt  }
0x3f: {  	_ =	shalt  }
0x40: {  	_ =	shalt  }
0x41: {  	_ =	shalt  }
0x42: {  	_ =	shalt  }
0x43: {  	_ =	shalt  }
0x44: {  	_ =	shalt  }
0x45: {  	_ =	shalt  }
0x46: {  	_ =	shalt  }
0x47: {  	_ =	shalt  }
0x48: {  	_ =	shalt  }
0x49: {  	_ =	shalt  }
0x4a: {  	_ =	shalt  }
0x4b: {  	_ =	shalt  }
0x4c: {  	_ =	shalt  }
0x4d: {  	_ =	shalt  }
0x4e: {  	_ =	shalt  }
0x4f: {  	_ =	shalt  }
0x50: {  	_ =	shalt  }
0x51: {  	_ =	shalt  }
0x52: {  	_ =	shalt  }
0x53: {  	_ =	shalt  }
0x54: {  	_ =	shalt  }
0x55: {  	_ =	shalt  }
0x56: {  	_ =	shalt  }
0x57: {  	_ =	shalt  }
0x58: {  	_ =	shalt  }
0x59: {  	_ =	shalt  }
0x5a: {  	_ =	shalt  }
0x5b: {  	_ =	shalt  }
0x5c: {  	_ =	shalt  }
0x5d: {  	_ =	shalt  }
0x5e: {  	_ =	shalt  }
0x5f: {  	_ =	shalt  }
0x60: {  	_ =	shalt  }
0x61: {  	_ =	shalt  }
0x62: {  	_ =	shalt  }
0x63: {  	_ =	shalt  }
0x64: {  	_ =	shalt  }
0x65: {  	_ =	shalt  }
0x66: {  	_ =	shalt  }
0x67: {  	_ =	shalt  }
0x68: {  	_ =	shalt  }
0x69: {  	_ =	shalt  }
0x6a: {  	_ =	shalt  }
0x6b: {  	_ =	shalt  }
0x6c: {  	_ =	shalt  }
0x6d: {  	_ =	shalt  }
0x6e: {  	_ =	shalt  }
0x6f: {  	_ =	shalt  }
0x70: {  	_ =	shalt  }
0x71: {  	_ =	shalt  }
0x72: {  	_ =	shalt  }
0x73: {  	_ =	shalt  }
0x74: {  	_ =	shalt  }
0x75: {  	_ =	shalt  }
0x76: {  	_ =	shalt  }
0x77: {  	_ =	shalt  }
0x78: {  	_ =	shalt  }
0x79: {  	_ =	shalt  }
0x7a: {  	_ =	shalt  }
0x7b: {  	_ =	shalt  }
0x7c: {  	_ =	shalt  }
0x7d: {  	_ =	shalt  }
0x7e: {  	_ =	shalt  }
0x7f: {  	_ =	shalt  }
0x80: {  	_ =	shalt  }
0x81: {  	_ =	shalt  }
0x82: {  	_ =	shalt  }
0x83: {  	_ =	shalt  }
0x84: {  	_ =	shalt  }
0x85: {  	_ =	shalt  }
0x86: {  	_ =	shalt  }
0x87: {  	_ =	shalt  }
.Lfunc_end0:
.L_simem_size_0:
called_computation.1_lowered:
.L_overlay_start_0:
0x88: {  	s2 =	sld [smem:$0x3FD9]  }
0x89: {  	s3 =	sld [smem:$0x3FFE];
	_ =	sdelay $0x1  }
0x8a: {  	s1 =	srdreg.scid  }
0x8b: {  	s0 =	sand.u32 $0x1, s1  }
0x8c: {  	s17 =	sshll.u32 s0, $0xA;
	s2 =	sadd.s32 s3, s2  }
0x8d: {  	s2 =	sadd.s32 s2, s17  }
0x8e: {  	[smem:$0x3FC5] =	sst s2  }
0x8f: {  	_ = 	snop  }
0x90: {  	s2 =	sld [smem:$0x3FC7]  }
0x91: {  	s18 =	sld [smem:$0x3FD0];
	(tm) =	ssettm $0x1  }
0x92: {  	s4 =	sld [smem:$0x3FFB];
	_ =	sdelay $0x3  }
0x93: {  	_ =	strace s4  }
0x94: {  	s4 =	sld [smem:$0x3FFC];
	_ =	sdelay $0x3  }
0x95: {  	_ =	strace s4  }
0x96: {  	s4 =	sld [smem:$0x3FFD];
	_ =	sdelay $0x3  }
0x97: {  	_ =	strace s4  }
0x98: {  	_ =	strace $0x8FFFFFFF  }
0x99: {  	s19 =	sld [smem:$0x3FDB];
	_ =	sdelay $0x1  }
0x9a: {  	s5 =	simm.s32 $_scs_section_size  }
0x9b: {  	s6 =	simm.s32 $_size__tile_overlayer_lowered;
	s7 =	simm.s32 $_tile_overlayer_lowered  }
0x9c: {  	s22 =	simm.s32 $0x1BFF;
	s21 =	sshll.u32 s7, $0x1;
	s4 =	sadd.s32 s5, s19  }
0x9d: {  	s8 =	simm.s32 $0x0;
	s20 =	sshll.u32 s6, $0x1;
	s6 =	sadd.s32 s21, s4  }
0x9e: {  	[timem:s8], [sflag:s22] =	dma.local [hbm:s6], s20  }
0x9f: {  	_ =	swait.ge [sflag:s22], s20  }
0xa0: {  	s5 =	ssub.s32 $0x0, s20;
	[sflag:s22] =	ssyncset.done $0x0  }
0xa1: {  	[sflag:s22] =	ssyncadd.s32 s5;
	_ =	sdelay $0x1  }
0xa2: {  	s23 =	simm.s32 $0x1B8B  }
0xa3: {  	_ =	swait.ge [sflag:s23], $0x1  }
0xa4: {  	[sflag:s23] =	ssyncset.done $0x0  }
0xa5: {  	s25 =	simm.s32 $0x1B8E;
	s24 =	sld [smem:$0x3FFE];
	[sflag:s23] =	ssyncadd.s32 $0xFFFFFFFF  }
0xa6: {  	s26 =	simm.s32 $execute0_lowered;
	[smem:$0x3FD2] =	sst s25  }
0xa7: {  	s6 =	sshll.u32 s26, $0x1;
	_ =	strace $0x80000049;
	[dreg:$0x1] =	wrdreg $0xFFFFFFFF  }
0xa8: {  	s28 =	simm.s32 $_size_execute0_lowered;
	s4 =	sadd.s32 s4, s6;
	[dreg:$0x0] =	wrdreg $0x0  }
0xa9: {  	s6 =	sshll.u32 s28, $0x1;
	[dreg:$0x2] =	wrdreg s4  }
0xaa: {  	[dreg:$0x3] =	wrdreg s6  }
0xab: {  	[dreg:$0x4] =	wrdreg $0xC0  }
0xac: {  	_ =	task [dreg:s8], $0x5FFFF  }
0xad: {  	[dreg:$0x1] =	wrdreg $0xFFFFFFFF  }
0xae: {  	[dreg:$0x0] =	wrdreg $0x60  }
0xaf: {  	[dreg:$0x2] =	wrdreg s24  }
0xb0: {  	[dreg:$0x3] =	wrdreg s2  }
0xb1: {  	[dreg:$0x4] =	wrdreg s18  }
0xb2: {  	[dreg:$0x5] =	wrdreg $0x9  }
0xb3: {  	_ =	task.clear_ibuf [dreg:s8], $0x6FFFF;
	_ =	strace $0x90000049  }
0xb4: {  	s29 =	simm.s32 $0x9;
	_ =	strace $0x8000004B  }
0xb5: {  	_ =	swait.ge [sflag:s29], $0x1  }
0xb6: {  	[sflag:s29] =	ssyncadd.s32 $0xFFFFFFFF  }
0xb7: {  	_ =	strace $0x9000004B  }
0xb8: {  	_ =	sfence  }
0xb9: {  	s30 =	sld [smem:$0x0];
	_ =	sdelay $0x2  }
0xba: {  	s31 =	sshll.u32 s1, $0xD;
	s1 =	sshrl.u32 s1, $0x2  }
0xbb: {  	s3 =	sand.u32 $0x4000, s31;
	s1 =	sadd.s32 s1, s30  }
0xbc: {  	s0 =	sor.u32 s3, s0;
	s1 =	sshll.u32 s1, $0x11  }
0xbd: {  	s0 =	sor.u32 s1, s0  }
0xbe: {  	s0 =	sadd.s32 $0x8F2B, s0  }
0xbf: {  	[sflag:s0] =	ssyncadd.remote.s32 $0x1  }
0xc0: {  	_ =	sfence.sel $0xFFFF  }
0xc1: {  	[dreg:$0x0] =	wrdreg $0xFFFFFFFF;
	(pc) =	sbr.abs _section_cstart, $3  }
0xc2: {  	[dreg:$0x1] =	wrdreg $0xFFFFFFFF  }
0xc3: {  	_ =	task.clear_ibuf [dreg:s8], $0x2FFFF;
	_ =	strace $0x9FFFFFFF  }
0xc4: {  	(tm) =	ssettm $0x7FFFFFFF  }
0xc5: {  	_ =	shalt  }
tec
execute0_lowered:
.L_overlay_start_1:
0x0: {  	(tag) =	ssettag $0x1  }
0x1: {  	s0 =	rddreg [dreg:$0x0]  }
0x2: {  	s1 =	rddreg [dreg:$0x1]  }
0x3: {  	s2 =	srdreg.scid;
	s3 =	simm.s32 $0x0;
	s4 =	stileid.u32  }
0x4: {  	s30 =	simm.s32 $0x100;
	s31 =	simm.s32 $0x200;
	s28 =	simm.s32 $0x800  }
0x5: {  	s29 =	simm.s32 $0x900;
	s9 =	simm.s32 $0xB00;
	s8 =	simm.s32 $0xC00  }
0x6: {  	s2 =	sand.u32 $0x1, s2;
	[smem:$0x7FF] =	sst s3;
	s4 =	sshll.u32 s4, $0x8  }
0x7: {  	s6 =	sadd.s32 $0xA00, s0;
	s0 =	sadd.s32 $0x200A00, s0;
	s5 =	sshll.u32 s2, $0x7  }
0x8: {  	_ =	strace $0x8000004A;
	[dreg:$0x6] =	wrdreg s0;
	s24 =	ssub.s32 $0x2, s2  }
0x9: {  	[dreg:$0x4] =	wrdreg s6;
	s5 =	sor.u32 s5, s4;
	s26 =	sshrl.u32 s24, $0x1  }
0xa: {  	v0 =	vlaneseq.u32;
	s25 =	sshll.u32 s5, $0x9;
	[dreg:$0x5] =	wrdreg s5;
	s5 =	sshrl.u32 s5, $0x3  }
.Ltmp0:
0xb: {  	v0 =	vmul.u32 $0x8, v0;
	s0 =	ssub.s32 s24, s26;
	s1 =	sadd.s32 s1, s5;
	(pc) =	sbr.rel .LBB2_1-.Ltmp0, $4  }
0xc: {  	s7 =	simm.s32 $0xD00;
	s0 =	smax.u32 s0, $0x1;
	[dreg:$0x8] =	wrdreg s1  }
0xd: {  	s2 =	simm.s32 $0x0;
	v1 =	vor.u32 $0x1, v0;
	s6 =	sadd.s32 s6, s25;
	[dreg:$0xa] =	wrdreg s0  }
0xe: {  	s4 =	simm.s32 $0xF00;
	v2 =	vor.u32 $0x2, v0;
	v3 =	vor.u32 $0x3, v0;
	v4 =	vor.u32 $0x4, v0;
	s1 =	sadd.s32 $0x10, s6;
	[dreg:$0x7] =	wrdreg s6  }
0xf: {  	v5 =	vor.u32 $0x5, v0;
	v6 =	vor.u32 $0x6, v0;
	v7 =	vor.u32 $0x7, v0;
	s5 =	simm.s32 $0xE00;
	s25 =	simm.s32 $0x1100;
	[dreg:$0x9] =	wrdreg s1  }
.LBB2_22:
0x10: {  	s0 =	simm.s32 $0x3  }
0x11: {  	_ =	swait.ge [sflag:s0], $0x1000  }
0x12: {  	[sflag:s0] =	ssyncset.done $0x0  }
0x13: {  	s1 =	simm.s32 $0x4;
	[sflag:s0] =	ssyncadd.s32 $0xFFFFF000  }
0x14: {  	_ =	swait.ge [sflag:s1], $0x1000  }
0x15: {  	s2 =	rddreg [dreg:$0xb]  }
0x16: {  	s26 =	rddreg [dreg:$0xa];
	s2 =	sadd.s32 $0x1, s2  }
0x17: {  	p0 =	sne.s32 s2, s26  }
.Ltmp1:
0x18: {  	_ = 	snop;
	(pc) =	sbr.rel @!p0 .LBB2_23-.Ltmp1, $3  }
0x19: {  	_ =	sdelay $0x1  }
0x1a: {  	[sflag:s1] =	ssyncset.done $0x0;
	s6 =	rddreg [dreg:$0x7]  }
0x1b: {  	[sflag:s1] =	ssyncadd.s32 $0xFFFFF000;
	s1 =	rddreg [dreg:$0x9]  }
.LBB2_1:
0x1c: {  	[dreg:$0xb] =	wrdreg s2  }
0x1d: {  	s0 =	rddreg [dreg:$0x6];
	s15 =	simm.s32 $0x5  }
0x1e: {  	[tilespmem:s3], [sflag:$0x5] =	stream.linear.gather [hbm4b:s0+s3], $0x2000, $0x38;
	[tilespmem:$0x6080] =	vst v63  }
0x1f: {  	_ =	swait.ge [sflag:s15], $0x2000  }
0x20: {  	[sflag:s15] =	ssyncset.done $0x0  }
0x21: {  	s16 =	simm.s32 $0x2000;
	s26 =	rddreg [dreg:$0x8];
	[sflag:s15] =	ssyncadd.s32 $0xFFFFE000  }
0x22: {  	[tilespmem:s16], [sflag:$0x5] =	stream.linear.gather [hbm4b:s26+s3], $0x80, $0x38;
	[tilespmem:$0x6080] =	vst v63  }
0x23: {  	_ =	swait.ge [sflag:s15], $0x80  }
0x24: {  	s18 =	sadd.s32 $0x0, s6;
	s17 =	simm.s32 $0x2180;
	[sflag:s15] =	ssyncset.done $0x0  }
0x25: {  	s16 =	simm.s32 $0x80;
	[sflag:s15] =	ssyncadd.s32 $0xFFFFFF80;
	s15 =	simm.s32 $0x2080  }
.LBB2_2:
0x26: {  	[tilespmem:s15], [sflag:$0x1] =	stream.linear.gather [hbm4b:s18+s3], $0x80, $0x38;
	[tilespmem:$0x6080] =	vst v63  }
0x27: {  	s18 =	smov.u32 s16;
	s15 =	smov.u32 s17;
	p0 =	sne.s32 s16, $0xF80  }
.Ltmp2:
0x28: {  	s16 =	sadd.s32 $0x80, s16;
	(pc) =	sbr.rel @p0 .LBB2_2-.Ltmp2, $2  }
0x29: {  	_ =	sdelay $0x2  }
0x2a: {  	s17 =	sadd.s32 $0x100, s17;
	s18 =	sadd.s32 s18, s6  }
0x2b: {  	[tilespmem:s15], [sflag:$0x1] =	stream.linear.gather [hbm4b:s18+s3], $0x80, $0x38;
	[tilespmem:$0x6080] =	vst v63  }
0x2c: {  	s2 =	simm.s32 $0x0;
	s15 =	simm.s32 $0x2100  }
0x2d: {  	s16 =	simm.s32 $0x80;
	s18 =	sadd.s32 $0x0, s1;
	s17 =	simm.s32 $0x2200  }
.LBB2_4:
0x2e: {  	[tilespmem:s15], [sflag:$0x2] =	stream.linear.gather [hbm4b:s18+s2], $0x80, $0x38;
	[tilespmem:$0x6080] =	vst v63  }
0x2f: {  	s18 =	smov.u32 s16;
	s15 =	smov.u32 s17;
	p0 =	sne.s32 s16, $0xF80  }
.Ltmp3:
0x30: {  	s16 =	sadd.s32 $0x80, s16;
	(pc) =	sbr.rel @p0 .LBB2_4-.Ltmp3, $2  }
0x31: {  	_ =	sdelay $0x2  }
0x32: {  	s17 =	sadd.s32 $0x100, s17;
	s18 =	sadd.s32 s18, s1  }
0x33: {  	[tilespmem:s15], [sflag:$0x2] =	stream.linear.gather [hbm4b:s18+s2], $0x80, $0x38;
	[tilespmem:$0x6080] =	vst v63  }
.LBB2_6:
0x34: {  	s0 =	simm.s32 $0x1  }
0x35: {  	_ =	swait.ge [sflag:s0], $0x1000  }
0x36: {  	p0 =	seq.s32 s2, $0x0;
	[sflag:s0] =	ssyncset.done $0x0  }
0x37: {  	s16 =	simm.s32 $0x0;
	s15 =	simm.s32 @!p0 $0x3;
	[sflag:s0] =	ssyncadd.s32 $0xFFFFF000  }
0x38: {  	s17 =	simm.s32 $0x10;
	s16 =	sand.u32 $0x300, s16;
	_ =	swait.ge @!p0 [sflag:s15], $0x1000  }
0x39: {  	s17 =	sand.u32 $0x70, s17;
	s18 =	sor.u32 $0x2080, s16;
	[sflag:s15] =	ssyncset.done @!p0 $0x0  }
0x3a: {  	s10 =	sor.u32 s17, s18;
	[dreg:$0xc] =	wrdreg s2;
	[sflag:s15] =	ssyncadd.s32 @!p0 $0xFFFFF000  }
0x3b: {  	s19 =	sor.u32 $0x2480, s16;
	v10 =	vld [tilespmem:s10+$0x0]  }
0x3c: {  	s11 =	sor.u32 s17, s19  }
0x3d: {  	s20 =	sor.u32 $0x2880, s16;
	v12 =	vld [tilespmem:s11+$0x0]  }
0x3e: {  	s12 =	sor.u32 s17, s20  }
0x3f: {  	s21 =	sor.u32 $0x2C80, s16;
	v11 =	vld [tilespmem:s12+$0x0]  }
0x40: {  	s22 =	sor.u32 s17, s21;
	s15 =	sor.u32 $0x3080, s16  }
0x41: {  	s23 =	sor.u32 s17, s15;
	v9 =	vld [tilespmem:s22+$0x0]  }
0x42: {  	s22 =	sor.u32 $0x3480, s16;
	v36 =	vld [tilespmem:s23+$0x0]  }
0x43: {  	s13 =	sor.u32 s17, s22;
	v8 =	vld.idx.msk [tilespmem:v10+s3+$0x0], $0xffff  }
0x44: {  	s24 =	sor.u32 $0x3880, s16;
	v31 =	vld [tilespmem:s13+$0x0]  }
0x45: {  	s14 =	sor.u32 s17, s24;
	v13 =	vld.idx.msk [tilespmem:v12+s30+$0x0], $0xffff  }
0x46: {  	s16 =	sor.u32 $0x3C80, s16;
	v29 =	vld [tilespmem:s14+$0x0]  }
0x47: {  	s17 =	sor.u32 s17, s16;
	v14 =	vld.idx.msk [tilespmem:v11+s31+$0x0], $0xffff  }
0x48: {  	v27 =	vld [tilespmem:s17+$0x0];
	s17 =	simm.s32 $0x300;
	v15 =	vshll.u32 v8, $0x10  }
0x49: {  	s23 =	sshll.u32 s2, $0x1;
	v16 =	vld.idx.msk [tilespmem:v9+s17+$0x0], $0xffff;
	v15 =	vadd.f32 $0.0e+00, v15  }
0x4a: {  	s1 =	simm.s32 $0x400;
	[dreg:$0xd] =	wrdreg s23;
	v17 =	vshll.u32 v13, $0x10;
	v8 =	vadd.f32 $0.0e+00, v8  }
0x4b: {  	v18 =	vld.idx.msk [tilespmem:v36+s1+$0x0], $0xffff;
	v15 =	vadd.f32 v17, v15  }
0x4c: {  	s26 =	simm.s32 $0x500;
	v19 =	vshll.u32 v14, $0x10;
	v8 =	vadd.f32 v13, v8;
	v17 =	vmov s23  }
0x4d: {  	v13 =	vand.u32 $0xFFFFFFFE, v17;
	v17 =	vld.idx.msk [tilespmem:v31+s26+$0x0], $0xffff;
	v15 =	vadd.f32 v19, v15  }
0x4e: {  	s10 =	simm.s32 $0x600;
	v8 =	vadd.f32 v14, v8;
	v13 =	vbroadcast v13, $0x0;
	v19 =	vshll.u32 v16, $0x10  }
0x4f: {  	s12 =	simm.s32 $0x0;
	v14 =	vld.idx.msk [tilespmem:v29+s10+$0x0], $0xffff;
	v15 =	vadd.f32 v19, v15  }
0x50: {  	s13 =	simm.s32 $0x700;
	s17 =	sand.u32 $0x60, s12;
	v8 =	vadd.f32 v16, v8;
	v19 =	vshll.u32 v18, $0x10  }
0x51: {  	s18 =	sor.u32 s17, s18;
	v16 =	vld.idx.msk [tilespmem:v27+s13+$0x0], $0xffff;
	v15 =	vadd.f32 v19, v15  }
0x52: {  	s19 =	sor.u32 s17, s19;
	v25 =	vld [tilespmem:s18+$0x0];
	v18 =	vadd.f32 v18, v8;
	v19 =	vshll.u32 v17, $0x10  }
0x53: {  	s18 =	simm.s32 $0x2000;
	v28 =	vld [tilespmem:s19+$0x0];
	v15 =	vadd.f32 v19, v15  }
0x54: {  	s20 =	sor.u32 s17, s20;
	v17 =	vadd.f32 v17, v18;
	v8 =	vld.idx.msk [tilespmem:v13+s18+$0x0], $0xffff;
	v13 =	vshll.u32 v14, $0x10  }
0x55: {  	s21 =	sor.u32 s17, s21;
	v35 =	vld [tilespmem:s20+$0x0];
	v13 =	vadd.f32 v13, v15  }
0x56: {  	s15 =	sor.u32 s17, s15;
	v26 =	vld [tilespmem:s21+$0x0];
	v14 =	vadd.f32 v14, v17;
	v15 =	vshll.u32 v16, $0x10  }
0x57: {  	s24 =	sor.u32 s17, s24;
	v34 =	vld [tilespmem:s15+$0x0];
	v13 =	vadd.f32 v15, v13  }
0x58: {  	s16 =	sor.u32 s17, s16;
	v32 =	vld [tilespmem:s24+$0x0];
	v14 =	vadd.f32 v16, v14  }
0x59: {  	v30 =	vld [tilespmem:s16+$0x0];
	s23 =	sor.u32 s17, s22;
	v13 =	vmul.f32 v13, v8  }
0x5a: {  	s15 =	simm.s32 $0x4180;
	v33 =	vld [tilespmem:s23+$0x0];
	v14 =	vmul.f32 v14, v8  }
0x5b: {  	v15 =	vld.idx.msk [tilespmem:v25+s3+$0x0], $0xffff;
	[tilespmem:v0+s15+$0x0] =	vst.idx.msk $0xffff, v13  }
0x5c: {  	[tilespmem:v1+s15+$0x0] =	vst.idx.msk $0xffff, v14;
	v14 =	vld.idx.msk [tilespmem:v28+s30+$0x0], $0xffff  }
0x5d: {  	v13 =	vld.idx.msk [tilespmem:v10+s28+$0x0], $0xffff  }
0x5e: {  	v17 =	vld.idx.msk [tilespmem:v35+s31+$0x0], $0xffff  }
0x5f: {  	s11 =	simm.s32 $0x300;
	v16 =	vld.idx.msk [tilespmem:v12+s29+$0x0], $0xffff  }
0x60: {  	s26 =	simm.s32 $0xA00;
	v20 =	vld.idx.msk [tilespmem:v26+s11+$0x0], $0xffff;
	v18 =	vshll.u32 v15, $0x10;
	v15 =	vadd.f32 $0.0e+00, v15  }
0x61: {  	s6 =	simm.s32 $0x400;
	v19 =	vld.idx.msk [tilespmem:v11+s26+$0x0], $0xffff;
	v18 =	vadd.f32 $0.0e+00, v18;
	v22 =	vshll.u32 v14, $0x10  }
0x62: {  	v24 =	vld.idx.msk [tilespmem:v34+s6+$0x0], $0xffff;
	v14 =	vadd.f32 v14, v15;
	v21 =	vshll.u32 v13, $0x10;
	v13 =	vadd.f32 $0.0e+00, v13  }
0x63: {  	v37 =	vshll.u32 v17, $0x10;
	v23 =	vld.idx.msk [tilespmem:v9+s9+$0x0], $0xffff;
	v18 =	vadd.f32 v22, v18;
	v21 =	vadd.f32 $0.0e+00, v21  }
0x64: {  	s1 =	simm.s32 $0x500;
	v38 =	vld.idx.msk [tilespmem:v36+s8+$0x0], $0xffff;
	v22 =	vshll.u32 v16, $0x10;
	v14 =	vadd.f32 v17, v14;
	v13 =	vadd.f32 v16, v13  }
0x65: {  	v15 =	vshll.u32 v20, $0x10;
	v18 =	vadd.f32 v37, v18;
	v21 =	vadd.f32 v22, v21;
	v22 =	vld.idx.msk [tilespmem:v33+s1+$0x0], $0xffff  }
0x66: {  	s10 =	simm.s32 $0x600;
	v61 =	vld.idx.msk [tilespmem:v31+s7+$0x0], $0xffff;
	v16 =	vshll.u32 v19, $0x10;
	v14 =	vadd.f32 v20, v14;
	v13 =	vadd.f32 v19, v13  }
0x67: {  	v17 =	vshll.u32 v24, $0x10;
	v15 =	vadd.f32 v15, v18;
	v16 =	vadd.f32 v16, v21;
	v21 =	vld.idx.msk [tilespmem:v32+s10+$0x0], $0xffff  }
0x68: {  	s14 =	simm.s32 $0x700;
	v18 =	vshll.u32 v23, $0x10;
	v19 =	vld.idx.msk [tilespmem:v29+s5+$0x0], $0xffff;
	v14 =	vadd.f32 v24, v14;
	v13 =	vadd.f32 v23, v13  }
0x69: {  	v15 =	vadd.f32 v17, v15;
	v17 =	vshll.u32 v38, $0x10;
	v16 =	vadd.f32 v18, v16;
	v18 =	vld.idx.msk [tilespmem:v30+s14+$0x0], $0xffff  }
0x6a: {  	v20 =	vshll.u32 v22, $0x10;
	v13 =	vadd.f32 v38, v13;
	v14 =	vadd.f32 v22, v14  }
0x6b: {  	v23 =	vld.idx.msk [tilespmem:v27+s4+$0x0], $0xffff;
	v16 =	vadd.f32 v17, v16;
	v15 =	vadd.f32 v20, v15  }
0x6c: {  	v17 =	vshll.u32 v61, $0x10;
	v20 =	vshll.u32 v21, $0x10;
	v13 =	vadd.f32 v61, v13  }
0x6d: {  	v16 =	vadd.f32 v17, v16;
	v15 =	vadd.f32 v20, v15  }
0x6e: {  	v14 =	vadd.f32 v21, v14;
	v17 =	vshll.u32 v19, $0x10;
	v20 =	vshll.u32 v18, $0x10  }
0x6f: {  	v16 =	vadd.f32 v17, v16;
	v15 =	vadd.f32 v20, v15  }
0x70: {  	v13 =	vadd.f32 v19, v13;
	v14 =	vadd.f32 v18, v14;
	v17 =	vshll.u32 v23, $0x10  }
0x71: {  	v16 =	vadd.f32 v17, v16;
	v15 =	vmul.f32 v15, v8  }
0x72: {  	v13 =	vadd.f32 v23, v13;
	v14 =	vmul.f32 v14, v8  }
0x73: {  	v16 =	vmul.f32 v16, v8;
	[tilespmem:v0+s15+$0xFFFFFF00] =	vst.idx.msk $0xffff, v15  }
0x74: {  	v13 =	vmul.f32 v13, v8;
	[tilespmem:v1+s15+$0xFFFFFF00] =	vst.idx.msk $0xffff, v14  }
0x75: {  	[tilespmem:v2+s15+$0x0] =	vst.idx.msk $0xffff, v16  }
0x76: {  	s1 =	simm.s32 $0x1000;
	v14 =	vld.idx.msk [tilespmem:v25+s28+$0x0], $0xffff;
	[tilespmem:v3+s15+$0x0] =	vst.idx.msk $0xffff, v13  }
0x77: {  	v13 =	vld.idx.msk [tilespmem:v10+s1+$0x0], $0xffff  }
0x78: {  	v21 =	vld.idx.msk [tilespmem:v28+s29+$0x0], $0xffff  }
0x79: {  	s12 =	simm.s32 $0xA00;
	v15 =	vld.idx.msk [tilespmem:v12+s25+$0x0], $0xffff  }
0x7a: {  	s2 =	simm.s32 $0x1200;
	v22 =	vld.idx.msk [tilespmem:v35+s12+$0x0], $0xffff  }
0x7b: {  	v17 =	vld.idx.msk [tilespmem:v11+s2+$0x0], $0xffff  }
0x7c: {  	s6 =	simm.s32 $0x1300;
	v19 =	vld.idx.msk [tilespmem:v26+s9+$0x0], $0xffff;
	v16 =	vshll.u32 v13, $0x10  }
0x7d: {  	s10 =	simm.s32 $0x1400;
	s12 =	simm.s32 $0x40;
	v20 =	vld.idx.msk [tilespmem:v9+s6+$0x0], $0xffff;
	v16 =	vadd.f32 $0.0e+00, v16  }
0x7e: {  	s19 =	simm.s32 $0x30;
	s11 =	simm.s32 $0x1500;
	s14 =	sand.u32 $0x300, s12;
	v23 =	vld.idx.msk [tilespmem:v36+s10+$0x0], $0xffff;
	v13 =	vadd.f32 $0.0e+00, v13;
	v18 =	vshll.u32 v15, $0x10  }
0x7f: {  	s20 =	sand.u32 $0x70, s19;
	s13 =	simm.s32 $0x1600;
	v24 =	vld.idx.msk [tilespmem:v31+s11+$0x0], $0xffff;
	s21 =	sor.u32 $0x2080, s14;
	v16 =	vadd.f32 v18, v16  }
0x80: {  	v62 =	vld.idx.msk [tilespmem:v29+s13+$0x0], $0xffff;
	s23 =	sor.u32 $0x2480, s14;
	s16 =	sor.u32 s20, s21;
	v13 =	vadd.f32 v15, v13;
	v15 =	vshll.u32 v17, $0x10  }
0x81: {  	s17 =	sor.u32 $0x3880, s14;
	s11 =	sor.u32 s20, s23;
	v42 =	vld [tilespmem:s16+$0x0];
	v15 =	vadd.f32 v15, v16  }
0x82: {  	v43 =	vld [tilespmem:s11+$0x0];
	s11 =	sor.u32 s20, s17;
	v13 =	vadd.f32 v17, v13;
	v17 =	vshll.u32 v20, $0x10  }
0x83: {  	s22 =	simm.s32 $0x1700;
	s16 =	sor.u32 $0x3C80, s14;
	v39 =	vld [tilespmem:s11+$0x0];
	v15 =	vadd.f32 v17, v15  }
0x84: {  	v40 =	vld.idx.msk [tilespmem:v27+s22+$0x0], $0xffff;
	s25 =	sor.u32 $0x2C80, s14;
	s12 =	sor.u32 s20, s16;
	v13 =	vadd.f32 v20, v13;
	v20 =	vshll.u32 v23, $0x10  }
0x85: {  	s6 =	sor.u32 s20, s25;
	v37 =	vld [tilespmem:s12+$0x0];
	s12 =	sor.u32 $0x3080, s14;
	v15 =	vadd.f32 v20, v15  }
0x86: {  	v44 =	vld [tilespmem:s6+$0x0];
	s26 =	sor.u32 s20, s12;
	v13 =	vadd.f32 v23, v13;
	v23 =	vshll.u32 v24, $0x10  }
0x87: {  	s13 =	sor.u32 $0x2880, s14;
	v41 =	vld [tilespmem:s26+$0x0];
	v15 =	vadd.f32 v23, v15  }
0x88: {  	v18 =	vld.idx.msk [tilespmem:v34+s8+$0x0], $0xffff;
	s8 =	sor.u32 s20, s13;
	v13 =	vadd.f32 v24, v13;
	v23 =	vshll.u32 v62, $0x10  }
0x89: {  	v45 =	vld [tilespmem:s8+$0x0];
	v15 =	vadd.f32 v23, v15  }
0x8a: {  	s2 =	simm.s32 $0x600;
	v16 =	vld.idx.msk [tilespmem:v33+s7+$0x0], $0xffff;
	v13 =	vadd.f32 v62, v13;
	v23 =	vshll.u32 v40, $0x10  }
0x8b: {  	v50 =	vld.idx.msk [tilespmem:v39+s2+$0x0], $0xffff;
	v15 =	vadd.f32 v23, v15  }
0x8c: {  	v17 =	vld.idx.msk [tilespmem:v32+s5+$0x0], $0xffff;
	v13 =	vadd.f32 v40, v13  }
0x8d: {  	s18 =	sor.u32 $0x3480, s14;
	v20 =	vld.idx.msk [tilespmem:v30+s4+$0x0], $0xffff;
	v15 =	vmul.f32 v15, v8  }
0x8e: {  	s19 =	sor.u32 s20, s18;
	v23 =	vld.idx.msk [tilespmem:v42+s3+$0x0], $0xffff;
	v13 =	vmul.f32 v13, v8  }
0x8f: {  	v40 =	vld [tilespmem:s19+$0x0];
	[tilespmem:v4+s15+$0x0] =	vst.idx.msk $0xffff, v15  }
0x90: {  	s8 =	simm.s32 $0x1800;
	[tilespmem:v5+s15+$0x0] =	vst.idx.msk $0xffff, v13;
	v13 =	vld.idx.msk [tilespmem:v43+s30+$0x0], $0xffff  }
0x91: {  	v24 =	vld.idx.msk [tilespmem:v10+s8+$0x0], $0xffff  }
0x92: {  	v10 =	vld.idx.msk [tilespmem:v45+s31+$0x0], $0xffff;
	s8 =	simm.s32 $0x1900  }
0x93: {  	s11 =	simm.s32 $0x300;
	v47 =	vld.idx.msk [tilespmem:v12+s8+$0x0], $0xffff;
	v12 =	vshll.u32 v23, $0x10  }
0x94: {  	s26 =	simm.s32 $0x1A00;
	v15 =	vld.idx.msk [tilespmem:v44+s11+$0x0], $0xffff;
	v12 =	vadd.f32 $0.0e+00, v12  }
0x95: {  	s6 =	simm.s32 $0x400;
	v48 =	vld.idx.msk [tilespmem:v11+s26+$0x0], $0xffff;
	v23 =	vadd.f32 $0.0e+00, v23;
	v11 =	vshll.u32 v13, $0x10  }
0x96: {  	s24 =	simm.s32 $0x1B00;
	s14 =	simm.s32 $0x20;
	v49 =	vld.idx.msk [tilespmem:v41+s6+$0x0], $0xffff;
	v11 =	vadd.f32 v11, v12  }
0x97: {  	s1 =	simm.s32 $0x500;
	s19 =	sand.u32 $0x60, s14;
	v46 =	vld.idx.msk [tilespmem:v9+s24+$0x0], $0xffff;
	v9 =	vshll.u32 v10, $0x10;
	v12 =	vadd.f32 v13, v23  }
0x98: {  	v63 =	vadd.f32 $0.0e+00, v14;
	s20 =	sor.u32 s19, s21;
	v23 =	vld.idx.msk [tilespmem:v40+s1+$0x0], $0xffff;
	v9 =	vadd.f32 v9, v11  }
0x99: {  	v53 =	vshll.u32 v21, $0x10;
	v38 =	vld [tilespmem:s20+$0x0];
	s24 =	simm.s32 $0x700;
	v11 =	vshll.u32 v15, $0x10;
	v10 =	vadd.f32 v10, v12  }
0x9a: {  	v21 =	vadd.f32 v21, v63;
	s13 =	sor.u32 s19, s13;
	v51 =	vld.idx.msk [tilespmem:v37+s24+$0x0], $0xffff;
	v12 =	vshll.u32 v14, $0x10;
	v9 =	vadd.f32 v11, v9  }
0x9b: {  	s14 =	sor.u32 s19, s25;
	v13 =	vld [tilespmem:s13+$0x0];
	v12 =	vadd.f32 $0.0e+00, v12;
	v11 =	vshll.u32 v49, $0x10;
	v10 =	vadd.f32 v15, v10  }
0x9c: {  	v58 =	vshll.u32 v22, $0x10;
	v21 =	vadd.f32 v22, v21;
	s21 =	sor.u32 s19, s23;
	v14 =	vld [tilespmem:s14+$0x0];
	v9 =	vadd.f32 v11, v9  }
0x9d: {  	s23 =	sor.u32 s19, s12;
	v15 =	vld [tilespmem:s21+$0x0];
	v12 =	vadd.f32 v53, v12;
	v11 =	vshll.u32 v23, $0x10;
	v10 =	vadd.f32 v49, v10  }
0x9e: {  	v60 =	vshll.u32 v19, $0x10;
	v19 =	vadd.f32 v19, v21;
	s18 =	sor.u32 s19, s18;
	v9 =	vadd.f32 v11, v9;
	v11 =	vld [tilespmem:s23+$0x0]  }
0x9f: {  	v52 =	vshll.u32 v50, $0x10;
	s16 =	sor.u32 s19, s16;
	v59 =	vadd.f32 v58, v12;
	v23 =	vadd.f32 v23, v10;
	v10 =	vld [tilespmem:s18+$0x0]  }
0xa0: {  	v62 =	vshll.u32 v18, $0x10;
	v12 =	vld [tilespmem:s16+$0x0];
	v56 =	vadd.f32 v52, v9  }
0xa1: {  	v18 =	vadd.f32 v18, v19;
	s17 =	sor.u32 s19, s17;
	v22 =	vld.idx.msk [tilespmem:v38+s3+$0x0], $0xffff;
	v57 =	vshll.u32 v51, $0x10;
	v21 =	vadd.f32 v60, v59  }
0xa2: {  	v9 =	vld [tilespmem:s17+$0x0];
	v23 =	vadd.f32 v50, v23;
	v49 =	vadd.f32 v57, v56  }
0xa3: {  	v50 =	vld.idx.msk [tilespmem:v13+s31+$0x0], $0xffff;
	v19 =	vadd.f32 v62, v21;
	v21 =	vshll.u32 v16, $0x10  }
0xa4: {  	v53 =	vld.idx.msk [tilespmem:v14+s11+$0x0], $0xffff;
	v16 =	vadd.f32 v16, v18;
	v23 =	vadd.f32 v51, v23;
	v49 =	vmul.f32 v49, v8  }
0xa5: {  	s16 =	simm.s32 $0x4380;
	v61 =	vld.idx.msk [tilespmem:v15+s30+$0x0], $0xffff;
	v18 =	vadd.f32 v21, v19;
	v19 =	vshll.u32 v24, $0x10;
	v21 =	vshll.u32 v17, $0x10  }
0xa6: {  	v24 =	vadd.f32 $0.0e+00, v24;
	v23 =	vmul.f32 v23, v8;
	v19 =	vadd.f32 $0.0e+00, v19;
	[tilespmem:v0+s16+$0x0] =	vst.idx.msk $0xffff, v49;
	v49 =	vld.idx.msk [tilespmem:v11+s6+$0x0], $0xffff  }
0xa7: {  	v16 =	vadd.f32 v17, v16;
	v17 =	vadd.f32 v21, v18;
	v18 =	vshll.u32 v47, $0x10;
	v51 =	vld.idx.msk [tilespmem:v10+s1+$0x0], $0xffff  }
0xa8: {  	v18 =	vadd.f32 v18, v19;
	v19 =	vadd.f32 v47, v24;
	v47 =	vld.idx.msk [tilespmem:v12+s24+$0x0], $0xffff;
	[tilespmem:v1+s16+$0x0] =	vst.idx.msk $0xffff, v23  }
0xa9: {  	v23 =	vld.idx.msk [tilespmem:v42+s28+$0x0], $0xffff  }
0xaa: {  	v21 =	vshll.u32 v20, $0x10;
	v54 =	vld.idx.msk [tilespmem:v43+s29+$0x0], $0xffff  }
0xab: {  	v16 =	vadd.f32 v20, v16;
	v20 =	vshll.u32 v48, $0x10;
	v17 =	vadd.f32 v21, v17;
	v55 =	vld.idx.msk [tilespmem:v9+s2+$0x0], $0xffff  }
0xac: {  	s10 =	simm.s32 $0xC00;
	v18 =	vadd.f32 v20, v18;
	v48 =	vadd.f32 v48, v19;
	v19 =	vld.idx.msk [tilespmem:v44+s9+$0x0], $0xffff  }
0xad: {  	s24 =	simm.s32 $0x80;
	v21 =	vshll.u32 v22, $0x10;
	v22 =	vadd.f32 $0.0e+00, v22;
	v20 =	vshll.u32 v46, $0x10;
	v56 =	vld.idx.msk [tilespmem:v41+s10+$0x0], $0xffff  }
0xae: {  	s17 =	simm.s32 $0x50;
	s25 =	sand.u32 $0x300, s24;
	v57 =	vmul.f32 v16, v8;
	s2 =	simm.s32 $0xA00;
	v16 =	vadd.f32 $0.0e+00, v21;
	v59 =	vld.idx.msk [tilespmem:v40+s7+$0x0], $0xffff;
	v58 =	vadd.f32 v20, v18  }
0xaf: {  	s23 =	sand.u32 $0x70, s17;
	s10 =	sor.u32 $0x3880, s25;
	v24 =	vld.idx.msk [tilespmem:v45+s2+$0x0], $0xffff;
	v18 =	vshll.u32 v61, $0x10;
	v20 =	vadd.f32 v61, v22;
	v22 =	vshll.u32 v50, $0x10  }
0xb0: {  	s13 =	sor.u32 $0x3C80, s25;
	v52 =	vld.idx.msk [tilespmem:v39+s5+$0x0], $0xffff;
	s5 =	sor.u32 s23, s10;
	v46 =	vadd.f32 v46, v48;
	v18 =	vadd.f32 v18, v16;
	v21 =	vshll.u32 v23, $0x10  }
0xb1: {  	s0 =	sor.u32 s23, s13;
	v61 =	vmul.f32 v17, v8;
	v17 =	vld [tilespmem:s5+$0x0];
	v23 =	vadd.f32 $0.0e+00, v23;
	v60 =	vadd.f32 $0.0e+00, v21  }
0xb2: {  	s21 =	sor.u32 $0x2480, s25;
	v16 =	vld [tilespmem:s0+$0x0];
	v20 =	vadd.f32 v50, v20;
	v50 =	vshll.u32 v54, $0x10;
	v18 =	vadd.f32 v22, v18  }
0xb3: {  	s6 =	sor.u32 s23, s21;
	[tilespmem:v2+s15+$0xFFFFFF00] =	vst.idx.msk $0xffff, v61;
	v61 =	vld.idx.msk [tilespmem:v37+s4+$0x0], $0xffff;
	v23 =	vadd.f32 v54, v23;
	v50 =	vadd.f32 v50, v60  }
0xb4: {  	s24 =	sor.u32 $0x2080, s25;
	s4 =	simm.s32 $0x1D00;
	v22 =	vld [tilespmem:s6+$0x0];
	v54 =	vshll.u32 v24, $0x10;
	v60 =	vshll.u32 v53, $0x10;
	v53 =	vadd.f32 v53, v20  }
0xb5: {  	s14 =	simm.s32 $0x40;
	s1 =	sor.u32 s23, s24;
	v62 =	vshll.u32 v49, $0x10;
	v31 =	vld.idx.msk [tilespmem:v31+s4+$0x0], $0xffff;
	v60 =	vadd.f32 v60, v18;
	v50 =	vadd.f32 v54, v50  }
0xb6: {  	s18 =	sand.u32 $0x60, s14;
	s14 =	simm.s32 $0x1200;
	[tilespmem:v3+s15+$0xFFFFFF00] =	vst.idx.msk $0xffff, v57;
	v21 =	vld [tilespmem:s1+$0x0];
	v20 =	vshll.u32 v19, $0x10;
	v54 =	vadd.f32 v24, v23;
	v49 =	vadd.f32 v49, v53  }
0xb7: {  	s7 =	sor.u32 $0x3480, s25;
	v63 =	vshll.u32 v51, $0x10;
	s1 =	simm.s32 $0x1C00;
	v48 =	vld.idx.msk [tilespmem:v35+s14+$0x0], $0xffff;
	v60 =	vadd.f32 v62, v60;
	v50 =	vadd.f32 v20, v50  }
0xb8: {  	s22 =	sor.u32 $0x2880, s25;
	s9 =	sor.u32 s23, s7;
	v36 =	vld.idx.msk [tilespmem:v36+s1+$0x0], $0xffff;
	v53 =	vadd.f32 v19, v54;
	v19 =	vshll.u32 v56, $0x10;
	v49 =	vadd.f32 v51, v49  }
0xb9: {  	s20 =	sor.u32 $0x3080, s25;
	s19 =	sor.u32 $0x2C80, s25;
	s25 =	simm.s32 $0x1000;
	v18 =	vld [tilespmem:s9+$0x0];
	v54 =	vshll.u32 v55, $0x10;
	v60 =	vadd.f32 v63, v60;
	v50 =	vadd.f32 v19, v50  }
0xba: {  	s11 =	sor.u32 s23, s22;
	s12 =	sor.u32 s23, s20;
	s23 =	sor.u32 s23, s19;
	v63 =	vshll.u32 v59, $0x10;
	v51 =	vadd.f32 v56, v53;
	v56 =	vld.idx.msk [tilespmem:v25+s25+$0x0], $0xffff;
	v49 =	vadd.f32 v55, v49  }
0xbb: {  	v24 =	vld [tilespmem:s23+$0x0];
	s23 =	simm.s32 $0x1100;
	v62 =	vshll.u32 v47, $0x10;
	v54 =	vadd.f32 v54, v60;
	v50 =	vadd.f32 v63, v50  }
0xbc: {  	v55 =	vld.idx.msk [tilespmem:v28+s23+$0x0], $0xffff;
	v51 =	vadd.f32 v59, v51;
	v63 =	vshll.u32 v52, $0x10;
	v47 =	vadd.f32 v47, v49  }
0xbd: {  	v23 =	vld [tilespmem:s11+$0x0];
	v54 =	vadd.f32 v62, v54;
	v62 =	vshll.u32 v36, $0x10;
	v36 =	vadd.f32 v36, v46  }
0xbe: {  	s11 =	simm.s32 $0x1E00;
	v20 =	vld [tilespmem:s12+$0x0];
	v59 =	vshll.u32 v61, $0x10;
	v50 =	vadd.f32 v63, v50;
	v57 =	vadd.f32 v52, v51  }
0xbf: {  	s0 =	sor.u32 s18, s24;
	v51 =	vld.idx.msk [tilespmem:v29+s11+$0x0], $0xffff;
	v60 =	vmul.f32 v54, v8;
	v29 =	vshll.u32 v56, $0x10;
	v56 =	vadd.f32 $0.0e+00, v56  }
0xc0: {  	s24 =	simm.s32 $0x1300;
	v19 =	vld [tilespmem:s0+$0x0];
	v47 =	vmul.f32 v47, v8;
	v36 =	vadd.f32 v31, v36;
	v50 =	vadd.f32 v59, v50  }
0xc1: {  	s1 =	simm.s32 $0x1500;
	v54 =	vld.idx.msk [tilespmem:v26+s24+$0x0], $0xffff;
	v63 =	vshll.u32 v55, $0x10;
	v49 =	vadd.f32 v61, v57;
	v29 =	vadd.f32 $0.0e+00, v29;
	[tilespmem:v0+s16+$0xFFFFFF00] =	vst.idx.msk $0xffff, v60  }
0xc2: {  	s0 =	simm.s32 $0x1400;
	v53 =	vld.idx.msk [tilespmem:v33+s1+$0x0], $0xffff;
	v60 =	vadd.f32 v62, v58;
	v62 =	vadd.f32 v55, v56;
	v50 =	vmul.f32 v50, v8  }
0xc3: {  	v57 =	vld.idx.msk [tilespmem:v34+s0+$0x0], $0xffff;
	[tilespmem:v1+s16+$0xFFFFFF00] =	vst.idx.msk $0xffff, v47;
	v59 =	vmul.f32 v49, v8;
	v29 =	vadd.f32 v63, v29  }
0xc4: {  	v61 =	vshll.u32 v48, $0x10;
	v63 =	vld.idx.msk [tilespmem:v38+s28+$0x0], $0xffff;
	v48 =	vadd.f32 v48, v62;
	[tilespmem:v2+s16+$0x0] =	vst.idx.msk $0xffff, v50  }
0xc5: {  	v52 =	vld.idx.msk [tilespmem:v15+s29+$0x0], $0xffff;
	v29 =	vadd.f32 v61, v29;
	[tilespmem:v3+s16+$0x0] =	vst.idx.msk $0xffff, v59;
	v59 =	vshll.u32 v31, $0x10  }
0xc6: {  	s11 =	simm.s32 $0x1600;
	v48 =	vadd.f32 v54, v48;
	v47 =	vld.idx.msk [tilespmem:v42+s25+$0x0], $0xffff;
	v46 =	vadd.f32 v59, v60;
	v60 =	vshll.u32 v54, $0x10  }
0xc7: {  	v49 =	vld.idx.msk [tilespmem:v32+s11+$0x0], $0xffff;
	v36 =	vadd.f32 v51, v36;
	v31 =	vshll.u32 v51, $0x10;
	v29 =	vadd.f32 v60, v29  }
0xc8: {  	v61 =	vshll.u32 v57, $0x10;
	v50 =	vld.idx.msk [tilespmem:v43+s23+$0x0], $0xffff;
	v48 =	vadd.f32 v57, v48;
	v46 =	vadd.f32 v31, v46  }
0xc9: {  	v58 =	vld.idx.msk [tilespmem:v13+s2+$0x0], $0xffff;
	v57 =	vadd.f32 $0.0e+00, v63;
	v55 =	vshll.u32 v63, $0x10;
	v29 =	vadd.f32 v61, v29  }
0xca: {  	v54 =	vld.idx.msk [tilespmem:v45+s14+$0x0], $0xffff;
	v31 =	vshll.u32 v53, $0x10;
	v55 =	vadd.f32 $0.0e+00, v55;
	v48 =	vadd.f32 v53, v48  }
0xcb: {  	s23 =	simm.s32 $0x1700;
	v59 =	vld.idx.msk [tilespmem:v44+s24+$0x0], $0xffff;
	v57 =	vadd.f32 v52, v57;
	v62 =	vshll.u32 v47, $0x10;
	v47 =	vadd.f32 $0.0e+00, v47  }
0xcc: {  	v56 =	vld.idx.msk [tilespmem:v30+s23+$0x0], $0xffff;
	v29 =	vadd.f32 v31, v29;
	v31 =	vadd.f32 $0.0e+00, v62  }
0xcd: {  	v53 =	vld.idx.msk [tilespmem:v41+s0+$0x0], $0xffff;
	v52 =	vshll.u32 v52, $0x10;
	v60 =	vshll.u32 v50, $0x10;
	v47 =	vadd.f32 v50, v47  }
0xce: {  	s5 =	simm.s32 $0xB00;
	v61 =	vshll.u32 v49, $0x10;
	v52 =	vadd.f32 v52, v55;
	v62 =	vld.idx.msk [tilespmem:v40+s1+$0x0], $0xffff;
	v60 =	vadd.f32 v60, v31  }
0xcf: {  	s1 =	sor.u32 s18, s22;
	v55 =	vadd.f32 v58, v57;
	v57 =	vld.idx.msk [tilespmem:v14+s5+$0x0], $0xffff;
	v50 =	vshll.u32 v54, $0x10;
	v47 =	vadd.f32 v54, v47  }
0xd0: {  	s21 =	sor.u32 s18, s21;
	v63 =	vshll.u32 v59, $0x10;
	v61 =	vadd.f32 v61, v29;
	v29 =	vld [tilespmem:s1+$0x0];
	v50 =	vadd.f32 v50, v60  }
0xd1: {  	v48 =	vadd.f32 v49, v48;
	v31 =	vld [tilespmem:s21+$0x0];
	v60 =	vshll.u32 v56, $0x10;
	v47 =	vadd.f32 v59, v47  }
0xd2: {  	s2 =	simm.s32 $0xC00;
	v54 =	vld.idx.msk [tilespmem:v39+s11+$0x0], $0xffff;
	v49 =	vadd.f32 v60, v61;
	v50 =	vadd.f32 v63, v50  }
0xd3: {  	v58 =	vshll.u32 v58, $0x10;
	v48 =	vadd.f32 v56, v48;
	v56 =	vld.idx.msk [tilespmem:v11+s2+$0x0], $0xffff;
	v63 =	vshll.u32 v53, $0x10  }
0xd4: {  	s11 =	simm.s32 $0x1F00;
	v59 =	vld.idx.msk [tilespmem:v37+s23+$0x0], $0xffff;
	v47 =	vadd.f32 v53, v47;
	v49 =	vmul.f32 v49, v8;
	v50 =	vadd.f32 v63, v50  }
0xd5: {  	s6 =	simm.s32 $0xD00;
	v52 =	vadd.f32 v58, v52;
	v48 =	vmul.f32 v48, v8;
	v27 =	vld.idx.msk [tilespmem:v27+s11+$0x0], $0xffff;
	v60 =	vshll.u32 v62, $0x10  }
0xd6: {  	s4 =	simm.s32 $0xF00;
	v53 =	vld.idx.msk [tilespmem:v10+s6+$0x0], $0xffff;
	v47 =	vadd.f32 v62, v47;
	[tilespmem:v4+s15+$0xFFFFFF00] =	vst.idx.msk $0xffff, v49;
	v50 =	vadd.f32 v60, v50  }
0xd7: {  	s5 =	simm.s32 $0x1800;
	v63 =	vadd.f32 v57, v55;
	v60 =	vshll.u32 v54, $0x10;
	[tilespmem:v5+s15+$0xFFFFFF00] =	vst.idx.msk $0xffff, v48;
	v48 =	vld.idx.msk [tilespmem:v12+s4+$0x0], $0xffff  }
0xd8: {  	v58 =	vshll.u32 v57, $0x10;
	v47 =	vadd.f32 v54, v47;
	v25 =	vld.idx.msk [tilespmem:v25+s5+$0x0], $0xffff;
	v61 =	vadd.f32 v60, v50  }
0xd9: {  	s12 =	simm.s32 $0xE00;
	v52 =	vadd.f32 v58, v52;
	v62 =	vshll.u32 v59, $0x10;
	v28 =	vld.idx.msk [tilespmem:v28+s8+$0x0], $0xffff;
	v54 =	vadd.f32 v56, v63  }
0xda: {  	v50 =	vld.idx.msk [tilespmem:v9+s12+$0x0], $0xffff;
	v60 =	vshll.u32 v56, $0x10;
	v47 =	vadd.f32 v59, v47;
	v49 =	vadd.f32 v62, v61  }
0xdb: {  	s6 =	simm.s32 $0x1B00;
	v35 =	vld.idx.msk [tilespmem:v35+s26+$0x0], $0xffff;
	v63 =	vshll.u32 v53, $0x10;
	v56 =	vshll.u32 v27, $0x10;
	v61 =	vadd.f32 v60, v52  }
0xdc: {  	v26 =	vld.idx.msk [tilespmem:v26+s6+$0x0], $0xffff;
	v53 =	vadd.f32 v53, v54;
	v47 =	vmul.f32 v47, v8;
	v49 =	vmul.f32 v49, v8  }
0xdd: {  	v62 =	vld.idx.msk [tilespmem:v21+s3+$0x0], $0xffff;
	v51 =	vadd.f32 v63, v61;
	v61 =	vshll.u32 v25, $0x10;
	v25 =	vadd.f32 $0.0e+00, v25  }
0xde: {  	[tilespmem:v4+s16+$0x0] =	vst.idx.msk $0xffff, v49;
	v49 =	vadd.f32 v56, v46;
	v46 =	vadd.f32 v27, v36;
	v36 =	vld.idx.msk [tilespmem:v23+s31+$0x0], $0xffff  }
0xdf: {  	s2 =	simm.s32 $0x500;
	v57 =	vshll.u32 v50, $0x10;
	[tilespmem:v5+s16+$0x0] =	vst.idx.msk $0xffff, v47;
	v47 =	vld.idx.msk [tilespmem:v22+s30+$0x0], $0xffff  }
0xe0: {  	v50 =	vadd.f32 v50, v53;
	v56 =	vshll.u32 v28, $0x10;
	v25 =	vadd.f32 v28, v25;
	v28 =	vld.idx.msk [tilespmem:v18+s2+$0x0], $0xffff  }
0xe1: {  	v58 =	vshll.u32 v48, $0x10;
	v27 =	vadd.f32 v57, v51;
	v53 =	vld.idx.msk [tilespmem:v42+s5+$0x0], $0xffff  }
0xe2: {  	s1 =	simm.s32 $0x300;
	v48 =	vadd.f32 v48, v50;
	v59 =	vshll.u32 v62, $0x10;
	v52 =	vadd.f32 $0.0e+00, v62;
	v43 =	vld.idx.msk [tilespmem:v43+s8+$0x0], $0xffff  }
0xe3: {  	v42 =	vmul.f32 v49, v8;
	v49 =	vadd.f32 v58, v27;
	v27 =	vld.idx.msk [tilespmem:v24+s1+$0x0], $0xffff;
	v50 =	vadd.f32 $0.0e+00, v59  }
0xe4: {  	v45 =	vld.idx.msk [tilespmem:v45+s26+$0x0], $0xffff;
	s8 =	simm.s32 $0x400;
	v60 =	vshll.u32 v47, $0x10;
	v47 =	vadd.f32 v47, v52  }
0xe5: {  	v62 =	vadd.f32 $0.0e+00, v61;
	v58 =	vshll.u32 v35, $0x10;
	v55 =	vld.idx.msk [tilespmem:v20+s8+$0x0], $0xffff;
	v50 =	vadd.f32 v60, v50  }
0xe6: {  	s9 =	simm.s32 $0x1C00;
	v44 =	vld.idx.msk [tilespmem:v44+s6+$0x0], $0xffff;
	v25 =	vadd.f32 v35, v25;
	v63 =	vshll.u32 v36, $0x10;
	v36 =	vadd.f32 v36, v47  }
0xe7: {  	s23 =	simm.s32 $0x1D00;
	v41 =	vld.idx.msk [tilespmem:v41+s9+$0x0], $0xffff;
	v51 =	vadd.f32 v56, v62;
	v56 =	vshll.u32 v26, $0x10;
	v50 =	vadd.f32 v63, v50  }
0xe8: {  	s26 =	simm.s32 $0x600;
	v40 =	vld.idx.msk [tilespmem:v40+s23+$0x0], $0xffff;
	v57 =	vshll.u32 v27, $0x10;
	v62 =	vadd.f32 $0.0e+00, v53;
	v27 =	vadd.f32 v27, v36  }
0xe9: {  	s6 =	simm.s32 $0x1E00;
	v54 =	vld.idx.msk [tilespmem:v17+s26+$0x0], $0xffff;
	v36 =	vadd.f32 v26, v25;
	v25 =	vshll.u32 v53, $0x10;
	v59 =	vadd.f32 v57, v50  }
0xea: {  	s0 =	simm.s32 $0x700;
	v39 =	vld.idx.msk [tilespmem:v39+s6+$0x0], $0xffff;
	v47 =	vadd.f32 v58, v51;
	v60 =	vshll.u32 v55, $0x10;
	v25 =	vadd.f32 $0.0e+00, v25  }
0xeb: {  	v51 =	vld.idx.msk [tilespmem:v16+s0+$0x0], $0xffff;
	v63 =	vshll.u32 v43, $0x10;
	v27 =	vadd.f32 v55, v27;
	v35 =	vadd.f32 v60, v59  }
0xec: {  	s20 =	sor.u32 s18, s20;
	v61 =	vshll.u32 v28, $0x10;
	v43 =	vadd.f32 v43, v62;
	v25 =	vadd.f32 v63, v25;
	v63 =	vld.idx.msk [tilespmem:v19+s3+$0x0], $0xffff  }
0xed: {  	s19 =	sor.u32 s18, s19;
	v49 =	vmul.f32 v49, v8;
	v28 =	vadd.f32 v28, v27;
	v27 =	vld [tilespmem:s20+$0x0];
	v57 =	vadd.f32 v61, v35  }
0xee: {  	v58 =	vshll.u32 v54, $0x10;
	v43 =	vadd.f32 v45, v43;
	v59 =	vshll.u32 v45, $0x10;
	v35 =	vld [tilespmem:s19+$0x0]  }
0xef: {  	s10 =	sor.u32 s18, s10;
	v62 =	vshll.u32 v44, $0x10;
	v55 =	vld.idx.msk [tilespmem:v37+s11+$0x0], $0xffff;
	v60 =	vadd.f32 v59, v25;
	v37 =	vadd.f32 v58, v57  }
0xf0: {  	s7 =	sor.u32 s18, s7;
	v26 =	vld [tilespmem:s10+$0x0];
	v43 =	vadd.f32 v44, v43;
	v61 =	vshll.u32 v51, $0x10;
	v28 =	vadd.f32 v54, v28  }
0xf1: {  	v25 =	vld [tilespmem:s7+$0x0];
	v45 =	vadd.f32 v62, v60;
	v60 =	vshll.u32 v40, $0x10;
	v37 =	vadd.f32 v61, v37  }
0xf2: {  	s18 =	sor.u32 s18, s13;
	v44 =	vld.idx.msk [tilespmem:v31+s30+$0x0], $0xffff;
	v57 =	vadd.f32 v51, v28;
	v28 =	vshll.u32 v41, $0x10;
	v41 =	vadd.f32 v41, v43  }
0xf3: {  	v62 =	vshll.u32 v63, $0x10;
	v45 =	vadd.f32 v28, v45;
	v28 =	vld [tilespmem:s18+$0x0];
	v58 =	vmul.f32 v37, v8  }
0xf4: {  	v63 =	vadd.f32 $0.0e+00, v63;
	s18 =	simm.s32 $0x4580;
	v61 =	vld.idx.msk [tilespmem:v29+s31+$0x0], $0xffff;
	v59 =	vmul.f32 v57, v8;
	v40 =	vadd.f32 v40, v41  }
0xf5: {  	v37 =	vadd.f32 v56, v47;
	v43 =	vadd.f32 v60, v45;
	v57 =	vld.idx.msk [tilespmem:v27+s8+$0x0], $0xffff;
	[tilespmem:v0+s18+$0x0] =	vst.idx.msk $0xffff, v58  }
0xf6: {  	v56 =	vshll.u32 v39, $0x10;
	v47 =	vadd.f32 $0.0e+00, v62;
	v39 =	vadd.f32 v39, v40;
	v45 =	vld.idx.msk [tilespmem:v35+s1+$0x0], $0xffff;
	[tilespmem:v1+s18+$0x0] =	vst.idx.msk $0xffff, v59  }
0xf7: {  	v41 =	vadd.f32 v56, v43;
	v58 =	vshll.u32 v44, $0x10;
	v44 =	vadd.f32 v44, v63;
	v52 =	vld.idx.msk [tilespmem:v21+s28+$0x0], $0xffff  }
0xf8: {  	v59 =	vshll.u32 v55, $0x10;
	v47 =	vadd.f32 v58, v47;
	v39 =	vadd.f32 v55, v39;
	v51 =	vld.idx.msk [tilespmem:v22+s29+$0x0], $0xffff  }
0xf9: {  	s20 =	simm.s32 $0xA00;
	v60 =	vshll.u32 v61, $0x10;
	v40 =	vadd.f32 v59, v41;
	v41 =	vld.idx.msk [tilespmem:v25+s2+$0x0], $0xffff;
	v44 =	vadd.f32 v61, v44  }
0xfa: {  	v48 =	vmul.f32 v48, v8;
	[tilespmem:v2+s16+$0xFFFFFF00] =	vst.idx.msk $0xffff, v49;
	v50 =	vld.idx.msk [tilespmem:v23+s20+$0x0], $0xffff;
	v47 =	vadd.f32 v60, v47  }
0xfb: {  	v53 =	vld.idx.msk [tilespmem:v26+s26+$0x0], $0xffff;
	s26 =	simm.s32 $0xB00;
	v39 =	vmul.f32 v39, v8;
	v61 =	vshll.u32 v45, $0x10;
	v44 =	vadd.f32 v45, v44  }
0xfc: {  	v55 =	vld.idx.msk [tilespmem:v24+s26+$0x0], $0xffff;
	v63 =	vshll.u32 v57, $0x10;
	v40 =	vmul.f32 v40, v8;
	v47 =	vadd.f32 v61, v47  }
0xfd: {  	[tilespmem:v3+s16+$0xFFFFFF00] =	vst.idx.msk $0xffff, v48;
	v48 =	vld.idx.msk [tilespmem:v28+s0+$0x0], $0xffff;
	v62 =	vshll.u32 v52, $0x10;
	v43 =	vadd.f32 v57, v44;
	v57 =	vadd.f32 $0.0e+00, v52  }
0xfe: {  	[tilespmem:v6+s15+$0x0] =	vst.idx.msk $0xffff, v42;
	s30 =	simm.s32 $0xC00;
	v58 =	vshll.u32 v51, $0x10;
	v59 =	vshll.u32 v41, $0x10;
	v52 =	vld.idx.msk [tilespmem:v38+s25+$0x0], $0xffff;
	v45 =	vadd.f32 $0.0e+00, v62  }
0xff: {  	s31 =	simm.s32 $0xD00;
	v49 =	vld.idx.msk [tilespmem:v20+s30+$0x0], $0xffff;
	v61 =	vshll.u32 v50, $0x10;
	v47 =	vadd.f32 v63, v47;
	v41 =	vadd.f32 v41, v43  }
0x100: {  	v62 =	vshll.u32 v53, $0x10;
	v63 =	vld.idx.msk [tilespmem:v18+s31+$0x0], $0xffff;
	v60 =	vadd.f32 v51, v57;
	v45 =	vadd.f32 v58, v45  }
0x101: {  	s7 =	simm.s32 $0x1100;
	v57 =	vshll.u32 v55, $0x10;
	v51 =	vld.idx.msk [tilespmem:v13+s14+$0x0], $0xffff;
	v47 =	vadd.f32 v59, v47;
	v41 =	vadd.f32 v53, v41  }
0x102: {  	s21 =	simm.s32 $0x1400;
	v58 =	vshll.u32 v48, $0x10;
	v43 =	vadd.f32 v50, v60;
	v44 =	vadd.f32 v61, v45;
	v45 =	vld.idx.msk [tilespmem:v15+s7+$0x0], $0xffff  }
0x103: {  	v42 =	vld.idx.msk [tilespmem:v11+s21+$0x0], $0xffff;
	[tilespmem:v6+s16+$0x0] =	vst.idx.msk $0xffff, v40;
	v47 =	vadd.f32 v62, v47;
	v61 =	vshll.u32 v52, $0x10;
	v52 =	vadd.f32 $0.0e+00, v52  }
0x104: {  	v59 =	vld.idx.msk [tilespmem:v17+s12+$0x0], $0xffff;
	v60 =	vshll.u32 v49, $0x10;
	v41 =	vadd.f32 v48, v41;
	v44 =	vadd.f32 v57, v44  }
0x105: {  	[tilespmem:v7+s16+$0x0] =	vst.idx.msk $0xffff, v39;
	v50 =	vld.idx.msk [tilespmem:v16+s4+$0x0], $0xffff;
	v43 =	vadd.f32 v55, v43;
	v62 =	vshll.u32 v63, $0x10;
	v48 =	vadd.f32 $0.0e+00, v61  }
0x106: {  	s23 =	simm.s32 $0x1D00;
	v55 =	vld.idx.msk [tilespmem:v14+s24+$0x0], $0xffff;
	v47 =	vadd.f32 v58, v47;
	v58 =	vshll.u32 v51, $0x10;
	v44 =	vadd.f32 v60, v44  }
0x107: {  	s9 =	simm.s32 $0x1E00;
	v39 =	vld.idx.msk [tilespmem:v33+s23+$0x0], $0xffff;
	v43 =	vadd.f32 v49, v43;
	v41 =	vmul.f32 v41, v8;
	v57 =	vshll.u32 v45, $0x10  }
0x108: {  	v33 =	vld.idx.msk [tilespmem:v32+s9+$0x0], $0xffff;
	v47 =	vmul.f32 v47, v8;
	v44 =	vadd.f32 v62, v44;
	v48 =	vadd.f32 v57, v48  }
0x109: {  	s10 =	simm.s32 $0x1500;
	v32 =	vld.idx.msk [tilespmem:v30+s11+$0x0], $0xffff;
	v43 =	vadd.f32 v63, v43;
	v63 =	vshll.u32 v59, $0x10;
	v45 =	vadd.f32 v45, v52  }
0x10a: {  	s22 =	simm.s32 $0x1600;
	[tilespmem:v0+s18+$0xFFFFFF00] =	vst.idx.msk $0xffff, v47;
	v47 =	vld.idx.msk [tilespmem:v10+s10+$0x0], $0xffff;
	v44 =	vadd.f32 v63, v44;
	v48 =	vadd.f32 v58, v48  }
0x10b: {  	v49 =	vld.idx.msk [tilespmem:v9+s22+$0x0], $0xffff;
	v61 =	vshll.u32 v55, $0x10;
	[tilespmem:v1+s18+$0xFFFFFF00] =	vst.idx.msk $0xffff, v41;
	v43 =	vadd.f32 v59, v43;
	v59 =	vshll.u32 v50, $0x10  }
0x10c: {  	s13 =	simm.s32 $0x1700;
	v60 =	vld.idx.msk [tilespmem:v19+s28+$0x0], $0xffff;
	v44 =	vadd.f32 v59, v44;
	v48 =	vadd.f32 v61, v48  }
0x10d: {  	v62 =	vshll.u32 v42, $0x10;
	v41 =	vld.idx.msk [tilespmem:v12+s13+$0x0], $0xffff;
	v45 =	vadd.f32 v51, v45;
	v43 =	vadd.f32 v50, v43  }
0x10e: {  	v54 =	vld.idx.msk [tilespmem:v31+s29+$0x0], $0xffff;
	v44 =	vmul.f32 v44, v8;
	v48 =	vadd.f32 v62, v48  }
0x10f: {  	s20 =	simm.s32 $0xA00;
	v53 =	vld.idx.msk [tilespmem:v35+s26+$0x0], $0xffff;
	v45 =	vadd.f32 v55, v45;
	v43 =	vmul.f32 v43, v8;
	v63 =	vshll.u32 v47, $0x10  }
0x110: {  	v57 =	vshll.u32 v49, $0x10;
	v50 =	vld.idx.msk [tilespmem:v29+s20+$0x0], $0xffff;
	[tilespmem:v2+s18+$0x0] =	vst.idx.msk $0xffff, v44;
	v48 =	vadd.f32 v63, v48  }
0x111: {  	v42 =	vadd.f32 v42, v45;
	v45 =	vld.idx.msk [tilespmem:v25+s31+$0x0], $0xffff;
	v59 =	vshll.u32 v60, $0x10;
	v52 =	vadd.f32 $0.0e+00, v60;
	[tilespmem:v3+s18+$0x0] =	vst.idx.msk $0xffff, v43  }
0x112: {  	v60 =	vadd.f32 $0.0e+00, v59;
	v55 =	vld.idx.msk [tilespmem:v21+s25+$0x0], $0xffff;
	v48 =	vadd.f32 v57, v48  }
0x113: {  	v58 =	vshll.u32 v41, $0x10;
	v61 =	vshll.u32 v54, $0x10;
	v42 =	vadd.f32 v47, v42;
	v44 =	vld.idx.msk [tilespmem:v27+s30+$0x0], $0xffff  }
0x114: {  	v51 =	vld.idx.msk [tilespmem:v22+s7+$0x0], $0xffff;
	v40 =	vadd.f32 v61, v60;
	v43 =	vadd.f32 v58, v48  }
0x115: {  	v46 =	vmul.f32 v46, v8;
	v47 =	vld.idx.msk [tilespmem:v26+s12+$0x0], $0xffff;
	v62 =	vshll.u32 v50, $0x10;
	v52 =	vadd.f32 v54, v52  }
0x116: {  	v42 =	vadd.f32 v49, v42;
	v48 =	vld.idx.msk [tilespmem:v23+s14+$0x0], $0xffff;
	v54 =	vadd.f32 v62, v40;
	v62 =	vmul.f32 v43, v8  }
0x117: {  	s5 =	simm.s32 $0x1C00;
	[tilespmem:v7+s15+$0x0] =	vst.idx.msk $0xffff, v46;
	v49 =	vld.idx.msk [tilespmem:v28+s4+$0x0], $0xffff;
	v50 =	vadd.f32 v50, v52;
	v61 =	vshll.u32 v55, $0x10  }
0x118: {  	v63 =	vshll.u32 v53, $0x10;
	v41 =	vadd.f32 v41, v42;
	v40 =	vld.idx.msk [tilespmem:v34+s5+$0x0], $0xffff;
	v42 =	vadd.f32 $0.0e+00, v61;
	[tilespmem:v4+s16+$0xFFFFFF00] =	vst.idx.msk $0xffff, v62  }
0x119: {  	v52 =	vshll.u32 v44, $0x10;
	v60 =	vadd.f32 v53, v50;
	v50 =	vld.idx.msk [tilespmem:v24+s24+$0x0], $0xffff;
	v57 =	vshll.u32 v51, $0x10;
	s25 =	rddreg [dreg:$0x5]  }
0x11a: {  	s24 =	simm.s32 $0x1500;
	v41 =	vmul.f32 v41, v8;
	v46 =	vadd.f32 v63, v54;
	v43 =	vld.idx.msk [tilespmem:v20+s21+$0x0], $0xffff;
	s26 =	rddreg [dreg:$0xd];
	v42 =	vadd.f32 v57, v42  }
0x11b: {  	v34 =	vadd.f32 v44, v60;
	v63 =	vadd.f32 $0.0e+00, v55;
	v44 =	vld.idx.msk [tilespmem:v18+s24+$0x0], $0xffff;
	v60 =	vshll.u32 v48, $0x10;
	s0 =	sor.u32 s25, s26  }
0x11c: {  	v46 =	vadd.f32 v52, v46;
	v61 =	vadd.f32 v60, v42;
	v42 =	vld.idx.msk [tilespmem:v17+s22+$0x0], $0xffff;
	[dreg:$0xf] =	wrdreg s0  }
0x11d: {  	v56 =	vshll.u32 v45, $0x10;
	v34 =	vadd.f32 v45, v34;
	v59 =	vadd.f32 v51, v63;
	[tilespmem:v5+s16+$0xFFFFFF00] =	vst.idx.msk $0xffff, v41  }
0x11e: {  	v54 =	vshll.u32 v47, $0x10;
	v58 =	vshll.u32 v49, $0x10;
	v46 =	vadd.f32 v56, v46;
	s28 =	sshll.u32 s0, $0x9;
	s29 =	rddreg [dreg:$0xc]  }
0x11f: {  	v63 =	vshll.u32 v50, $0x10;
	v30 =	vadd.f32 v47, v34;
	v62 =	vadd.f32 v48, v59;
	s0 =	sand.u32 $0x1FF000, s28;
	s30 =	sshll.u32 s29, $0x5  }
0x120: {  	v45 =	vshll.u32 v40, $0x10;
	v46 =	vadd.f32 v54, v46;
	v51 =	vadd.f32 v63, v61;
	[dreg:$0x11] =	wrdreg s0;
	s0 =	sand.u32 $0x60, s30  }
0x121: {  	s31 =	simm.s32 $0x1800;
	v48 =	vadd.f32 v49, v30;
	v47 =	vadd.f32 v50, v62;
	v30 =	vshll.u32 v43, $0x10;
	v41 =	vld.idx.msk [tilespmem:v16+s13+$0x0], $0xffff;
	[dreg:$0x13] =	wrdreg s0  }
0x122: {  	s19 =	simm.s32 $0x4;
	s20 =	simm.s32 $0xC0;
	v49 =	vadd.f32 v58, v46;
	v46 =	vadd.f32 v30, v51;
	v34 =	vld.idx.msk [tilespmem:v38+s31+$0x0], $0xffff;
	v38 =	vshll.u32 v39, $0x10  }
.LBB2_7:
0x123: {  	s25 =	sand.u32 $0x300, s20  }
0x124: {  	s17 =	sadd.s32 $0x20, s17;
	s8 =	simm.s32 $0x1900;
	s2 =	simm.s32 $0x1A00  }
0x125: {  	v30 =	vmul.f32 v48, v8;
	v43 =	vadd.f32 v43, v47;
	v47 =	vshll.u32 v44, $0x10;
	s5 =	simm.s32 $0x1B00;
	s19 =	sadd.s32 $0x2, s19;
	s7 =	simm.s32 $0x1800;
	v48 =	vld.idx.msk [tilespmem:v15+s8+$0x0], $0xffff;
	v15 =	vmovc v31  }
0x126: {  	v37 =	vadd.f32 v45, v37;
	s21 =	sadd.s32 $0xFFFFFFF0, s17;
	s24 =	sor.u32 $0x3C80, s25;
	s28 =	sand.u32 $0x70, s17;
	v31 =	vmul.f32 v49, v8;
	v46 =	vadd.f32 v47, v46;
	v47 =	vld.idx.msk [tilespmem:v13+s2+$0x0], $0xffff  }
0x127: {  	v49 =	vadd.f32 v40, v36;
	s30 =	sand.u32 $0x60, s21;
	s21 =	sor.u32 $0x2080, s25;
	s23 =	sor.u32 s28, s24;
	v43 =	vadd.f32 v44, v43;
	v44 =	vshll.u32 v42, $0x10;
	v13 =	vmovc v29;
	v45 =	vld.idx.msk [tilespmem:v14+s5+$0x0], $0xffff  }
0x128: {  	s26 =	sor.u32 $0x3880, s25;
	v36 =	vadd.f32 v38, v37;
	v37 =	vshll.u32 v33, $0x10;
	s22 =	sor.u32 s30, s21;
	s29 =	sor.u32 s28, s21;
	v29 =	vld [tilespmem:s23+$0x0];
	[tilespmem:v2+s18+$0xFFFFFF00] =	vst.idx.msk $0xffff, v31;
	v31 =	vadd.f32 v44, v46  }
0x129: {  	s31 =	sor.u32 $0x2480, s25;
	s21 =	sor.u32 s30, s26;
	s26 =	sor.u32 s28, s26;
	v40 =	vshll.u32 v41, $0x10;
	v39 =	vadd.f32 v39, v49;
	v38 =	vld [tilespmem:s29+$0x0];
	[tilespmem:v3+s18+$0xFFFFFF00] =	vst.idx.msk $0xffff, v30;
	v30 =	vadd.f32 v42, v43  }
0x12a: {  	s0 =	sor.u32 $0x3480, s25;
	v14 =	vmovc v35;
	s23 =	sor.u32 s30, s31;
	s29 =	sor.u32 s28, s31;
	v42 =	vld [tilespmem:s26+$0x0];
	v31 =	vadd.f32 v40, v31;
	v40 =	vshll.u32 v34, $0x10;
	v34 =	vadd.f32 $0.0e+00, v34  }
0x12b: {  	p1 =	slt.u32 s19, $0x1E;
	s26 =	sor.u32 $0x2880, s25;
	v35 =	vld [tilespmem:s29+$0x0];
	s29 =	sor.u32 s28, s0;
	v30 =	vadd.f32 v41, v30;
	v40 =	vadd.f32 $0.0e+00, v40;
	v41 =	vshll.u32 v48, $0x10  }
0x12c: {  	s6 =	sor.u32 $0x2C80, s25;
	s31 =	sor.u32 $0x3080, s25;
	s1 =	sor.u32 s28, s26;
	v44 =	vshll.u32 v47, $0x10;
	v43 =	vld [tilespmem:s29+$0x0];
	v31 =	vmul.f32 v31, v8;
	v34 =	vadd.f32 v48, v34  }
0x12d: {  	s25 =	sor.u32 s30, s31;
	s26 =	sor.u32 s30, s26;
	v46 =	vld [tilespmem:s1+$0x0];
	s1 =	sor.u32 s28, s31;
	v30 =	vmul.f32 v30, v8;
	v40 =	vadd.f32 v41, v40;
	v41 =	vshll.u32 v45, $0x10  }
0x12e: {  	s29 =	sor.u32 s30, s6;
	s6 =	sor.u32 s28, s6;
	s31 =	simm.s32 $0x200;
	v48 =	vld [tilespmem:s1+$0x0];
	[tilespmem:v4+s18+$0x0] =	vst.idx.msk $0xffff, v31;
	v31 =	vadd.f32 v47, v34;
	v34 =	vadd.f32 v37, v36;
	v37 =	vshll.u32 v32, $0x10  }
0x12f: {  	s24 =	sor.u32 s30, s24;
	v33 =	vadd.f32 v33, v39;
	s28 =	sor.u32 s30, s0;
	s30 =	simm.s32 $0x100;
	v47 =	vld [tilespmem:s6+$0x0];
	[tilespmem:v5+s18+$0x0] =	vst.idx.msk $0xffff, v30;
	v30 =	vadd.f32 v44, v40  }
0x130: {  	v39 =	vld.idx.msk [tilespmem:v21+s7+$0x0], $0xffff;
	v36 =	vadd.f32 v45, v31;
	v31 =	vadd.f32 v37, v34;
	v21 =	vmov v38  }
0x131: {  	v34 =	vld.idx.msk [tilespmem:v38+s3+$0x0], $0xffff;
	v37 =	vadd.f32 v41, v30;
	v30 =	vadd.f32 v32, v33  }
0x132: {  	v32 =	vld.idx.msk [tilespmem:v22+s8+$0x0], $0xffff;
	v31 =	vmul.f32 v31, v8;
	v22 =	vmov v35  }
0x133: {  	v33 =	vld.idx.msk [tilespmem:v35+s30+$0x0], $0xffff;
	v30 =	vmul.f32 v30, v8  }
0x134: {  	v35 =	vld.idx.msk [tilespmem:v23+s2+$0x0], $0xffff;
	[tilespmem:v6+s15+$0xFFFFFF00] =	vst.idx.msk $0xffff, v31;
	v23 =	vmov v46  }
0x135: {  	v31 =	vld.idx.msk [tilespmem:v46+s31+$0x0], $0xffff;
	[tilespmem:v7+s15+$0xFFFFFF00] =	vst.idx.msk $0xffff, v30;
	s15 =	smov.u32 s16;
	s16 =	smov.u32 s18  }
0x136: {  	s6 =	simm.s32 $0x300;
	v30 =	vshll.u32 v39, $0x10;
	v38 =	vld.idx.msk [tilespmem:v24+s5+$0x0], $0xffff;
	v24 =	vmov v47  }
0x137: {  	s11 =	simm.s32 $0x1C00;
	v30 =	vadd.f32 $0.0e+00, v30;
	v40 =	vld.idx.msk [tilespmem:v47+s6+$0x0], $0xffff  }
0x138: {  	s8 =	simm.s32 $0x400;
	v39 =	vadd.f32 $0.0e+00, v39;
	v41 =	vshll.u32 v34, $0x10;
	v44 =	vshll.u32 v32, $0x10;
	v45 =	vld.idx.msk [tilespmem:v20+s11+$0x0], $0xffff;
	v20 =	vmovc v48  }
0x139: {  	s9 =	simm.s32 $0x1D00;
	v41 =	vadd.f32 $0.0e+00, v41;
	v46 =	vshll.u32 v33, $0x10;
	v30 =	vadd.f32 v44, v30;
	v47 =	vld.idx.msk [tilespmem:v48+s8+$0x0], $0xffff  }
0x13a: {  	s10 =	simm.s32 $0x500;
	v34 =	vadd.f32 $0.0e+00, v34;
	v32 =	vadd.f32 v32, v39;
	v39 =	vshll.u32 v35, $0x10;
	v44 =	vld.idx.msk [tilespmem:v18+s9+$0x0], $0xffff;
	v18 =	vmovc v43  }
0x13b: {  	s13 =	simm.s32 $0x1E00;
	v41 =	vadd.f32 v46, v41;
	v46 =	vshll.u32 v31, $0x10;
	v30 =	vadd.f32 v39, v30;
	v43 =	vld.idx.msk [tilespmem:v43+s10+$0x0], $0xffff  }
0x13c: {  	s2 =	simm.s32 $0x600;
	v33 =	vadd.f32 v33, v34;
	v32 =	vadd.f32 v35, v32;
	v34 =	vshll.u32 v38, $0x10;
	v39 =	vld.idx.msk [tilespmem:v17+s13+$0x0], $0xffff;
	v17 =	vmovc v42  }
0x13d: {  	s14 =	simm.s32 $0x1F00;
	v35 =	vadd.f32 v46, v41;
	v41 =	vshll.u32 v40, $0x10;
	v34 =	vadd.f32 v34, v30;
	v42 =	vld.idx.msk [tilespmem:v42+s2+$0x0], $0xffff  }
0x13e: {  	v31 =	vadd.f32 v31, v33;
	v32 =	vadd.f32 v38, v32;
	v33 =	vshll.u32 v45, $0x10;
	v46 =	vld.idx.msk [tilespmem:v16+s14+$0x0], $0xffff;
	v16 =	vmovc v29  }
0x13f: {  	s5 =	simm.s32 $0x700;
	v35 =	vadd.f32 v41, v35;
	v38 =	vshll.u32 v47, $0x10;
	v33 =	vadd.f32 v33, v34;
	v30 =	vld [tilespmem:s22+$0x0]  }
0x140: {  	v32 =	vadd.f32 v45, v32;
	v34 =	vadd.f32 v40, v31;
	v40 =	vld.idx.msk [tilespmem:v29+s5+$0x0], $0xffff;
	v29 =	vshll.u32 v44, $0x10  }
0x141: {  	v38 =	vadd.f32 v38, v35;
	v41 =	vshll.u32 v43, $0x10;
	v31 =	vld [tilespmem:s23+$0x0];
	s23 =	simm.s32 $0x1200;
	v33 =	vadd.f32 v29, v33  }
0x142: {  	v32 =	vadd.f32 v44, v32;
	v34 =	vadd.f32 v47, v34;
	v44 =	vshll.u32 v39, $0x10;
	v29 =	vld [tilespmem:s26+$0x0]  }
0x143: {  	v41 =	vadd.f32 v41, v38;
	v45 =	vshll.u32 v42, $0x10;
	v35 =	vld [tilespmem:s29+$0x0];
	s29 =	simm.s32 $0x900;
	v44 =	vadd.f32 v44, v33  }
0x144: {  	s22 =	simm.s32 $0x1100;
	v39 =	vadd.f32 v39, v32;
	v34 =	vadd.f32 v43, v34;
	v32 =	vshll.u32 v46, $0x10;
	v38 =	vld [tilespmem:s25+$0x0];
	s25 =	simm.s32 $0x1000  }
0x145: {  	s26 =	simm.s32 $0x800;
	v41 =	vadd.f32 v45, v41;
	v33 =	vld [tilespmem:s28+$0x0];
	s28 =	simm.s32 $0xA00;
	v43 =	vadd.f32 v32, v44  }
0x146: {  	s0 =	simm.s32 $0x1400;
	s1 =	simm.s32 $0x1500;
	v39 =	vadd.f32 v46, v39;
	v42 =	vadd.f32 v42, v34;
	v34 =	vshll.u32 v40, $0x10;
	v32 =	vld [tilespmem:s21+$0x0]  }
0x147: {  	v41 =	vadd.f32 v34, v41;
	v44 =	vld.idx.msk [tilespmem:v30+s3+$0x0], $0xffff;
	v43 =	vmul.f32 v43, v8  }
0x148: {  	v39 =	vmul.f32 v39, v8;
	v40 =	vadd.f32 v40, v42;
	v34 =	vld [tilespmem:s24+$0x0];
	s24 =	simm.s32 $0x1300  }
0x149: {  	v41 =	vmul.f32 v41, v8;
	v42 =	vld.idx.msk [tilespmem:v31+s30+$0x0], $0xffff;
	[tilespmem:v6+s18+$0x0] =	vst.idx.msk $0xffff, v43  }
0x14a: {  	v40 =	vmul.f32 v40, v8;
	s18 =	sadd.s32 $0x200, s18;
	v43 =	vld.idx.msk [tilespmem:v29+s31+$0x0], $0xffff;
	[tilespmem:v7+s16+$0x0] =	vst.idx.msk $0xffff, v39  }
0x14b: {  	v39 =	vld.idx.msk [tilespmem:v35+s6+$0x0], $0xffff;
	[tilespmem:v0+s18+$0x0] =	vst.idx.msk $0xffff, v41  }
0x14c: {  	v41 =	vld.idx.msk [tilespmem:v38+s8+$0x0], $0xffff;
	[tilespmem:v1+s18+$0x0] =	vst.idx.msk $0xffff, v40  }
0x14d: {  	v40 =	vshll.u32 v44, $0x10;
	v44 =	vadd.f32 $0.0e+00, v44;
	v45 =	vld.idx.msk [tilespmem:v21+s26+$0x0], $0xffff  }
0x14e: {  	v40 =	vadd.f32 $0.0e+00, v40;
	v46 =	vld.idx.msk [tilespmem:v33+s10+$0x0], $0xffff  }
0x14f: {  	v47 =	vshll.u32 v42, $0x10;
	v42 =	vadd.f32 v42, v44;
	v44 =	vld.idx.msk [tilespmem:v22+s29+$0x0], $0xffff  }
0x150: {  	v40 =	vadd.f32 v47, v40;
	v47 =	vshll.u32 v43, $0x10;
	v48 =	vld.idx.msk [tilespmem:v32+s2+$0x0], $0xffff  }
0x151: {  	v42 =	vadd.f32 v43, v42;
	v43 =	vshll.u32 v39, $0x10;
	v49 =	vld.idx.msk [tilespmem:v23+s28+$0x0], $0xffff  }
0x152: {  	s8 =	simm.s32 $0xB00;
	v40 =	vadd.f32 v47, v40;
	v47 =	vshll.u32 v41, $0x10;
	v50 =	vld.idx.msk [tilespmem:v34+s5+$0x0], $0xffff  }
0x153: {  	v39 =	vadd.f32 v39, v42;
	v42 =	vshll.u32 v45, $0x10;
	v51 =	vld.idx.msk [tilespmem:v24+s8+$0x0], $0xffff  }
0x154: {  	s5 =	simm.s32 $0xC00;
	v40 =	vadd.f32 v43, v40;
	v43 =	vshll.u32 v46, $0x10;
	v42 =	vadd.f32 $0.0e+00, v42;
	v52 =	vld.idx.msk [tilespmem:v19+s25+$0x0], $0xffff  }
0x155: {  	v39 =	vadd.f32 v41, v39;
	v41 =	vadd.f32 $0.0e+00, v45;
	v45 =	vshll.u32 v44, $0x10;
	v53 =	vld.idx.msk [tilespmem:v20+s5+$0x0], $0xffff  }
0x156: {  	s10 =	simm.s32 $0xD00;
	v40 =	vadd.f32 v47, v40;
	v47 =	vshll.u32 v48, $0x10;
	v42 =	vadd.f32 v45, v42;
	v45 =	vld.idx.msk [tilespmem:v15+s22+$0x0], $0xffff  }
0x157: {  	v39 =	vadd.f32 v46, v39;
	v41 =	vadd.f32 v44, v41;
	v44 =	vshll.u32 v49, $0x10;
	v46 =	vld.idx.msk [tilespmem:v18+s10+$0x0], $0xffff  }
0x158: {  	v40 =	vadd.f32 v43, v40;
	v43 =	vshll.u32 v50, $0x10;
	v42 =	vadd.f32 v44, v42;
	v44 =	vld.idx.msk [tilespmem:v13+s23+$0x0], $0xffff  }
0x159: {  	v39 =	vadd.f32 v48, v39;
	v41 =	vadd.f32 v49, v41;
	v48 =	vshll.u32 v51, $0x10;
	v49 =	vld.idx.msk [tilespmem:v17+s12+$0x0], $0xffff  }
0x15a: {  	v40 =	vadd.f32 v47, v40;
	v42 =	vadd.f32 v48, v42;
	v47 =	vshll.u32 v52, $0x10;
	v48 =	vld.idx.msk [tilespmem:v14+s24+$0x0], $0xffff  }
0x15b: {  	v39 =	vadd.f32 v50, v39;
	v41 =	vadd.f32 v51, v41;
	v50 =	vshll.u32 v53, $0x10;
	v51 =	vld.idx.msk [tilespmem:v16+s4+$0x0], $0xffff  }
0x15c: {  	v40 =	vadd.f32 v43, v40;
	v42 =	vadd.f32 v50, v42;
	v43 =	vshll.u32 v45, $0x10;
	v50 =	vld.idx.msk [tilespmem:v27+s0+$0x0], $0xffff  }
0x15d: {  	s2 =	simm.s32 $0x1600;
	v39 =	vmul.f32 v39, v8;
	v41 =	vadd.f32 v53, v41;
	v53 =	vshll.u32 v46, $0x10;
	v54 =	vld.idx.msk [tilespmem:v25+s1+$0x0], $0xffff  }
0x15e: {  	s6 =	simm.s32 $0x1700;
	v47 =	vadd.f32 $0.0e+00, v47;
	v40 =	vmul.f32 v40, v8;
	v42 =	vadd.f32 v53, v42;
	v53 =	vld.idx.msk [tilespmem:v26+s2+$0x0], $0xffff  }
0x15f: {  	v52 =	vadd.f32 $0.0e+00, v52;
	v41 =	vadd.f32 v46, v41;
	v46 =	vshll.u32 v49, $0x10;
	v55 =	vld.idx.msk [tilespmem:v28+s6+$0x0], $0xffff  }
0x160: {  	[tilespmem:v0+s18+$0xFFFFFF00] =	vst.idx.msk $0xffff, v40;
	v40 =	vadd.f32 v46, v42;
	v42 =	vadd.f32 v43, v47;
	v43 =	vshll.u32 v44, $0x10  }
0x161: {  	v45 =	vadd.f32 v45, v52;
	[tilespmem:v1+s18+$0xFFFFFF00] =	vst.idx.msk $0xffff, v39;
	v39 =	vadd.f32 v49, v41;
	v41 =	vshll.u32 v51, $0x10  }
0x162: {  	v46 =	vld.idx.msk [tilespmem:v30+s26+$0x0], $0xffff;
	v40 =	vadd.f32 v41, v40;
	v41 =	vadd.f32 v43, v42;
	v42 =	vshll.u32 v48, $0x10  }
0x163: {  	v44 =	vadd.f32 v44, v45;
	v45 =	vshll.u32 v50, $0x10;
	v43 =	vld.idx.msk [tilespmem:v31+s29+$0x0], $0xffff;
	v39 =	vadd.f32 v51, v39  }
0x164: {  	v47 =	vld.idx.msk [tilespmem:v29+s28+$0x0], $0xffff;
	v40 =	vmul.f32 v40, v8;
	v41 =	vadd.f32 v42, v41;
	v42 =	vshll.u32 v54, $0x10  }
0x165: {  	v44 =	vadd.f32 v48, v44;
	v48 =	vshll.u32 v53, $0x10;
	v49 =	vld.idx.msk [tilespmem:v35+s8+$0x0], $0xffff;
	v39 =	vmul.f32 v39, v8  }
0x166: {  	v51 =	vld.idx.msk [tilespmem:v38+s5+$0x0], $0xffff;
	[tilespmem:v2+s18+$0x0] =	vst.idx.msk $0xffff, v40;
	v40 =	vadd.f32 v45, v41;
	v41 =	vshll.u32 v55, $0x10  }
0x167: {  	v45 =	vld.idx.msk [tilespmem:v33+s10+$0x0], $0xffff;
	[tilespmem:v3+s18+$0x0] =	vst.idx.msk $0xffff, v39;
	v39 =	vadd.f32 v50, v44  }
0x168: {  	v44 =	vshll.u32 v46, $0x10;
	v46 =	vadd.f32 $0.0e+00, v46;
	v50 =	vld.idx.msk [tilespmem:v21+s25+$0x0], $0xffff;
	v40 =	vadd.f32 v42, v40  }
0x169: {  	v42 =	vadd.f32 $0.0e+00, v44;
	v44 =	vshll.u32 v43, $0x10;
	v52 =	vld.idx.msk [tilespmem:v32+s12+$0x0], $0xffff;
	v39 =	vadd.f32 v54, v39  }
0x16a: {  	v43 =	vadd.f32 v43, v46;
	v46 =	vshll.u32 v47, $0x10;
	v54 =	vld.idx.msk [tilespmem:v22+s22+$0x0], $0xffff;
	v40 =	vadd.f32 v48, v40  }
0x16b: {  	v42 =	vadd.f32 v44, v42;
	v44 =	vshll.u32 v49, $0x10;
	v48 =	vld.idx.msk [tilespmem:v34+s4+$0x0], $0xffff;
	v39 =	vadd.f32 v53, v39  }
0x16c: {  	v43 =	vadd.f32 v47, v43;
	v47 =	vshll.u32 v51, $0x10;
	v53 =	vld.idx.msk [tilespmem:v23+s23+$0x0], $0xffff;
	v41 =	vadd.f32 v41, v40  }
0x16d: {  	v42 =	vadd.f32 v46, v42;
	v46 =	vshll.u32 v45, $0x10;
	v55 =	vadd.f32 v55, v39;
	v40 =	vld.idx.msk [tilespmem:v11+s11+$0x0], $0xffff;
	v11 =	vmovc v27  }
0x16e: {  	v43 =	vadd.f32 v49, v43;
	v39 =	vshll.u32 v50, $0x10;
	v27 =	vmovc v38;
	v49 =	vld.idx.msk [tilespmem:v24+s24+$0x0], $0xffff;
	v41 =	vmul.f32 v41, v8  }
0x16f: {  	v38 =	vadd.f32 v44, v42;
	v56 =	vshll.u32 v52, $0x10;
	v42 =	vadd.f32 $0.0e+00, v39;
	v39 =	vld.idx.msk [tilespmem:v10+s9+$0x0], $0xffff;
	v10 =	vmovc v25;
	v25 =	vmovc v33  }
0x170: {  	v50 =	vadd.f32 $0.0e+00, v50;
	v44 =	vadd.f32 v51, v43;
	v33 =	vshll.u32 v54, $0x10;
	v43 =	vld.idx.msk [tilespmem:v20+s0+$0x0], $0xffff;
	[tilespmem:v4+s16+$0xFFFFFF00] =	vst.idx.msk $0xffff, v41  }
0x171: {  	v38 =	vadd.f32 v47, v38;
	v51 =	vshll.u32 v48, $0x10;
	v41 =	vadd.f32 v33, v42;
	v33 =	vld.idx.msk [tilespmem:v9+s13+$0x0], $0xffff;
	v9 =	vmovc v26  }
0x172: {  	v42 =	vadd.f32 v45, v44;
	v45 =	vadd.f32 v54, v50;
	v47 =	vshll.u32 v53, $0x10;
	v26 =	vmovc v32;
	v44 =	vld.idx.msk [tilespmem:v18+s1+$0x0], $0xffff  }
.Ltmp4:
0x173: {  	v38 =	vadd.f32 v46, v38;
	v41 =	vadd.f32 v47, v41;
	v46 =	vmul.f32 v55, v8;
	v32 =	vld.idx.msk [tilespmem:v12+s14+$0x0], $0xffff;
	(pc) =	sbr.rel @p1 .LBB2_7-.Ltmp4, $4  }
0x174: {  	s5 =	simm.s32 $0x1600;
	v47 =	vadd.f32 v52, v42;
	v50 =	vadd.f32 v53, v45;
	v45 =	vshll.u32 v49, $0x10;
	v12 =	vmovc v28;
	v42 =	vld.idx.msk [tilespmem:v17+s2+$0x0], $0xffff  }
0x175: {  	v38 =	vadd.f32 v56, v38;
	v52 =	vadd.f32 v45, v41;
	v45 =	vshll.u32 v40, $0x10;
	[tilespmem:v5+s16+$0xFFFFFF00] =	vst.idx.msk $0xffff, v46  }
0x176: {  	s8 =	simm.s32 $0x1700;
	v28 =	vmovc v34;
	v48 =	vadd.f32 v48, v47;
	v47 =	vadd.f32 v49, v50;
	v46 =	vshll.u32 v43, $0x10;
	v41 =	vld.idx.msk [tilespmem:v16+s6+$0x0], $0xffff  }
0x177: {  	s20 =	sadd.s32 $0x40, s20;
	v49 =	vadd.f32 v51, v38;
	v46 =	vadd.f32 v46, v52;
	v38 =	vshll.u32 v39, $0x10;
	v34 =	vld.idx.msk [tilespmem:v19+s7+$0x0], $0xffff;
	v19 =	vmovc v30  }
0x178: {  	_ =	sdelay $0x1  }
0x179: {  	v30 =	vmul.f32 v49, v8  }
0x17a: {  	v48 =	vmul.f32 v48, v8  }
0x17b: {  	[tilespmem:v2+s18+$0xFFFFFF00] =	vst.idx.msk $0xffff, v30  }
0x17c: {  	[tilespmem:v3+s18+$0xFFFFFF00] =	vst.idx.msk $0xffff, v48  }
0x17d: {  	v30 =	vld.idx.msk [tilespmem:v19+s25+$0x0], $0xffff;
	_ =	sdelay $0x1  }
0x17e: {  	v48 =	vld.idx.msk [tilespmem:v31+s22+$0x0], $0xffff  }
0x17f: {  	v43 =	vadd.f32 v43, v47;
	v57 =	vshll.u32 v44, $0x10  }
0x180: {  	v37 =	vadd.f32 v45, v37;
	v46 =	vadd.f32 v57, v46;
	v59 =	vld.idx.msk [tilespmem:v29+s23+$0x0], $0xffff  }
0x181: {  	v58 =	vshll.u32 v42, $0x10;
	v43 =	vadd.f32 v44, v43;
	v60 =	vshll.u32 v30, $0x10  }
0x182: {  	v44 =	vadd.f32 v58, v46;
	v62 =	vshll.u32 v41, $0x10;
	v63 =	vld.idx.msk [tilespmem:v35+s24+$0x0], $0xffff;
	v46 =	vadd.f32 $0.0e+00, v60  }
0x183: {  	v61 =	vadd.f32 v42, v43;
	v51 =	vshll.u32 v48, $0x10;
	v30 =	vadd.f32 $0.0e+00, v30  }
0x184: {  	s2 =	simm.s32 $0x1900;
	v43 =	vadd.f32 v62, v44;
	v54 =	vld.idx.msk [tilespmem:v27+s0+$0x0], $0xffff;
	v53 =	vadd.f32 v51, v46  }
0x185: {  	v15 =	vld.idx.msk [tilespmem:v15+s2+$0x0], $0xffff;
	v52 =	vadd.f32 v41, v61;
	v55 =	vshll.u32 v59, $0x10;
	v30 =	vadd.f32 v48, v30  }
0x186: {  	v36 =	vadd.f32 v40, v36;
	s12 =	simm.s32 $0x1A00;
	v56 =	vld.idx.msk [tilespmem:v25+s1+$0x0], $0xffff;
	v43 =	vmul.f32 v43, v8;
	v42 =	vadd.f32 v55, v53  }
0x187: {  	v13 =	vld.idx.msk [tilespmem:v13+s12+$0x0], $0xffff;
	v41 =	vmul.f32 v52, v8;
	v57 =	vshll.u32 v63, $0x10;
	v30 =	vadd.f32 v59, v30  }
0x188: {  	v37 =	vadd.f32 v38, v37;
	v58 =	vld.idx.msk [tilespmem:v26+s5+$0x0], $0xffff;
	[tilespmem:v4+s18+$0x0] =	vst.idx.msk $0xffff, v43;
	v59 =	vadd.f32 v57, v42  }
0x189: {  	s4 =	simm.s32 $0x1800;
	v62 =	vld.idx.msk [tilespmem:v28+s8+$0x0], $0xffff;
	[tilespmem:v5+s18+$0x0] =	vst.idx.msk $0xffff, v41;
	v60 =	vshll.u32 v54, $0x10;
	v30 =	vadd.f32 v63, v30  }
0x18a: {  	s7 =	simm.s32 $0x1C00;
	v36 =	vadd.f32 v39, v36;
	v21 =	vld.idx.msk [tilespmem:v21+s4+$0x0], $0xffff;
	v38 =	vadd.f32 v60, v59  }
0x18b: {  	v11 =	vld.idx.msk [tilespmem:v11+s7+$0x0], $0xffff;
	v61 =	vshll.u32 v34, $0x10;
	v47 =	vshll.u32 v56, $0x10;
	v30 =	vadd.f32 v54, v30  }
0x18c: {  	v39 =	vadd.f32 $0.0e+00, v61;
	v22 =	vld.idx.msk [tilespmem:v22+s2+$0x0], $0xffff;
	v38 =	vadd.f32 v47, v38  }
0x18d: {  	s13 =	simm.s32 $0x1B00;
	v49 =	vshll.u32 v15, $0x10;
	v50 =	vshll.u32 v58, $0x10;
	v23 =	vld.idx.msk [tilespmem:v23+s12+$0x0], $0xffff;
	v30 =	vadd.f32 v56, v30  }
0x18e: {  	v14 =	vld.idx.msk [tilespmem:v14+s13+$0x0], $0xffff;
	v39 =	vadd.f32 v49, v39;
	v52 =	vshll.u32 v62, $0x10;
	v38 =	vadd.f32 v50, v38  }
0x18f: {  	v24 =	vld.idx.msk [tilespmem:v24+s13+$0x0], $0xffff;
	v63 =	vadd.f32 $0.0e+00, v34;
	v51 =	vshll.u32 v21, $0x10;
	v30 =	vadd.f32 v58, v30  }
0x190: {  	s14 =	simm.s32 $0x1D00;
	v49 =	vshll.u32 v11, $0x10;
	v20 =	vld.idx.msk [tilespmem:v20+s7+$0x0], $0xffff;
	v34 =	vadd.f32 $0.0e+00, v51;
	v38 =	vadd.f32 v52, v38  }
0x191: {  	s6 =	simm.s32 $0x1E00;
	v18 =	vld.idx.msk [tilespmem:v18+s14+$0x0], $0xffff;
	v21 =	vadd.f32 $0.0e+00, v21;
	v53 =	vshll.u32 v22, $0x10;
	v30 =	vadd.f32 v62, v30  }
0x192: {  	s17 =	simm.s32 $0x1F00;
	v17 =	vld.idx.msk [tilespmem:v17+s6+$0x0], $0xffff;
	v55 =	vshll.u32 v23, $0x10;
	v34 =	vadd.f32 v53, v34;
	v38 =	vmul.f32 v38, v8  }
0x193: {  	v16 =	vld.idx.msk [tilespmem:v16+s17+$0x0], $0xffff;
	v15 =	vadd.f32 v15, v63;
	v21 =	vadd.f32 v22, v21;
	v30 =	vmul.f32 v30, v8  }
0x194: {  	v54 =	vshll.u32 v13, $0x10;
	v63 =	vadd.f32 v33, v36;
	v22 =	vadd.f32 v55, v34;
	[tilespmem:v4+s18+$0xFFFFFF00] =	vst.idx.msk $0xffff, v38  }
0x195: {  	v57 =	vshll.u32 v24, $0x10;
	v59 =	vadd.f32 v54, v39;
	v56 =	vadd.f32 v23, v21;
	[tilespmem:v5+s18+$0xFFFFFF00] =	vst.idx.msk $0xffff, v30  }
0x196: {  	v48 =	vshll.u32 v33, $0x10;
	v13 =	vadd.f32 v13, v15;
	v21 =	vadd.f32 v57, v22;
	v61 =	vld.idx.msk [tilespmem:v19+s4+$0x0], $0xffff  }
0x197: {  	v10 =	vld.idx.msk [tilespmem:v10+s14+$0x0], $0xffff;
	v60 =	vshll.u32 v20, $0x10;
	v39 =	vadd.f32 v32, v63;
	v15 =	vadd.f32 v24, v56  }
0x198: {  	v42 =	vshll.u32 v16, $0x10;
	v58 =	vadd.f32 v48, v37;
	v21 =	vadd.f32 v60, v21;
	v36 =	vld.idx.msk [tilespmem:v31+s2+$0x0], $0xffff  }
0x199: {  	v9 =	vld.idx.msk [tilespmem:v9+s6+$0x0], $0xffff;
	v34 =	vshll.u32 v18, $0x10;
	v13 =	vadd.f32 v14, v13;
	v15 =	vadd.f32 v20, v15  }
0x19a: {  	v14 =	vshll.u32 v14, $0x10;
	v37 =	vshll.u32 v17, $0x10;
	v20 =	vadd.f32 v34, v21;
	v38 =	vld.idx.msk [tilespmem:v29+s12+$0x0], $0xffff  }
0x19b: {  	v14 =	vadd.f32 v14, v59;
	v15 =	vadd.f32 v18, v15;
	v40 =	vshll.u32 v61, $0x10  }
0x19c: {  	v51 =	vshll.u32 v10, $0x10;
	v18 =	vadd.f32 v37, v20;
	v41 =	vld.idx.msk [tilespmem:v35+s13+$0x0], $0xffff;
	v20 =	vadd.f32 $0.0e+00, v40  }
0x19d: {  	v62 =	vshll.u32 v32, $0x10;
	v11 =	vadd.f32 v11, v13;
	v43 =	vshll.u32 v36, $0x10  }
0x19e: {  	v55 =	vshll.u32 v9, $0x10;
	v23 =	vadd.f32 v62, v58;
	v44 =	vld.idx.msk [tilespmem:v27+s7+$0x0], $0xffff;
	v20 =	vadd.f32 v43, v20  }
0x19f: {  	v12 =	vld.idx.msk [tilespmem:v12+s17+$0x0], $0xffff;
	v14 =	vadd.f32 v49, v14;
	v19 =	vadd.f32 $0.0e+00, v61;
	v45 =	vshll.u32 v38, $0x10  }
0x1a0: {  	v22 =	vmul.f32 v39, v8;
	v18 =	vadd.f32 v42, v18;
	v48 =	vld.idx.msk [tilespmem:v25+s14+$0x0], $0xffff;
	v47 =	vadd.f32 v45, v20  }
0x1a1: {  	v10 =	vadd.f32 v10, v11;
	v50 =	vshll.u32 v41, $0x10;
	v19 =	vadd.f32 v36, v19  }
0x1a2: {  	v14 =	vadd.f32 v51, v14;
	v52 =	vld.idx.msk [tilespmem:v26+s6+$0x0], $0xffff;
	v46 =	vmul.f32 v18, v8;
	v18 =	vadd.f32 v50, v47  }
0x1a3: {  	v15 =	vadd.f32 v17, v15;
	v54 =	vshll.u32 v44, $0x10;
	v19 =	vadd.f32 v38, v19  }
0x1a4: {  	v58 =	vshll.u32 v12, $0x10;
	v9 =	vadd.f32 v9, v10;
	v56 =	vld.idx.msk [tilespmem:v28+s17+$0x0], $0xffff;
	v17 =	vadd.f32 v54, v18  }
0x1a5: {  	v14 =	vadd.f32 v55, v14;
	v57 =	vshll.u32 v48, $0x10;
	v53 =	vadd.f32 v41, v19  }
0x1a6: {  	v23 =	vmul.f32 v23, v8;
	v15 =	vadd.f32 v16, v15;
	v11 =	vadd.f32 v57, v17  }
0x1a7: {  	v14 =	vadd.f32 v58, v14;
	v59 =	vshll.u32 v52, $0x10;
	v13 =	vadd.f32 v44, v53  }
0x1a8: {  	[tilespmem:v6+s15+$0xFFFFFF00] =	vst.idx.msk $0xffff, v23;
	v9 =	vadd.f32 v12, v9;
	v10 =	vadd.f32 v59, v11  }
0x1a9: {  	[tilespmem:v7+s15+$0xFFFFFF00] =	vst.idx.msk $0xffff, v22;
	v62 =	vmul.f32 v14, v8;
	v60 =	vshll.u32 v56, $0x10;
	v13 =	vadd.f32 v48, v13  }
0x1aa: {  	v15 =	vmul.f32 v15, v8;
	[tilespmem:v6+s18+$0x0] =	vst.idx.msk $0xffff, v46;
	v10 =	vadd.f32 v60, v10  }
0x1ab: {  	v9 =	vmul.f32 v9, v8;
	[tilespmem:v6+s16+$0xFFFFFF00] =	vst.idx.msk $0xffff, v62;
	v61 =	vadd.f32 v52, v13  }
0x1ac: {  	[tilespmem:v7+s18+$0x0] =	vst.idx.msk $0xffff, v15;
	v10 =	vmul.f32 v10, v8  }
0x1ad: {  	s19 =	rddreg [dreg:$0x2];
	[tilespmem:v7+s16+$0xFFFFFF00] =	vst.idx.msk $0xffff, v9;
	v63 =	vadd.f32 v56, v61  }
0x1ae: {  	s20 =	rddreg [dreg:$0x13];
	[tilespmem:v6+s18+$0xFFFFFF00] =	vst.idx.msk $0xffff, v10  }
0x1af: {  	s17 =	simm.s32 $0x80;
	s0 =	sadd.s32 s19, s20;
	v8 =	vmul.f32 v63, v8;
	s21 =	rddreg [dreg:$0x11]  }
0x1b0: {  	s12 =	simm.s32 $0x1600;
	s13 =	simm.s32 $0x1700;
	s15 =	sadd.s32 s21, s0  }
0x1b1: {  	s16 =	simm.s32 $0x4080;
	[tilespmem:v7+s18+$0xFFFFFF00] =	vst.idx.msk $0xffff, v8;
	s18 =	simm.s32 $0x4180;
	s19 =	sadd.s32 $0x0, s15  }
.LBB2_9:
0x1b2: {  	[hbm4b:s19+s3] =	stream.linear.scatter [tilespmem:s16], [sflag:$0x3], $0x80, $0x38;
	[tilespmem:$0x6080] =	vst v63  }
0x1b3: {  	s0 =	smov.u32 s17;
	s16 =	smov.u32 s18;
	p1 =	sne.s32 s17, $0xF80  }
.Ltmp5:
0x1b4: {  	s17 =	sadd.s32 $0x80, s17;
	(pc) =	sbr.rel @p1 .LBB2_9-.Ltmp5, $2  }
0x1b5: {  	_ =	sdelay $0x2  }
0x1b6: {  	s18 =	sadd.s32 $0x100, s18;
	s19 =	sadd.s32 s0, s15  }
0x1b7: {  	s0 =	rddreg [dreg:$0xc]  }
0x1b8: {  	p1 =	seq.s32 s0, $0x3F  }
.Ltmp6:
0x1b9: {  	_ = 	snop;
	(pc) =	sbr.rel @p1 .LBB2_14-.Ltmp6, $2  }
0x1ba: {  	_ =	sdelay $0x2  }
0x1bb: {  	[hbm4b:s19+s3] =	stream.linear.scatter [tilespmem:s16], [sflag:$0x3], $0x80, $0x38;
	[tilespmem:$0x6080] =	vst v63  }
0x1bc: {  	s0 =	rddreg [dreg:$0xf]  }
0x1bd: {  	s0 =	sadd.s32 $0x2, s0  }
0x1be: {  	s1 =	sshll.u32 s0, $0x4  }
0x1bf: {  	s6 =	rddreg [dreg:$0x4];
	s0 =	sshll.u32 s0, $0x9;
	s1 =	sand.u32 $0x60, s1  }
0x1c0: {  	s0 =	sand.u32 $0xFFFF000, s0;
	s1 =	sadd.s32 s6, s1  }
0x1c1: {  	s16 =	simm.s32 $0x2080;
	s15 =	sadd.s32 s0, s1  }
0x1c2: {  	s17 =	simm.s32 $0x80;
	s18 =	simm.s32 $0x2180;
	s19 =	sadd.s32 $0x0, s15  }
.LBB2_12:
0x1c3: {  	[tilespmem:s16], [sflag:$0x1] =	stream.linear.gather [hbm4b:s19+s3], $0x80, $0x38;
	[tilespmem:$0x6080] =	vst v63  }
0x1c4: {  	s0 =	smov.u32 s17;
	s16 =	smov.u32 s18;
	p2 =	sne.s32 s17, $0xF80  }
.Ltmp7:
0x1c5: {  	s17 =	sadd.s32 $0x80, s17;
	(pc) =	sbr.rel @p2 .LBB2_12-.Ltmp7, $2  }
0x1c6: {  	_ =	sdelay $0x2  }
0x1c7: {  	s18 =	sadd.s32 $0x100, s18;
	s19 =	sadd.s32 s0, s15  }
0x1c8: {  	[tilespmem:s16], [sflag:$0x1] =	stream.linear.gather [hbm4b:s19+s3], $0x80, $0x38;
	[tilespmem:$0x6080] =	vst v63  }
.LBB2_14:
0x1c9: {  	s0 =	simm.s32 $0x2  }
0x1ca: {  	_ =	swait.ge [sflag:s0], $0x1000  }
0x1cb: {  	[sflag:s0] =	ssyncset.done $0x0  }
0x1cc: {  	s1 =	simm.s32 $0x0;
	[sflag:s0] =	ssyncadd.s32 $0xFFFFF000;
	s0 =	simm.s32 @!p0 $0x4  }
0x1cd: {  	s6 =	simm.s32 $0x10;
	s1 =	sand.u32 $0x300, s1;
	_ =	swait.ge @!p0 [sflag:s0], $0x1000  }
0x1ce: {  	s6 =	sand.u32 $0x70, s6;
	s15 =	sor.u32 $0x2080, s1;
	[sflag:s0] =	ssyncset.done @!p0 $0x0  }
0x1cf: {  	s20 =	sor.u32 s6, s15;
	[sflag:s0] =	ssyncadd.s32 @!p0 $0xFFFFF000  }
0x1d0: {  	s16 =	sadd.s32 $0x2500, s1;
	v9 =	vld [tilespmem:s20+$0x80]  }
0x1d1: {  	s21 =	sor.u32 s6, s16  }
0x1d2: {  	s17 =	sadd.s32 $0x2900, s1;
	v10 =	vld [tilespmem:s21+$0x0]  }
0x1d3: {  	s2 =	sor.u32 s6, s17  }
0x1d4: {  	s18 =	sadd.s32 $0x2D00, s1;
	v11 =	vld [tilespmem:s2+$0x0]  }
0x1d5: {  	s19 =	sor.u32 s6, s18;
	s0 =	sadd.s32 $0x3100, s1  }
0x1d6: {  	s20 =	sor.u32 s6, s0;
	v13 =	vld [tilespmem:s19+$0x0]  }
0x1d7: {  	s19 =	sadd.s32 $0x3500, s1;
	v12 =	vld [tilespmem:s20+$0x0]  }
0x1d8: {  	s4 =	sor.u32 s6, s19;
	v8 =	vld.idx.msk [tilespmem:v9+s3+$0x0], $0xffff  }
0x1d9: {  	s21 =	sadd.s32 $0x3900, s1;
	v31 =	vld [tilespmem:s4+$0x0]  }
0x1da: {  	s5 =	sor.u32 s6, s21;
	v14 =	vld.idx.msk [tilespmem:v10+s30+$0x0], $0xffff  }
0x1db: {  	s1 =	sadd.s32 $0x3D00, s1;
	v30 =	vld [tilespmem:s5+$0x0]  }
0x1dc: {  	s6 =	sor.u32 s6, s1;
	v15 =	vld.idx.msk [tilespmem:v11+s31+$0x0], $0xffff  }
0x1dd: {  	s14 =	simm.s32 $0x300;
	v28 =	vld [tilespmem:s6+$0x0];
	v16 =	vshll.u32 v8, $0x10  }
0x1de: {  	v17 =	vld.idx.msk [tilespmem:v13+s14+$0x0], $0xffff;
	v16 =	vadd.f32 $0.0e+00, v16  }
0x1df: {  	s2 =	simm.s32 $0x400;
	v18 =	vshll.u32 v14, $0x10;
	v8 =	vadd.f32 $0.0e+00, v8  }
0x1e0: {  	v19 =	vld.idx.msk [tilespmem:v12+s2+$0x0], $0xffff;
	v16 =	vadd.f32 v18, v16  }
0x1e1: {  	s7 =	simm.s32 $0x500;
	s4 =	rddreg [dreg:$0xd];
	v8 =	vadd.f32 v14, v8;
	v18 =	vshll.u32 v15, $0x10  }
0x1e2: {  	s8 =	sor.u32 $0x1, s4;
	v14 =	vld.idx.msk [tilespmem:v31+s7+$0x0], $0xffff;
	v16 =	vadd.f32 v18, v16  }
0x1e3: {  	s10 =	simm.s32 $0x600;
	[dreg:$0xe] =	wrdreg s8;
	v8 =	vadd.f32 v15, v8;
	v18 =	vshll.u32 v17, $0x10  }
0x1e4: {  	v20 =	vld.idx.msk [tilespmem:v30+s10+$0x0], $0xffff;
	v15 =	vmov s8;
	v16 =	vadd.f32 v18, v16  }
0x1e5: {  	s20 =	simm.s32 $0x700;
	v8 =	vadd.f32 v17, v8;
	v18 =	vshll.u32 v19, $0x10  }
0x1e6: {  	v17 =	vld.idx.msk [tilespmem:v28+s20+$0x0], $0xffff;
	v16 =	vadd.f32 v18, v16  }
0x1e7: {  	v19 =	vadd.f32 v19, v8;
	v18 =	vshll.u32 v14, $0x10  }
0x1e8: {  	s2 =	simm.s32 $0x2000;
	v16 =	vadd.f32 v18, v16  }
0x1e9: {  	v8 =	vld.idx.msk [tilespmem:v15+s2+$0x0], $0xffff;
	v15 =	vshll.u32 v20, $0x10;
	v14 =	vadd.f32 v14, v19  }
0x1ea: {  	s4 =	simm.s32 $0x0;
	v15 =	vadd.f32 v15, v16  }
0x1eb: {  	s6 =	sand.u32 $0x60, s4;
	v14 =	vadd.f32 v20, v14;
	v16 =	vshll.u32 v17, $0x10  }
0x1ec: {  	s15 =	sor.u32 s6, s15;
	v15 =	vadd.f32 v16, v15  }
0x1ed: {  	s16 =	sor.u32 s6, s16;
	v36 =	vld [tilespmem:s15+$0x80];
	v14 =	vadd.f32 v17, v14  }
0x1ee: {  	s5 =	sor.u32 s6, s17;
	v29 =	vld [tilespmem:s16+$0x0];
	v15 =	vmul.f32 v15, v8  }
0x1ef: {  	s0 =	sor.u32 s6, s0;
	v27 =	vld [tilespmem:s5+$0x0];
	s15 =	simm.s32 $0x4200;
	v14 =	vmul.f32 v14, v8  }
0x1f0: {  	s17 =	sor.u32 s6, s19;
	v35 =	vld [tilespmem:s0+$0x0];
	[tilespmem:v0+s15+$0x0] =	vst.idx.msk $0xffff, v15  }
0x1f1: {  	v34 =	vld [tilespmem:s17+$0x0];
	[tilespmem:v1+s15+$0x0] =	vst.idx.msk $0xffff, v14  }
0x1f2: {  	s10 =	sor.u32 s6, s18;
	v14 =	vld.idx.msk [tilespmem:v9+s26+$0x0], $0xffff  }
0x1f3: {  	v26 =	vld [tilespmem:s10+$0x0]  }
0x1f4: {  	s18 =	sor.u32 s6, s21;
	v15 =	vld.idx.msk [tilespmem:v10+s29+$0x0], $0xffff  }
0x1f5: {  	v33 =	vld [tilespmem:s18+$0x0]  }
0x1f6: {  	v17 =	vld.idx.msk [tilespmem:v11+s28+$0x0], $0xffff  }
0x1f7: {  	s20 =	simm.s32 $0xB00;
	v16 =	vld.idx.msk [tilespmem:v36+s3+$0x0], $0xffff;
	v18 =	vshll.u32 v14, $0x10  }
0x1f8: {  	v19 =	vld.idx.msk [tilespmem:v13+s20+$0x0], $0xffff;
	v18 =	vadd.f32 $0.0e+00, v18  }
0x1f9: {  	s21 =	simm.s32 $0xC00;
	v20 =	vld.idx.msk [tilespmem:v29+s30+$0x0], $0xffff;
	v14 =	vadd.f32 $0.0e+00, v14;
	v21 =	vshll.u32 v15, $0x10  }
0x1fa: {  	v22 =	vld.idx.msk [tilespmem:v12+s21+$0x0], $0xffff;
	v18 =	vadd.f32 v21, v18  }
0x1fb: {  	s4 =	simm.s32 $0xD00;
	v14 =	vadd.f32 v15, v14;
	v15 =	vshll.u32 v17, $0x10;
	v21 =	vld.idx.msk [tilespmem:v27+s31+$0x0], $0xffff  }
0x1fc: {  	v23 =	vshll.u32 v16, $0x10;
	v24 =	vld.idx.msk [tilespmem:v31+s4+$0x0], $0xffff;
	v15 =	vadd.f32 v15, v18  }
0x1fd: {  	s16 =	simm.s32 $0xE00;
	v23 =	vadd.f32 $0.0e+00, v23;
	v14 =	vadd.f32 v17, v14;
	v17 =	vshll.u32 v19, $0x10;
	v18 =	vld.idx.msk [tilespmem:v26+s14+$0x0], $0xffff  }
0x1fe: {  	s19 =	sor.u32 s6, s1;
	v25 =	vshll.u32 v20, $0x10;
	v16 =	vadd.f32 $0.0e+00, v16;
	v37 =	vld.idx.msk [tilespmem:v30+s16+$0x0], $0xffff;
	v15 =	vadd.f32 v17, v15  }
0x1ff: {  	v32 =	vld [tilespmem:s19+$0x0];
	s18 =	simm.s32 $0xF00;
	v23 =	vadd.f32 v25, v23;
	v14 =	vadd.f32 v19, v14;
	v19 =	vshll.u32 v22, $0x10  }
0x200: {  	s11 =	simm.s32 $0x400;
	v16 =	vadd.f32 v20, v16;
	v25 =	vld.idx.msk [tilespmem:v28+s18+$0x0], $0xffff;
	v20 =	vshll.u32 v21, $0x10;
	v15 =	vadd.f32 v19, v15  }
0x201: {  	v17 =	vld.idx.msk [tilespmem:v35+s11+$0x0], $0xffff;
	v14 =	vadd.f32 v22, v14;
	v22 =	vshll.u32 v24, $0x10;
	v20 =	vadd.f32 v20, v23  }
0x202: {  	s9 =	simm.s32 $0x500;
	v16 =	vadd.f32 v21, v16;
	v21 =	vshll.u32 v18, $0x10;
	v15 =	vadd.f32 v22, v15  }
0x203: {  	v19 =	vld.idx.msk [tilespmem:v34+s9+$0x0], $0xffff;
	v14 =	vadd.f32 v24, v14;
	v20 =	vadd.f32 v21, v20;
	v21 =	vshll.u32 v37, $0x10  }
0x204: {  	s8 =	simm.s32 $0x600;
	v16 =	vadd.f32 v18, v16;
	v15 =	vadd.f32 v21, v15  }
0x205: {  	v22 =	vld.idx.msk [tilespmem:v33+s8+$0x0], $0xffff;
	v14 =	vadd.f32 v37, v14;
	v21 =	vshll.u32 v25, $0x10  }
0x206: {  	s7 =	simm.s32 $0x700;
	v23 =	vshll.u32 v17, $0x10;
	v16 =	vadd.f32 v17, v16;
	v15 =	vadd.f32 v21, v15  }
0x207: {  	v18 =	vld.idx.msk [tilespmem:v32+s7+$0x0], $0xffff;
	v20 =	vadd.f32 v23, v20;
	v14 =	vadd.f32 v25, v14  }
0x208: {  	v23 =	vshll.u32 v19, $0x10;
	v16 =	vadd.f32 v19, v16;
	v15 =	vmul.f32 v15, v8  }
0x209: {  	v17 =	vadd.f32 v23, v20;
	v14 =	vmul.f32 v14, v8  }
0x20a: {  	v20 =	vshll.u32 v22, $0x10;
	v16 =	vadd.f32 v22, v16;
	[tilespmem:v2+s15+$0x0] =	vst.idx.msk $0xffff, v15  }
0x20b: {  	v17 =	vadd.f32 v20, v17;
	[tilespmem:v3+s15+$0x0] =	vst.idx.msk $0xffff, v14  }
0x20c: {  	v19 =	vshll.u32 v18, $0x10;
	v14 =	vadd.f32 v18, v16;
	v16 =	vld.idx.msk [tilespmem:v9+s25+$0x0], $0xffff  }
0x20d: {  	v15 =	vadd.f32 v19, v17;
	v17 =	vld.idx.msk [tilespmem:v10+s22+$0x0], $0xffff  }
0x20e: {  	s20 =	simm.s32 $0x1400;
	v19 =	vld.idx.msk [tilespmem:v13+s24+$0x0], $0xffff  }
0x20f: {  	s21 =	simm.s32 $0x1500;
	v15 =	vmul.f32 v15, v8;
	v22 =	vld.idx.msk [tilespmem:v12+s20+$0x0], $0xffff  }
0x210: {  	v25 =	vld.idx.msk [tilespmem:v31+s21+$0x0], $0xffff;
	v14 =	vmul.f32 v14, v8  }
0x211: {  	v38 =	vld.idx.msk [tilespmem:v30+s12+$0x0], $0xffff;
	[tilespmem:v0+s15+$0xFFFFFF00] =	vst.idx.msk $0xffff, v15  }
0x212: {  	[tilespmem:v1+s15+$0xFFFFFF00] =	vst.idx.msk $0xffff, v14;
	v14 =	vld.idx.msk [tilespmem:v11+s23+$0x0], $0xffff  }
0x213: {  	v15 =	vld.idx.msk [tilespmem:v36+s26+$0x0], $0xffff;
	v18 =	vshll.u32 v16, $0x10  }
0x214: {  	s5 =	simm.s32 $0xB00;
	v20 =	vld.idx.msk [tilespmem:v29+s29+$0x0], $0xffff;
	v18 =	vadd.f32 $0.0e+00, v18  }
0x215: {  	s1 =	simm.s32 $0xC00;
	s22 =	simm.s32 $0x40;
	v46 =	vld.idx.msk [tilespmem:v26+s5+$0x0], $0xffff;
	v16 =	vadd.f32 $0.0e+00, v16;
	v21 =	vshll.u32 v17, $0x10  }
0x216: {  	s17 =	simm.s32 $0xE00;
	s0 =	sand.u32 $0x300, s22;
	s23 =	simm.s32 $0x30;
	v47 =	vld.idx.msk [tilespmem:v35+s1+$0x0], $0xffff;
	v18 =	vadd.f32 v21, v18  }
0x217: {  	s19 =	simm.s32 $0xF00;
	s16 =	sadd.s32 $0x3D00, s0;
	v24 =	vld.idx.msk [tilespmem:v33+s17+$0x0], $0xffff;
	s1 =	sand.u32 $0x70, s23;
	v16 =	vadd.f32 v17, v16;
	v17 =	vshll.u32 v14, $0x10  }
0x218: {  	v23 =	vld.idx.msk [tilespmem:v32+s19+$0x0], $0xffff;
	s17 =	sadd.s32 $0x3900, s0;
	s24 =	sor.u32 s1, s16;
	v17 =	vadd.f32 v17, v18  }
0x219: {  	s18 =	sadd.s32 $0x2500, s0;
	s4 =	sor.u32 s1, s17;
	v37 =	vld [tilespmem:s24+$0x0];
	v14 =	vadd.f32 v14, v16;
	v16 =	vshll.u32 v19, $0x10  }
0x21a: {  	s5 =	sor.u32 s1, s18;
	v39 =	vld [tilespmem:s4+$0x0];
	v16 =	vadd.f32 v16, v17  }
0x21b: {  	s20 =	sadd.s32 $0x3500, s0;
	v44 =	vld [tilespmem:s5+$0x0];
	v14 =	vadd.f32 v19, v14;
	v17 =	vshll.u32 v22, $0x10  }
0x21c: {  	s22 =	sadd.s32 $0x3100, s0;
	s12 =	sor.u32 s1, s20;
	v19 =	vld.idx.msk [tilespmem:v28+s13+$0x0], $0xffff;
	v16 =	vadd.f32 v17, v16  }
0x21d: {  	v40 =	vld [tilespmem:s12+$0x0];
	s24 =	sor.u32 s1, s22;
	v14 =	vadd.f32 v22, v14;
	v17 =	vshll.u32 v25, $0x10  }
0x21e: {  	s6 =	simm.s32 $0xD00;
	v41 =	vld [tilespmem:s24+$0x0];
	v16 =	vadd.f32 v17, v16  }
0x21f: {  	v18 =	vld.idx.msk [tilespmem:v34+s6+$0x0], $0xffff;
	s6 =	sor.u32 $0x2080, s0;
	v14 =	vadd.f32 v25, v14;
	v17 =	vshll.u32 v38, $0x10  }
0x220: {  	s19 =	sadd.s32 $0x2900, s0;
	v21 =	vld.idx.msk [tilespmem:v27+s28+$0x0], $0xffff;
	s25 =	sor.u32 s1, s6;
	v16 =	vadd.f32 v17, v16  }
0x221: {  	s0 =	sadd.s32 $0x2D00, s0;
	s13 =	sor.u32 s1, s19;
	v42 =	vld [tilespmem:s25+$0x80];
	v14 =	vadd.f32 v38, v14;
	v17 =	vshll.u32 v19, $0x10  }
0x222: {  	s1 =	sor.u32 s1, s0;
	v45 =	vld [tilespmem:s13+$0x0];
	v16 =	vadd.f32 v17, v16  }
0x223: {  	s8 =	simm.s32 $0x600;
	s21 =	simm.s32 $0x20;
	v43 =	vld [tilespmem:s1+$0x0];
	v14 =	vadd.f32 v19, v14  }
0x224: {  	s11 =	simm.s32 $0x700;
	s1 =	sand.u32 $0x60, s21;
	v22 =	vld.idx.msk [tilespmem:v39+s8+$0x0], $0xffff;
	v16 =	vmul.f32 v16, v8  }
0x225: {  	s6 =	sor.u32 s1, s6;
	v51 =	vld.idx.msk [tilespmem:v37+s11+$0x0], $0xffff;
	v14 =	vmul.f32 v14, v8  }
0x226: {  	s9 =	simm.s32 $0x500;
	v38 =	vld [tilespmem:s6+$0x80];
	[tilespmem:v4+s15+$0x0] =	vst.idx.msk $0xffff, v16  }
0x227: {  	s25 =	simm.s32 $0x1800;
	v16 =	vld.idx.msk [tilespmem:v40+s9+$0x0], $0xffff;
	[tilespmem:v5+s15+$0x0] =	vst.idx.msk $0xffff, v14  }
0x228: {  	v19 =	vld.idx.msk [tilespmem:v9+s25+$0x0], $0xffff  }
0x229: {  	s13 =	simm.s32 $0x1900;
	v9 =	vld.idx.msk [tilespmem:v42+s3+$0x0], $0xffff  }
0x22a: {  	v25 =	vld.idx.msk [tilespmem:v10+s13+$0x0], $0xffff  }
0x22b: {  	s4 =	simm.s32 $0x1A00;
	v10 =	vld.idx.msk [tilespmem:v44+s30+$0x0], $0xffff  }
0x22c: {  	v48 =	vld.idx.msk [tilespmem:v11+s4+$0x0], $0xffff  }
0x22d: {  	s5 =	simm.s32 $0x1B00;
	v11 =	vld.idx.msk [tilespmem:v45+s31+$0x0], $0xffff  }
0x22e: {  	v49 =	vld.idx.msk [tilespmem:v13+s5+$0x0], $0xffff  }
0x22f: {  	s12 =	simm.s32 $0x1C00;
	v53 =	vadd.f32 $0.0e+00, v15;
	v13 =	vld.idx.msk [tilespmem:v43+s14+$0x0], $0xffff;
	v14 =	vshll.u32 v9, $0x10  }
0x230: {  	s10 =	simm.s32 $0x400;
	v50 =	vld.idx.msk [tilespmem:v12+s12+$0x0], $0xffff;
	v9 =	vadd.f32 $0.0e+00, v9;
	v14 =	vadd.f32 $0.0e+00, v14  }
0x231: {  	v55 =	vshll.u32 v20, $0x10;
	v20 =	vadd.f32 v20, v53;
	s0 =	sor.u32 s1, s0;
	v12 =	vld.idx.msk [tilespmem:v41+s10+$0x0], $0xffff;
	v17 =	vshll.u32 v10, $0x10  }
0x232: {  	s23 =	sor.u32 s1, s18;
	v9 =	vadd.f32 v10, v9;
	v10 =	vshll.u32 v15, $0x10;
	v15 =	vld [tilespmem:s0+$0x0];
	v14 =	vadd.f32 v17, v14  }
0x233: {  	v20 =	vadd.f32 v21, v20;
	s25 =	sor.u32 s1, s22;
	v52 =	vshll.u32 v11, $0x10;
	v17 =	vld [tilespmem:s23+$0x0];
	v10 =	vadd.f32 $0.0e+00, v10  }
0x234: {  	v57 =	vshll.u32 v46, $0x10;
	s24 =	sor.u32 s1, s19;
	v9 =	vadd.f32 v11, v9;
	v11 =	vld [tilespmem:s25+$0x0];
	v52 =	vadd.f32 v52, v14  }
0x235: {  	v61 =	vshll.u32 v21, $0x10;
	s5 =	sor.u32 s1, s20;
	v54 =	vshll.u32 v13, $0x10;
	v14 =	vld [tilespmem:s24+$0x0];
	v59 =	vadd.f32 v55, v10  }
0x236: {  	s11 =	sor.u32 s1, s17;
	v20 =	vadd.f32 v46, v20;
	s12 =	simm.s32 $0x80;
	v63 =	vshll.u32 v16, $0x10;
	v10 =	vld [tilespmem:s5+$0x0];
	v52 =	vadd.f32 v54, v52  }
0x237: {  	s17 =	simm.s32 $0x50;
	s18 =	sand.u32 $0x300, s12;
	v60 =	vshll.u32 v12, $0x10;
	v13 =	vadd.f32 v13, v9;
	v9 =	vld [tilespmem:s11+$0x0];
	v62 =	vadd.f32 v61, v59  }
0x238: {  	s16 =	sor.u32 s1, s16;
	v56 =	vadd.f32 $0.0e+00, v19;
	s25 =	sand.u32 $0x70, s17;
	s24 =	sor.u32 $0x2080, s18;
	v54 =	vld.idx.msk [tilespmem:v38+s3+$0x0], $0xffff;
	v59 =	vshll.u32 v22, $0x10;
	v21 =	vadd.f32 v60, v52  }
0x239: {  	s12 =	sadd.s32 $0x3D00, s18;
	s20 =	sor.u32 s25, s24;
	v13 =	vadd.f32 v12, v13;
	v12 =	vld [tilespmem:s16+$0x0];
	v58 =	vadd.f32 v57, v62;
	v60 =	vshll.u32 v47, $0x10  }
0x23a: {  	s19 =	sor.u32 s25, s12;
	v47 =	vadd.f32 v47, v20;
	v20 =	vld [tilespmem:s20+$0x80];
	s20 =	sadd.s32 $0x3500, s18;
	v62 =	vshll.u32 v19, $0x10;
	v21 =	vadd.f32 v63, v21  }
0x23b: {  	v61 =	vshll.u32 v51, $0x10;
	v16 =	vadd.f32 v16, v13;
	v13 =	vld [tilespmem:s19+$0x0];
	s5 =	sor.u32 s25, s20;
	v53 =	vadd.f32 $0.0e+00, v62  }
0x23c: {  	s11 =	sadd.s32 $0x3900, s18;
	v47 =	vadd.f32 v18, v47;
	v63 =	vshll.u32 v18, $0x10;
	v18 =	vld [tilespmem:s5+$0x0];
	v21 =	vadd.f32 v59, v21  }
0x23d: {  	s21 =	sor.u32 s25, s11;
	v19 =	vshll.u32 v25, $0x10;
	s19 =	sadd.s32 $0x3100, s18;
	v46 =	vadd.f32 v60, v58;
	v57 =	vld.idx.msk [tilespmem:v17+s30+$0x0], $0xffff;
	v22 =	vadd.f32 v22, v16  }
0x23e: {  	s16 =	sor.u32 s25, s19;
	v60 =	vshll.u32 v24, $0x10;
	v16 =	vld [tilespmem:s21+$0x0];
	v53 =	vadd.f32 v19, v53;
	v52 =	vadd.f32 v61, v21  }
0x23f: {  	v19 =	vld [tilespmem:s16+$0x0];
	v46 =	vadd.f32 v63, v46;
	v51 =	vadd.f32 v51, v22;
	v61 =	vshll.u32 v48, $0x10  }
0x240: {  	s21 =	sadd.s32 $0x2900, s18;
	v24 =	vadd.f32 v24, v47;
	v63 =	vld.idx.msk [tilespmem:v14+s31+$0x0], $0xffff;
	v62 =	vadd.f32 v61, v53;
	v52 =	vmul.f32 v52, v8  }
0x241: {  	s23 =	sadd.s32 $0x2500, s18;
	v25 =	vadd.f32 v25, v56;
	v56 =	vshll.u32 v49, $0x10;
	s16 =	simm.s32 $0x4400;
	s6 =	sor.u32 s25, s21;
	v47 =	vld.idx.msk [tilespmem:v15+s14+$0x0], $0xffff;
	v51 =	vmul.f32 v51, v8  }
0x242: {  	s22 =	sor.u32 s25, s23;
	v58 =	vshll.u32 v23, $0x10;
	v22 =	vld [tilespmem:s6+$0x0];
	v23 =	vadd.f32 v23, v24;
	v24 =	vadd.f32 v56, v62;
	[tilespmem:v0+s16+$0x0] =	vst.idx.msk $0xffff, v52  }
0x243: {  	v25 =	vadd.f32 v48, v25;
	v59 =	vshll.u32 v50, $0x10;
	v21 =	vld [tilespmem:s22+$0x0];
	[tilespmem:v1+s16+$0x0] =	vst.idx.msk $0xffff, v51  }
0x244: {  	v46 =	vadd.f32 v60, v46;
	v48 =	vadd.f32 v59, v24;
	v24 =	vshll.u32 v54, $0x10;
	v51 =	vld.idx.msk [tilespmem:v42+s26+$0x0], $0xffff  }
0x245: {  	v53 =	vld.idx.msk [tilespmem:v11+s10+$0x0], $0xffff;
	v55 =	vmul.f32 v23, v8;
	v54 =	vadd.f32 $0.0e+00, v54;
	v23 =	vadd.f32 $0.0e+00, v24  }
0x246: {  	v25 =	vadd.f32 v49, v25;
	v46 =	vadd.f32 v58, v46;
	v49 =	vld.idx.msk [tilespmem:v44+s29+$0x0], $0xffff;
	v24 =	vshll.u32 v57, $0x10  }
0x247: {  	v56 =	vld.idx.msk [tilespmem:v10+s9+$0x0], $0xffff;
	v54 =	vadd.f32 v57, v54;
	v23 =	vadd.f32 v24, v23  }
0x248: {  	v50 =	vadd.f32 v50, v25;
	v46 =	vmul.f32 v46, v8;
	v25 =	vld.idx.msk [tilespmem:v45+s28+$0x0], $0xffff;
	v24 =	vshll.u32 v63, $0x10  }
0x249: {  	s7 =	simm.s32 $0xB00;
	v59 =	vld.idx.msk [tilespmem:v9+s8+$0x0], $0xffff;
	v52 =	vadd.f32 v63, v54;
	v23 =	vadd.f32 v24, v23;
	v60 =	vshll.u32 v51, $0x10  }
0x24a: {  	s22 =	simm.s32 $0xC00;
	v61 =	vshll.u32 v47, $0x10;
	v58 =	vld.idx.msk [tilespmem:v43+s7+$0x0], $0xffff;
	[tilespmem:v2+s15+$0xFFFFFF00] =	vst.idx.msk $0xffff, v46;
	v51 =	vadd.f32 $0.0e+00, v51;
	v57 =	vadd.f32 $0.0e+00, v60  }
0x24b: {  	s5 =	simm.s32 $0xE00;
	v54 =	vshll.u32 v49, $0x10;
	v47 =	vadd.f32 v47, v52;
	v60 =	vld.idx.msk [tilespmem:v41+s22+$0x0], $0xffff;
	v23 =	vadd.f32 v61, v23  }
0x24c: {  	s2 =	simm.s32 $0xD00;
	s1 =	simm.s32 $0x40;
	v63 =	vshll.u32 v53, $0x10;
	v61 =	vld.idx.msk [tilespmem:v39+s5+$0x0], $0xffff;
	v49 =	vadd.f32 v49, v51;
	v24 =	vadd.f32 v54, v57  }
0x24d: {  	s4 =	simm.s32 $0x700;
	v62 =	vshll.u32 v25, $0x10;
	s22 =	sadd.s32 $0x2D00, s18;
	s18 =	sand.u32 $0x60, s1;
	v47 =	vadd.f32 v53, v47;
	v57 =	vld.idx.msk [tilespmem:v40+s2+$0x0], $0xffff;
	v46 =	vadd.f32 v63, v23  }
0x24e: {  	v52 =	vshll.u32 v56, $0x10;
	s0 =	sor.u32 s18, s24;
	v54 =	vld.idx.msk [tilespmem:v12+s4+$0x0], $0xffff;
	v25 =	vadd.f32 v25, v49;
	v51 =	vadd.f32 v62, v24  }
0x24f: {  	[tilespmem:v3+s15+$0xFFFFFF00] =	vst.idx.msk $0xffff, v55;
	v23 =	vld [tilespmem:s0+$0x80];
	s4 =	simm.s32 $0xF00;
	v49 =	vshll.u32 v58, $0x10;
	v47 =	vadd.f32 v56, v47;
	v46 =	vadd.f32 v52, v46  }
0x250: {  	s8 =	simm.s32 $0x1200;
	v53 =	vshll.u32 v59, $0x10;
	v52 =	vld.idx.msk [tilespmem:v37+s4+$0x0], $0xffff;
	v25 =	vadd.f32 v58, v25;
	v49 =	vadd.f32 v49, v51  }
0x251: {  	s1 =	simm.s32 $0x1000;
	v56 =	vld.idx.msk [tilespmem:v27+s8+$0x0], $0xffff;
	v58 =	vshll.u32 v60, $0x10;
	v47 =	vadd.f32 v59, v47;
	v46 =	vadd.f32 v53, v46  }
0x252: {  	s25 =	sor.u32 s25, s22;
	v51 =	vld.idx.msk [tilespmem:v36+s1+$0x0], $0xffff;
	v60 =	vadd.f32 v60, v25;
	v49 =	vadd.f32 v58, v49  }
0x253: {  	s10 =	simm.s32 $0x1100;
	v24 =	vld [tilespmem:s25+$0x0];
	v62 =	vshll.u32 v57, $0x10;
	v63 =	vshll.u32 v54, $0x10;
	v47 =	vadd.f32 v54, v47  }
0x254: {  	s2 =	sor.u32 s18, s23;
	v53 =	vld.idx.msk [tilespmem:v29+s10+$0x0], $0xffff;
	v46 =	vadd.f32 v63, v46;
	v49 =	vadd.f32 v62, v49  }
0x255: {  	v25 =	vld [tilespmem:s2+$0x0];
	s2 =	simm.s32 $0x1D00;
	v55 =	vadd.f32 v57, v60;
	v60 =	vshll.u32 v61, $0x10;
	v63 =	vshll.u32 v52, $0x10  }
0x256: {  	v31 =	vld.idx.msk [tilespmem:v31+s2+$0x0], $0xffff;
	s2 =	simm.s32 $0x1E00;
	v47 =	vmul.f32 v47, v8;
	v46 =	vmul.f32 v46, v8;
	v49 =	vadd.f32 v60, v49  }
0x257: {  	s24 =	simm.s32 $0x1300;
	v30 =	vld.idx.msk [tilespmem:v30+s2+$0x0], $0xffff;
	v62 =	vadd.f32 v61, v55;
	v60 =	vshll.u32 v51, $0x10;
	v51 =	vadd.f32 $0.0e+00, v51  }
0x258: {  	s2 =	simm.s32 $0x1400;
	v55 =	vld.idx.msk [tilespmem:v26+s24+$0x0], $0xffff;
	[tilespmem:v0+s16+$0xFFFFFF00] =	vst.idx.msk $0xffff, v46;
	v57 =	vadd.f32 $0.0e+00, v60;
	v49 =	vadd.f32 v63, v49  }
0x259: {  	v58 =	vld.idx.msk [tilespmem:v35+s2+$0x0], $0xffff;
	v61 =	vshll.u32 v53, $0x10;
	v52 =	vadd.f32 v52, v62;
	[tilespmem:v1+s16+$0xFFFFFF00] =	vst.idx.msk $0xffff, v47  }
0x25a: {  	s25 =	simm.s32 $0x1600;
	v51 =	vadd.f32 v53, v51;
	v53 =	vld.idx.msk [tilespmem:v38+s26+$0x0], $0xffff;
	v54 =	vadd.f32 v61, v57;
	v62 =	vmul.f32 v49, v8  }
0x25b: {  	s2 =	simm.s32 $0x1500;
	v60 =	vshll.u32 v56, $0x10;
	v63 =	vmul.f32 v52, v8;
	v52 =	vld.idx.msk [tilespmem:v33+s25+$0x0], $0xffff  }
0x25c: {  	v50 =	vadd.f32 v31, v50;
	v49 =	vld.idx.msk [tilespmem:v34+s2+$0x0], $0xffff;
	v54 =	vadd.f32 v60, v54;
	[tilespmem:v2+s16+$0x0] =	vst.idx.msk $0xffff, v62  }
0x25d: {  	v61 =	vshll.u32 v31, $0x10;
	v62 =	vshll.u32 v55, $0x10;
	[tilespmem:v3+s16+$0x0] =	vst.idx.msk $0xffff, v63;
	v63 =	vadd.f32 v56, v51;
	v56 =	vld.idx.msk [tilespmem:v17+s29+$0x0], $0xffff  }
0x25e: {  	v31 =	vshll.u32 v30, $0x10;
	v46 =	vadd.f32 v61, v48;
	v47 =	vadd.f32 v62, v54;
	v51 =	vld.idx.msk [tilespmem:v42+s1+$0x0], $0xffff  }
0x25f: {  	v50 =	vadd.f32 v30, v50;
	v60 =	vshll.u32 v58, $0x10;
	v57 =	vld.idx.msk [tilespmem:v45+s8+$0x0], $0xffff;
	v48 =	vadd.f32 v55, v63  }
0x260: {  	v46 =	vadd.f32 v31, v46;
	v61 =	vshll.u32 v53, $0x10;
	s1 =	sor.u32 s18, s21;
	v55 =	vld.idx.msk [tilespmem:v44+s10+$0x0], $0xffff;
	v47 =	vadd.f32 v60, v47  }
0x261: {  	v53 =	vadd.f32 $0.0e+00, v53;
	v31 =	vld [tilespmem:s1+$0x0];
	v30 =	vshll.u32 v49, $0x10;
	v48 =	vadd.f32 v58, v48  }
0x262: {  	s23 =	simm.s32 $0x1700;
	v59 =	vshll.u32 v52, $0x10;
	v60 =	vld.idx.msk [tilespmem:v14+s28+$0x0], $0xffff;
	v30 =	vadd.f32 v30, v47;
	v47 =	vadd.f32 $0.0e+00, v61  }
0x263: {  	v58 =	vld.idx.msk [tilespmem:v32+s23+$0x0], $0xffff;
	v53 =	vadd.f32 v56, v53;
	v62 =	vshll.u32 v51, $0x10;
	v51 =	vadd.f32 $0.0e+00, v51  }
0x264: {  	s1 =	sor.u32 s18, s22;
	s22 =	simm.s32 $0x1F00;
	v56 =	vshll.u32 v56, $0x10;
	v48 =	vadd.f32 v49, v48;
	v49 =	vld.idx.msk [tilespmem:v43+s24+$0x0], $0xffff;
	v54 =	vadd.f32 $0.0e+00, v62  }
0x265: {  	s21 =	simm.s32 $0x1400;
	v28 =	vld.idx.msk [tilespmem:v28+s22+$0x0], $0xffff;
	v59 =	vadd.f32 v59, v30;
	v61 =	vshll.u32 v55, $0x10;
	v51 =	vadd.f32 v55, v51  }
0x266: {  	v47 =	vadd.f32 v56, v47;
	v62 =	vld.idx.msk [tilespmem:v41+s21+$0x0], $0xffff;
	v54 =	vadd.f32 v61, v54  }
0x267: {  	v30 =	vld [tilespmem:s1+$0x0];
	v63 =	vshll.u32 v57, $0x10;
	v53 =	vadd.f32 v60, v53;
	v51 =	vadd.f32 v57, v51  }
0x268: {  	s7 =	simm.s32 $0xB00;
	v48 =	vadd.f32 v52, v48;
	v55 =	vld.idx.msk [tilespmem:v40+s2+$0x0], $0xffff;
	v61 =	vshll.u32 v58, $0x10;
	v54 =	vadd.f32 v63, v54  }
0x269: {  	v56 =	vld.idx.msk [tilespmem:v15+s7+$0x0], $0xffff;
	v52 =	vadd.f32 v61, v59;
	v63 =	vshll.u32 v49, $0x10;
	v49 =	vadd.f32 v49, v51  }
0x26a: {  	v48 =	vadd.f32 v58, v48;
	v57 =	vld.idx.msk [tilespmem:v39+s25+$0x0], $0xffff;
	v58 =	vshll.u32 v60, $0x10;
	v54 =	vadd.f32 v63, v54  }
0x26b: {  	s6 =	simm.s32 $0xC00;
	v59 =	vld.idx.msk [tilespmem:v37+s23+$0x0], $0xffff;
	v61 =	vshll.u32 v62, $0x10;
	v52 =	vmul.f32 v52, v8;
	v49 =	vadd.f32 v62, v49  }
0x26c: {  	s9 =	simm.s32 $0xD00;
	v47 =	vadd.f32 v58, v47;
	v48 =	vmul.f32 v48, v8;
	v51 =	vadd.f32 v61, v54;
	v54 =	vld.idx.msk [tilespmem:v11+s6+$0x0], $0xffff  }
0x26d: {  	v60 =	vshll.u32 v55, $0x10;
	[tilespmem:v4+s15+$0xFFFFFF00] =	vst.idx.msk $0xffff, v52;
	v52 =	vld.idx.msk [tilespmem:v10+s9+$0x0], $0xffff;
	v49 =	vadd.f32 v55, v49  }
0x26e: {  	v53 =	vadd.f32 v56, v53;
	[tilespmem:v5+s15+$0xFFFFFF00] =	vst.idx.msk $0xffff, v48;
	v48 =	vld.idx.msk [tilespmem:v9+s5+$0x0], $0xffff;
	v51 =	vadd.f32 v60, v51  }
0x26f: {  	v56 =	vshll.u32 v56, $0x10;
	v63 =	vshll.u32 v57, $0x10;
	v29 =	vld.idx.msk [tilespmem:v29+s13+$0x0], $0xffff;
	v49 =	vadd.f32 v57, v49  }
0x270: {  	v47 =	vadd.f32 v56, v47;
	v61 =	vshll.u32 v59, $0x10;
	v60 =	vld.idx.msk [tilespmem:v12+s4+$0x0], $0xffff;
	v51 =	vadd.f32 v63, v51  }
0x271: {  	s5 =	simm.s32 $0x1A00;
	v63 =	vld.idx.msk [tilespmem:v20+s3+$0x0], $0xffff;
	v53 =	vadd.f32 v54, v53;
	v54 =	vshll.u32 v54, $0x10;
	v49 =	vadd.f32 v59, v49  }
0x272: {  	v62 =	vshll.u32 v28, $0x10;
	v27 =	vld.idx.msk [tilespmem:v27+s5+$0x0], $0xffff;
	s4 =	simm.s32 $0x1800;
	v51 =	vadd.f32 v61, v51;
	v47 =	vadd.f32 v54, v47  }
0x273: {  	s6 =	simm.s32 $0x1B00;
	v36 =	vld.idx.msk [tilespmem:v36+s4+$0x0], $0xffff;
	v54 =	vadd.f32 v62, v46;
	v53 =	vadd.f32 v52, v53  }
0x274: {  	v57 =	vld.idx.msk [tilespmem:v26+s6+$0x0], $0xffff;
	v46 =	vadd.f32 v28, v50;
	v52 =	vshll.u32 v52, $0x10;
	v51 =	vmul.f32 v51, v8  }
0x275: {  	v49 =	vmul.f32 v49, v8;
	v47 =	vadd.f32 v52, v47;
	v52 =	vld.idx.msk [tilespmem:v21+s30+$0x0], $0xffff;
	v53 =	vadd.f32 v48, v53  }
0x276: {  	s9 =	simm.s32 $0x400;
	v28 =	vld.idx.msk [tilespmem:v22+s31+$0x0], $0xffff;
	v58 =	vshll.u32 v60, $0x10;
	v48 =	vshll.u32 v48, $0x10;
	v62 =	vadd.f32 $0.0e+00, v63;
	[tilespmem:v4+s16+$0x0] =	vst.idx.msk $0xffff, v51  }
0x277: {  	v26 =	vadd.f32 v48, v47;
	v51 =	vld.idx.msk [tilespmem:v19+s9+$0x0], $0xffff;
	[tilespmem:v5+s16+$0x0] =	vst.idx.msk $0xffff, v49;
	v59 =	vadd.f32 v60, v53  }
0x278: {  	v60 =	vshll.u32 v63, $0x10;
	v63 =	vshll.u32 v36, $0x10;
	v36 =	vadd.f32 $0.0e+00, v36;
	v49 =	vld.idx.msk [tilespmem:v42+s4+$0x0], $0xffff  }
0x279: {  	s7 =	simm.s32 $0x500;
	v42 =	vmul.f32 v54, v8;
	v47 =	vadd.f32 v58, v26;
	v26 =	vld.idx.msk [tilespmem:v24+s14+$0x0], $0xffff;
	v50 =	vadd.f32 $0.0e+00, v60  }
0x27a: {  	v53 =	vld.idx.msk [tilespmem:v18+s7+$0x0], $0xffff;
	v54 =	vadd.f32 $0.0e+00, v63;
	v61 =	vshll.u32 v52, $0x10;
	v52 =	vadd.f32 v52, v62  }
0x27b: {  	v44 =	vld.idx.msk [tilespmem:v44+s13+$0x0], $0xffff;
	v36 =	vadd.f32 v29, v36;
	v29 =	vshll.u32 v29, $0x10;
	v50 =	vadd.f32 v61, v50  }
0x27c: {  	v45 =	vld.idx.msk [tilespmem:v45+s5+$0x0], $0xffff;
	v58 =	vshll.u32 v28, $0x10;
	v60 =	vshll.u32 v27, $0x10;
	v29 =	vadd.f32 v29, v54  }
0x27d: {  	v43 =	vld.idx.msk [tilespmem:v43+s6+$0x0], $0xffff;
	s5 =	simm.s32 $0x600;
	v48 =	vmul.f32 v59, v8;
	v28 =	vadd.f32 v28, v52;
	v50 =	vadd.f32 v58, v50  }
0x27e: {  	s1 =	simm.s32 $0x1D00;
	v61 =	vld.idx.msk [tilespmem:v16+s5+$0x0], $0xffff;
	v27 =	vadd.f32 v27, v36;
	v29 =	vadd.f32 v60, v29;
	v59 =	vshll.u32 v26, $0x10  }
0x27f: {  	s4 =	simm.s32 $0x1C00;
	v40 =	vld.idx.msk [tilespmem:v40+s1+$0x0], $0xffff;
	v62 =	vshll.u32 v51, $0x10;
	v26 =	vadd.f32 v26, v28;
	v50 =	vadd.f32 v59, v50  }
0x280: {  	s2 =	simm.s32 $0x700;
	v41 =	vld.idx.msk [tilespmem:v41+s4+$0x0], $0xffff;
	v36 =	vadd.f32 v57, v27;
	v27 =	vshll.u32 v49, $0x10;
	v49 =	vadd.f32 $0.0e+00, v49  }
0x281: {  	s6 =	simm.s32 $0x1E00;
	v54 =	vld.idx.msk [tilespmem:v13+s2+$0x0], $0xffff;
	v63 =	vshll.u32 v53, $0x10;
	v27 =	vadd.f32 $0.0e+00, v27;
	v28 =	vadd.f32 v62, v50  }
0x282: {  	v39 =	vld.idx.msk [tilespmem:v39+s6+$0x0], $0xffff;
	v56 =	vshll.u32 v44, $0x10;
	v26 =	vadd.f32 v51, v26;
	v44 =	vadd.f32 v44, v49  }
0x283: {  	s19 =	sor.u32 s18, s19;
	v52 =	vld.idx.msk [tilespmem:v23+s3+$0x0], $0xffff;
	v58 =	vshll.u32 v61, $0x10;
	v27 =	vadd.f32 v56, v27;
	v50 =	vadd.f32 v63, v28  }
0x284: {  	v59 =	vadd.f32 v53, v26;
	v26 =	vshll.u32 v45, $0x10;
	v44 =	vadd.f32 v45, v44;
	v28 =	vld [tilespmem:s19+$0x0]  }
0x285: {  	v51 =	vld.idx.msk [tilespmem:v37+s22+$0x0], $0xffff;
	v62 =	vshll.u32 v43, $0x10;
	v27 =	vadd.f32 v26, v27;
	v37 =	vadd.f32 v58, v50  }
0x286: {  	s20 =	sor.u32 s18, s20;
	v53 =	vld.idx.msk [tilespmem:v25+s30+$0x0], $0xffff;
	v60 =	vadd.f32 v61, v59;
	v61 =	vshll.u32 v54, $0x10;
	v43 =	vadd.f32 v43, v44  }
0x287: {  	v26 =	vld [tilespmem:s20+$0x0];
	s19 =	sor.u32 s18, s11;
	v45 =	vadd.f32 v62, v27;
	v37 =	vadd.f32 v61, v37  }
0x288: {  	v63 =	vshll.u32 v57, $0x10;
	v57 =	vshll.u32 v41, $0x10;
	v27 =	vld [tilespmem:s19+$0x0];
	v49 =	vadd.f32 v54, v60  }
0x289: {  	s20 =	sor.u32 s18, s12;
	v41 =	vadd.f32 v41, v43;
	v44 =	vadd.f32 v57, v45;
	v61 =	vld.idx.msk [tilespmem:v31+s31+$0x0], $0xffff;
	v58 =	vmul.f32 v37, v8  }
0x28a: {  	s18 =	simm.s32 $0x4600;
	v60 =	vshll.u32 v40, $0x10;
	v59 =	vmul.f32 v49, v8;
	v37 =	vadd.f32 v63, v29;
	v29 =	vld [tilespmem:s20+$0x0]  }
0x28b: {  	v62 =	vshll.u32 v52, $0x10;
	v43 =	vadd.f32 v60, v44;
	v44 =	vld.idx.msk [tilespmem:v30+s14+$0x0], $0xffff;
	v63 =	vadd.f32 $0.0e+00, v52;
	[tilespmem:v0+s18+$0x0] =	vst.idx.msk $0xffff, v58  }
0x28c: {  	v56 =	vshll.u32 v39, $0x10;
	v45 =	vadd.f32 $0.0e+00, v62;
	v40 =	vadd.f32 v40, v41;
	v57 =	vld.idx.msk [tilespmem:v28+s9+$0x0], $0xffff;
	[tilespmem:v1+s18+$0x0] =	vst.idx.msk $0xffff, v59  }
0x28d: {  	v41 =	vadd.f32 v56, v43;
	v58 =	vshll.u32 v53, $0x10;
	v50 =	vadd.f32 v53, v63;
	v52 =	vld.idx.msk [tilespmem:v20+s26+$0x0], $0xffff  }
0x28e: {  	v39 =	vadd.f32 v39, v40;
	v59 =	vshll.u32 v51, $0x10;
	v45 =	vadd.f32 v58, v45;
	v53 =	vld.idx.msk [tilespmem:v21+s29+$0x0], $0xffff  }
0x28f: {  	v40 =	vadd.f32 v59, v41;
	v41 =	vld.idx.msk [tilespmem:v26+s7+$0x0], $0xffff;
	v49 =	vadd.f32 v61, v50  }
0x290: {  	v47 =	vmul.f32 v47, v8;
	v60 =	vshll.u32 v61, $0x10;
	v39 =	vadd.f32 v51, v39;
	v50 =	vld.idx.msk [tilespmem:v22+s28+$0x0], $0xffff  }
0x291: {  	s31 =	simm.s32 $0xB00;
	v51 =	vld.idx.msk [tilespmem:v27+s5+$0x0], $0xffff;
	v45 =	vadd.f32 v60, v45;
	v61 =	vshll.u32 v44, $0x10;
	v44 =	vadd.f32 v44, v49  }
0x292: {  	s0 =	simm.s32 $0xC00;
	[tilespmem:v2+s16+$0xFFFFFF00] =	vst.idx.msk $0xffff, v47;
	v55 =	vld.idx.msk [tilespmem:v24+s31+$0x0], $0xffff;
	v39 =	vmul.f32 v39, v8;
	v40 =	vmul.f32 v40, v8  }
0x293: {  	v47 =	vld.idx.msk [tilespmem:v19+s0+$0x0], $0xffff;
	v63 =	vshll.u32 v57, $0x10;
	v45 =	vadd.f32 v61, v45;
	v43 =	vadd.f32 v57, v44  }
0x294: {  	s1 =	simm.s32 $0x1000;
	[tilespmem:v3+s16+$0xFFFFFF00] =	vst.idx.msk $0xffff, v48;
	v48 =	vld.idx.msk [tilespmem:v29+s2+$0x0], $0xffff;
	v62 =	vshll.u32 v52, $0x10;
	v57 =	vadd.f32 $0.0e+00, v52;
	v58 =	vshll.u32 v53, $0x10  }
0x295: {  	[tilespmem:v6+s15+$0x0] =	vst.idx.msk $0xffff, v42;
	v59 =	vshll.u32 v41, $0x10;
	v45 =	vadd.f32 v63, v45;
	v52 =	vld.idx.msk [tilespmem:v38+s1+$0x0], $0xffff;
	v49 =	vadd.f32 $0.0e+00, v62  }
0x296: {  	v42 =	vld.idx.msk [tilespmem:v11+s21+$0x0], $0xffff;
	s12 =	simm.s32 $0xD00;
	v61 =	vshll.u32 v50, $0x10;
	v41 =	vadd.f32 v41, v43;
	v60 =	vadd.f32 v53, v57  }
0x297: {  	v63 =	vld.idx.msk [tilespmem:v18+s12+$0x0], $0xffff;
	v62 =	vshll.u32 v51, $0x10;
	v45 =	vadd.f32 v59, v45;
	v49 =	vadd.f32 v58, v49  }
0x298: {  	v57 =	vshll.u32 v55, $0x10;
	v53 =	vld.idx.msk [tilespmem:v14+s8+$0x0], $0xffff;
	v41 =	vadd.f32 v51, v41;
	v43 =	vadd.f32 v50, v60  }
0x299: {  	s19 =	simm.s32 $0xF00;
	v59 =	vshll.u32 v47, $0x10;
	v45 =	vadd.f32 v62, v45;
	v44 =	vadd.f32 v61, v49;
	v49 =	vld.idx.msk [tilespmem:v17+s10+$0x0], $0xffff  }
0x29a: {  	s14 =	simm.s32 $0xE00;
	[tilespmem:v6+s16+$0x0] =	vst.idx.msk $0xffff, v40;
	v50 =	vld.idx.msk [tilespmem:v13+s19+$0x0], $0xffff;
	v41 =	vadd.f32 v48, v41;
	v60 =	vshll.u32 v52, $0x10;
	v52 =	vadd.f32 $0.0e+00, v52  }
0x29b: {  	s13 =	simm.s32 $0x1D00;
	v51 =	vld.idx.msk [tilespmem:v16+s14+$0x0], $0xffff;
	v58 =	vshll.u32 v48, $0x10;
	v43 =	vadd.f32 v55, v43;
	v44 =	vadd.f32 v57, v44  }
0x29c: {  	[tilespmem:v7+s16+$0x0] =	vst.idx.msk $0xffff, v39;
	v39 =	vld.idx.msk [tilespmem:v34+s13+$0x0], $0xffff;
	v61 =	vshll.u32 v63, $0x10;
	v45 =	vadd.f32 v58, v45;
	v62 =	vadd.f32 $0.0e+00, v60  }
0x29d: {  	s6 =	simm.s32 $0x1E00;
	v55 =	vld.idx.msk [tilespmem:v15+s24+$0x0], $0xffff;
	v41 =	vmul.f32 v41, v8;
	v58 =	vshll.u32 v53, $0x10;
	v44 =	vadd.f32 v59, v44  }
0x29e: {  	v34 =	vld.idx.msk [tilespmem:v33+s6+$0x0], $0xffff;
	v43 =	vadd.f32 v47, v43;
	v45 =	vmul.f32 v45, v8;
	v57 =	vshll.u32 v49, $0x10  }
0x29f: {  	v48 =	vld.idx.msk [tilespmem:v9+s25+$0x0], $0xffff;
	v59 =	vshll.u32 v50, $0x10;
	v44 =	vadd.f32 v61, v44;
	v47 =	vadd.f32 v57, v62  }
0x2a0: {  	s20 =	simm.s32 $0x1500;
	v43 =	vadd.f32 v63, v43;
	v63 =	vshll.u32 v51, $0x10;
	[tilespmem:v0+s18+$0xFFFFFF00] =	vst.idx.msk $0xffff, v45;
	v49 =	vadd.f32 v49, v52  }
0x2a1: {  	v45 =	vld.idx.msk [tilespmem:v10+s20+$0x0], $0xffff;
	[tilespmem:v1+s18+$0xFFFFFF00] =	vst.idx.msk $0xffff, v41;
	v44 =	vadd.f32 v63, v44;
	v47 =	vadd.f32 v58, v47  }
0x2a2: {  	v61 =	vshll.u32 v55, $0x10;
	v43 =	vadd.f32 v51, v43;
	v60 =	vld.idx.msk [tilespmem:v23+s26+$0x0], $0xffff;
	v49 =	vadd.f32 v53, v49  }
0x2a3: {  	v41 =	vld.idx.msk [tilespmem:v12+s23+$0x0], $0xffff;
	v44 =	vadd.f32 v59, v44;
	v47 =	vadd.f32 v61, v47  }
0x2a4: {  	v62 =	vshll.u32 v42, $0x10;
	v54 =	vld.idx.msk [tilespmem:v25+s29+$0x0], $0xffff;
	v43 =	vadd.f32 v50, v43;
	v49 =	vadd.f32 v55, v49  }
0x2a5: {  	v46 =	vmul.f32 v46, v8;
	v53 =	vld.idx.msk [tilespmem:v30+s31+$0x0], $0xffff;
	v44 =	vmul.f32 v44, v8;
	v47 =	vadd.f32 v62, v47  }
0x2a6: {  	v50 =	vld.idx.msk [tilespmem:v31+s28+$0x0], $0xffff;
	v63 =	vshll.u32 v45, $0x10;
	v43 =	vmul.f32 v43, v8;
	v42 =	vadd.f32 v42, v49  }
0x2a7: {  	v49 =	vld.idx.msk [tilespmem:v26+s12+$0x0], $0xffff;
	v59 =	vshll.u32 v60, $0x10;
	[tilespmem:v2+s18+$0x0] =	vst.idx.msk $0xffff, v44;
	v47 =	vadd.f32 v63, v47  }
0x2a8: {  	v57 =	vshll.u32 v48, $0x10;
	v52 =	vadd.f32 $0.0e+00, v60;
	v60 =	vadd.f32 $0.0e+00, v59;
	v44 =	vld.idx.msk [tilespmem:v28+s0+$0x0], $0xffff;
	[tilespmem:v3+s18+$0x0] =	vst.idx.msk $0xffff, v43  }
0x2a9: {  	v61 =	vshll.u32 v54, $0x10;
	v42 =	vadd.f32 v45, v42;
	v55 =	vld.idx.msk [tilespmem:v20+s1+$0x0], $0xffff;
	v47 =	vadd.f32 v57, v47  }
0x2aa: {  	v58 =	vshll.u32 v41, $0x10;
	v45 =	vld.idx.msk [tilespmem:v27+s14+$0x0], $0xffff;
	v52 =	vadd.f32 v54, v52;
	v40 =	vadd.f32 v61, v60  }
0x2ab: {  	v62 =	vshll.u32 v50, $0x10;
	v42 =	vadd.f32 v48, v42;
	v51 =	vld.idx.msk [tilespmem:v21+s10+$0x0], $0xffff;
	v43 =	vadd.f32 v58, v47  }
0x2ac: {  	v33 =	vld.idx.msk [tilespmem:v32+s22+$0x0], $0xffff;
	v63 =	vshll.u32 v53, $0x10;
	v50 =	vadd.f32 v50, v52;
	v56 =	vshll.u32 v49, $0x10  }
0x2ad: {  	v54 =	vadd.f32 v62, v40;
	v41 =	vadd.f32 v41, v42;
	v47 =	vld.idx.msk [tilespmem:v22+s8+$0x0], $0xffff;
	v61 =	vmul.f32 v43, v8  }
0x2ae: {  	[tilespmem:v7+s15+$0x0] =	vst.idx.msk $0xffff, v46;
	v48 =	vld.idx.msk [tilespmem:v29+s19+$0x0], $0xffff;
	v59 =	vadd.f32 v53, v50;
	v52 =	vshll.u32 v44, $0x10;
	v60 =	vshll.u32 v55, $0x10  }
0x2af: {  	v50 =	vld.idx.msk [tilespmem:v24+s24+$0x0], $0xffff;
	v46 =	vadd.f32 v63, v54;
	v54 =	vshll.u32 v45, $0x10;
	v42 =	vadd.f32 $0.0e+00, v60;
	[tilespmem:v4+s16+$0xFFFFFF00] =	vst.idx.msk $0xffff, v61  }
0x2b0: {  	v40 =	vld.idx.msk [tilespmem:v35+s4+$0x0], $0xffff;
	v35 =	vadd.f32 v44, v59;
	v62 =	vadd.f32 $0.0e+00, v55;
	v63 =	vshll.u32 v51, $0x10;
	s28 =	rddreg [dreg:$0x5]  }
0x2b1: {  	s26 =	simm.s32 $0x1500;
	v41 =	vmul.f32 v41, v8;
	v43 =	vld.idx.msk [tilespmem:v19+s21+$0x0], $0xffff;
	v46 =	vadd.f32 v52, v46;
	s29 =	rddreg [dreg:$0xe];
	v42 =	vadd.f32 v63, v42  }
0x2b2: {  	v44 =	vld.idx.msk [tilespmem:v18+s26+$0x0], $0xffff;
	v35 =	vadd.f32 v49, v35;
	v57 =	vadd.f32 v51, v62;
	v58 =	vshll.u32 v47, $0x10;
	s0 =	sor.u32 s28, s29  }
0x2b3: {  	v52 =	vshll.u32 v48, $0x10;
	v46 =	vadd.f32 v56, v46;
	v59 =	vadd.f32 v58, v42;
	v42 =	vld.idx.msk [tilespmem:v16+s25+$0x0], $0xffff;
	[dreg:$0x10] =	wrdreg s0;
	s0 =	sshll.u32 s0, $0x9  }
0x2b4: {  	v62 =	vshll.u32 v50, $0x10;
	v60 =	vadd.f32 v45, v35;
	s30 =	sshll.u32 s29, $0x4;
	v61 =	vadd.f32 v47, v57;
	[tilespmem:v5+s16+$0xFFFFFF00] =	vst.idx.msk $0xffff, v41;
	s0 =	sand.u32 $0x1FF000, s0  }
0x2b5: {  	s9 =	simm.s32 $0xE00;
	v45 =	vshll.u32 v40, $0x10;
	v46 =	vadd.f32 v54, v46;
	v51 =	vadd.f32 v62, v59;
	[dreg:$0x12] =	wrdreg s0;
	s0 =	sand.u32 $0x70, s30  }
0x2b6: {  	s5 =	simm.s32 $0xC00;
	s31 =	simm.s32 $0x1800;
	v63 =	vshll.u32 v43, $0x10;
	v48 =	vadd.f32 v48, v60;
	v47 =	vadd.f32 v50, v61;
	v41 =	vld.idx.msk [tilespmem:v13+s23+$0x0], $0xffff;
	[dreg:$0x14] =	wrdreg s0  }
0x2b7: {  	s20 =	simm.s32 $0xC0;
	s19 =	simm.s32 $0x4;
	s4 =	simm.s32 $0xA00;
	v49 =	vadd.f32 v52, v46;
	v46 =	vadd.f32 v63, v51;
	v35 =	vld.idx.msk [tilespmem:v38+s31+$0x0], $0xffff;
	v38 =	vshll.u32 v39, $0x10  }
.LBB2_15:
0x2b8: {  	s25 =	sand.u32 $0x300, s20  }
0x2b9: {  	s17 =	sadd.s32 $0x20, s17;
	s11 =	simm.s32 $0x1900;
	s10 =	simm.s32 $0x1A00  }
0x2ba: {  	v32 =	vmul.f32 v48, v8;
	v43 =	vadd.f32 v43, v47;
	v47 =	vshll.u32 v44, $0x10;
	s2 =	simm.s32 $0x1B00;
	s19 =	sadd.s32 $0x2, s19;
	s12 =	simm.s32 $0x1800;
	v48 =	vld.idx.msk [tilespmem:v17+s11+$0x0], $0xffff;
	v17 =	vmovc v25  }
0x2bb: {  	v37 =	vadd.f32 v45, v37;
	s0 =	sadd.s32 $0xFFFFFFF0, s17;
	s24 =	sadd.s32 $0x3D00, s25;
	s28 =	sand.u32 $0x70, s17;
	v49 =	vmul.f32 v49, v8;
	v46 =	vadd.f32 v47, v46;
	v47 =	vld.idx.msk [tilespmem:v14+s10+$0x0], $0xffff  }
0x2bc: {  	v50 =	vadd.f32 v40, v36;
	s30 =	sand.u32 $0x60, s0;
	s0 =	sor.u32 $0x2080, s25;
	s1 =	sor.u32 s28, s24;
	v43 =	vadd.f32 v44, v43;
	v44 =	vshll.u32 v42, $0x10;
	v14 =	vmovc v31;
	v45 =	vld.idx.msk [tilespmem:v15+s2+$0x0], $0xffff  }
0x2bd: {  	s6 =	sadd.s32 $0x3900, s25;
	v36 =	vadd.f32 v38, v37;
	v37 =	vshll.u32 v34, $0x10;
	s22 =	sor.u32 s30, s0;
	s0 =	sor.u32 s28, s0;
	v31 =	vadd.f32 v44, v46;
	v25 =	vld [tilespmem:s1+$0x0];
	[tilespmem:v2+s18+$0xFFFFFF00] =	vst.idx.msk $0xffff, v49  }
0x2be: {  	v39 =	vadd.f32 v39, v50;
	s21 =	sor.u32 s30, s6;
	v40 =	vshll.u32 v41, $0x10;
	s1 =	sadd.s32 $0x2500, s25;
	v38 =	vld [tilespmem:s0+$0x80];
	s0 =	sor.u32 s28, s6;
	[tilespmem:v3+s18+$0xFFFFFF00] =	vst.idx.msk $0xffff, v32;
	v32 =	vadd.f32 v42, v43  }
0x2bf: {  	v15 =	vmovc v30;
	s23 =	sor.u32 s30, s1;
	s6 =	sadd.s32 $0x3500, s25;
	s1 =	sor.u32 s28, s1;
	v31 =	vadd.f32 v40, v31;
	v40 =	vshll.u32 v35, $0x10;
	v35 =	vadd.f32 $0.0e+00, v35;
	v42 =	vld [tilespmem:s0+$0x0]  }
0x2c0: {  	s31 =	sadd.s32 $0x3100, s25;
	s0 =	sadd.s32 $0x2900, s25;
	v40 =	vadd.f32 $0.0e+00, v40;
	v30 =	vld [tilespmem:s1+$0x0];
	s1 =	sor.u32 s28, s6;
	v32 =	vadd.f32 v41, v32;
	v41 =	vshll.u32 v48, $0x10  }
0x2c1: {  	p0 =	slt.u32 s19, $0x1E;
	s29 =	sor.u32 s28, s0;
	v31 =	vmul.f32 v31, v8;
	v35 =	vadd.f32 v48, v35;
	v44 =	vshll.u32 v47, $0x10;
	s26 =	sor.u32 s30, s0;
	v43 =	vld [tilespmem:s1+$0x0]  }
0x2c2: {  	s0 =	sadd.s32 $0x2D00, s25;
	s25 =	sor.u32 s30, s31;
	s1 =	sor.u32 s28, s31;
	v40 =	vadd.f32 v41, v40;
	v41 =	vshll.u32 v45, $0x10;
	v46 =	vld [tilespmem:s29+$0x0];
	v32 =	vmul.f32 v32, v8  }
0x2c3: {  	s31 =	simm.s32 $0x200;
	s29 =	sor.u32 s30, s0;
	s0 =	sor.u32 s28, s0;
	v48 =	vld [tilespmem:s1+$0x0];
	[tilespmem:v4+s18+$0x0] =	vst.idx.msk $0xffff, v31;
	v31 =	vadd.f32 v47, v35;
	v35 =	vadd.f32 v37, v36;
	v37 =	vshll.u32 v33, $0x10  }
0x2c4: {  	s24 =	sor.u32 s30, s24;
	v34 =	vadd.f32 v34, v39;
	s28 =	sor.u32 s30, s6;
	s30 =	simm.s32 $0x100;
	v47 =	vld [tilespmem:s0+$0x0];
	[tilespmem:v5+s18+$0x0] =	vst.idx.msk $0xffff, v32;
	v32 =	vadd.f32 v44, v40  }
0x2c5: {  	v39 =	vld.idx.msk [tilespmem:v20+s12+$0x0], $0xffff;
	v36 =	vadd.f32 v45, v31;
	v31 =	vadd.f32 v37, v35;
	v20 =	vmov v38  }
0x2c6: {  	v35 =	vld.idx.msk [tilespmem:v38+s3+$0x0], $0xffff;
	v37 =	vadd.f32 v41, v32;
	v32 =	vadd.f32 v33, v34  }
0x2c7: {  	v33 =	vld.idx.msk [tilespmem:v21+s11+$0x0], $0xffff;
	v31 =	vmul.f32 v31, v8;
	v21 =	vmov v30  }
0x2c8: {  	v30 =	vld.idx.msk [tilespmem:v30+s30+$0x0], $0xffff;
	v32 =	vmul.f32 v32, v8  }
0x2c9: {  	v34 =	vld.idx.msk [tilespmem:v22+s10+$0x0], $0xffff;
	[tilespmem:v6+s15+$0xFFFFFF00] =	vst.idx.msk $0xffff, v31;
	v22 =	vmov v46  }
0x2ca: {  	v31 =	vld.idx.msk [tilespmem:v46+s31+$0x0], $0xffff;
	[tilespmem:v7+s15+$0xFFFFFF00] =	vst.idx.msk $0xffff, v32;
	s15 =	smov.u32 s16;
	s16 =	smov.u32 s18  }
0x2cb: {  	s3 =	simm.s32 $0x300;
	v32 =	vshll.u32 v39, $0x10;
	v38 =	vld.idx.msk [tilespmem:v24+s2+$0x0], $0xffff;
	v24 =	vmov v47  }
0x2cc: {  	s14 =	simm.s32 $0x1C00;
	s1 =	simm.s32 $0x0;
	v32 =	vadd.f32 $0.0e+00, v32;
	v40 =	vld.idx.msk [tilespmem:v47+s3+$0x0], $0xffff  }
0x2cd: {  	s10 =	simm.s32 $0x400;
	v39 =	vadd.f32 $0.0e+00, v39;
	v41 =	vshll.u32 v35, $0x10;
	v44 =	vshll.u32 v33, $0x10;
	v45 =	vld.idx.msk [tilespmem:v19+s14+$0x0], $0xffff;
	v19 =	vmovc v48  }
0x2ce: {  	s13 =	simm.s32 $0x1D00;
	v41 =	vadd.f32 $0.0e+00, v41;
	v46 =	vshll.u32 v30, $0x10;
	v32 =	vadd.f32 v44, v32;
	v47 =	vld.idx.msk [tilespmem:v48+s10+$0x0], $0xffff  }
0x2cf: {  	s11 =	simm.s32 $0x500;
	v35 =	vadd.f32 $0.0e+00, v35;
	v33 =	vadd.f32 v33, v39;
	v39 =	vshll.u32 v34, $0x10;
	v44 =	vld.idx.msk [tilespmem:v18+s13+$0x0], $0xffff;
	v18 =	vmovc v43  }
0x2d0: {  	s7 =	simm.s32 $0x1E00;
	v41 =	vadd.f32 v46, v41;
	v46 =	vshll.u32 v31, $0x10;
	v32 =	vadd.f32 v39, v32;
	v43 =	vld.idx.msk [tilespmem:v43+s11+$0x0], $0xffff  }
0x2d1: {  	s2 =	simm.s32 $0x600;
	v30 =	vadd.f32 v30, v35;
	v33 =	vadd.f32 v34, v33;
	v34 =	vshll.u32 v38, $0x10;
	v35 =	vld.idx.msk [tilespmem:v16+s7+$0x0], $0xffff;
	v16 =	vmovc v42  }
0x2d2: {  	s8 =	simm.s32 $0x1F00;
	v39 =	vadd.f32 v46, v41;
	v41 =	vshll.u32 v40, $0x10;
	v34 =	vadd.f32 v34, v32;
	v42 =	vld.idx.msk [tilespmem:v42+s2+$0x0], $0xffff  }
0x2d3: {  	v30 =	vadd.f32 v31, v30;
	v31 =	vadd.f32 v38, v33;
	v33 =	vshll.u32 v45, $0x10;
	v46 =	vld.idx.msk [tilespmem:v13+s8+$0x0], $0xffff;
	v13 =	vmovc v25  }
0x2d4: {  	v38 =	vadd.f32 v41, v39;
	v39 =	vshll.u32 v47, $0x10;
	v33 =	vadd.f32 v33, v34;
	v32 =	vld [tilespmem:s22+$0x80];
	s22 =	simm.s32 $0x700  }
0x2d5: {  	v30 =	vadd.f32 v40, v30;
	v34 =	vadd.f32 v45, v31;
	v31 =	vshll.u32 v44, $0x10;
	v40 =	vld.idx.msk [tilespmem:v25+s22+$0x0], $0xffff  }
0x2d6: {  	s0 =	simm.s32 $0x1200;
	v38 =	vadd.f32 v39, v38;
	v39 =	vshll.u32 v43, $0x10;
	v33 =	vadd.f32 v31, v33;
	v25 =	vld [tilespmem:s23+$0x0]  }
0x2d7: {  	v41 =	vadd.f32 v47, v30;
	v34 =	vadd.f32 v44, v34;
	v44 =	vshll.u32 v35, $0x10;
	v31 =	vld [tilespmem:s26+$0x0]  }
0x2d8: {  	v39 =	vadd.f32 v39, v38;
	v45 =	vshll.u32 v42, $0x10;
	v33 =	vadd.f32 v44, v33;
	v30 =	vld [tilespmem:s29+$0x0];
	s29 =	simm.s32 $0x900  }
0x2d9: {  	v41 =	vadd.f32 v43, v41;
	v35 =	vadd.f32 v35, v34;
	v43 =	vshll.u32 v46, $0x10;
	v38 =	vld [tilespmem:s25+$0x0];
	s25 =	simm.s32 $0x1100  }
0x2da: {  	v39 =	vadd.f32 v45, v39;
	v43 =	vadd.f32 v43, v33;
	v34 =	vld [tilespmem:s28+$0x0];
	s28 =	simm.s32 $0x800  }
0x2db: {  	s6 =	simm.s32 $0x1400;
	v41 =	vadd.f32 v42, v41;
	v44 =	vadd.f32 v46, v35;
	v42 =	vshll.u32 v40, $0x10;
	v33 =	vld [tilespmem:s21+$0x0];
	s21 =	simm.s32 $0x1500  }
0x2dc: {  	v39 =	vadd.f32 v42, v39;
	v42 =	vmul.f32 v43, v8;
	v45 =	vld.idx.msk [tilespmem:v32+s1+$0x0], $0xffff  }
0x2dd: {  	v40 =	vadd.f32 v40, v41;
	v41 =	vmul.f32 v44, v8;
	s1 =	simm.s32 $0x1300;
	v35 =	vld [tilespmem:s24+$0x0]  }
0x2de: {  	v39 =	vmul.f32 v39, v8;
	v43 =	vld.idx.msk [tilespmem:v25+s30+$0x0], $0xffff;
	[tilespmem:v6+s18+$0x0] =	vst.idx.msk $0xffff, v42  }
0x2df: {  	v40 =	vmul.f32 v40, v8;
	s18 =	sadd.s32 $0x200, s18;
	v42 =	vld.idx.msk [tilespmem:v31+s31+$0x0], $0xffff;
	[tilespmem:v7+s16+$0x0] =	vst.idx.msk $0xffff, v41  }
0x2e0: {  	v41 =	vld.idx.msk [tilespmem:v30+s3+$0x0], $0xffff;
	s3 =	simm.s32 $0x0;
	[tilespmem:v0+s18+$0x0] =	vst.idx.msk $0xffff, v39  }
0x2e1: {  	v39 =	vld.idx.msk [tilespmem:v38+s10+$0x0], $0xffff;
	[tilespmem:v1+s18+$0x0] =	vst.idx.msk $0xffff, v40  }
0x2e2: {  	v40 =	vshll.u32 v45, $0x10;
	v44 =	vadd.f32 $0.0e+00, v45;
	v45 =	vld.idx.msk [tilespmem:v20+s28+$0x0], $0xffff  }
0x2e3: {  	v40 =	vadd.f32 $0.0e+00, v40;
	v46 =	vld.idx.msk [tilespmem:v34+s11+$0x0], $0xffff  }
0x2e4: {  	v47 =	vshll.u32 v43, $0x10;
	v43 =	vadd.f32 v43, v44;
	v44 =	vld.idx.msk [tilespmem:v21+s29+$0x0], $0xffff  }
0x2e5: {  	v40 =	vadd.f32 v47, v40;
	v47 =	vshll.u32 v42, $0x10;
	v48 =	vld.idx.msk [tilespmem:v33+s2+$0x0], $0xffff  }
0x2e6: {  	v42 =	vadd.f32 v42, v43;
	v43 =	vshll.u32 v41, $0x10;
	v49 =	vld.idx.msk [tilespmem:v22+s4+$0x0], $0xffff  }
0x2e7: {  	s24 =	simm.s32 $0xB00;
	v40 =	vadd.f32 v47, v40;
	v47 =	vshll.u32 v39, $0x10;
	v50 =	vld.idx.msk [tilespmem:v35+s22+$0x0], $0xffff  }
0x2e8: {  	s11 =	simm.s32 $0x1000;
	v41 =	vadd.f32 v41, v42;
	v42 =	vshll.u32 v45, $0x10;
	v51 =	vld.idx.msk [tilespmem:v24+s24+$0x0], $0xffff  }
0x2e9: {  	v40 =	vadd.f32 v43, v40;
	v43 =	vshll.u32 v46, $0x10;
	v42 =	vadd.f32 $0.0e+00, v42;
	v52 =	vld.idx.msk [tilespmem:v23+s11+$0x0], $0xffff  }
0x2ea: {  	v39 =	vadd.f32 v39, v41;
	v41 =	vadd.f32 $0.0e+00, v45;
	v45 =	vshll.u32 v44, $0x10;
	v53 =	vld.idx.msk [tilespmem:v19+s5+$0x0], $0xffff  }
0x2eb: {  	s22 =	simm.s32 $0xD00;
	v40 =	vadd.f32 v47, v40;
	v47 =	vshll.u32 v48, $0x10;
	v42 =	vadd.f32 v45, v42;
	v45 =	vld.idx.msk [tilespmem:v17+s25+$0x0], $0xffff  }
0x2ec: {  	v39 =	vadd.f32 v46, v39;
	v41 =	vadd.f32 v44, v41;
	v44 =	vshll.u32 v49, $0x10;
	v46 =	vld.idx.msk [tilespmem:v18+s22+$0x0], $0xffff  }
0x2ed: {  	v40 =	vadd.f32 v43, v40;
	v43 =	vshll.u32 v50, $0x10;
	v42 =	vadd.f32 v44, v42;
	v44 =	vld.idx.msk [tilespmem:v14+s0+$0x0], $0xffff  }
0x2ee: {  	v39 =	vadd.f32 v48, v39;
	v41 =	vadd.f32 v49, v41;
	v48 =	vshll.u32 v51, $0x10;
	v49 =	vld.idx.msk [tilespmem:v16+s9+$0x0], $0xffff  }
0x2ef: {  	s23 =	simm.s32 $0xF00;
	v40 =	vadd.f32 v47, v40;
	v42 =	vadd.f32 v48, v42;
	v47 =	vshll.u32 v52, $0x10;
	v48 =	vld.idx.msk [tilespmem:v15+s1+$0x0], $0xffff  }
0x2f0: {  	v39 =	vadd.f32 v50, v39;
	v41 =	vadd.f32 v51, v41;
	v50 =	vshll.u32 v53, $0x10;
	v51 =	vld.idx.msk [tilespmem:v13+s23+$0x0], $0xffff  }
0x2f1: {  	v40 =	vadd.f32 v43, v40;
	v42 =	vadd.f32 v50, v42;
	v43 =	vshll.u32 v45, $0x10;
	v50 =	vld.idx.msk [tilespmem:v28+s6+$0x0], $0xffff  }
0x2f2: {  	s10 =	simm.s32 $0x1600;
	v39 =	vmul.f32 v39, v8;
	v41 =	vadd.f32 v53, v41;
	v53 =	vshll.u32 v46, $0x10;
	v54 =	vld.idx.msk [tilespmem:v26+s21+$0x0], $0xffff  }
0x2f3: {  	s2 =	simm.s32 $0x1700;
	v47 =	vadd.f32 $0.0e+00, v47;
	v40 =	vmul.f32 v40, v8;
	v42 =	vadd.f32 v53, v42;
	v53 =	vld.idx.msk [tilespmem:v27+s10+$0x0], $0xffff  }
0x2f4: {  	v52 =	vadd.f32 $0.0e+00, v52;
	v41 =	vadd.f32 v46, v41;
	v46 =	vshll.u32 v49, $0x10;
	v55 =	vld.idx.msk [tilespmem:v29+s2+$0x0], $0xffff  }
0x2f5: {  	[tilespmem:v0+s18+$0xFFFFFF00] =	vst.idx.msk $0xffff, v40;
	v40 =	vadd.f32 v46, v42;
	v42 =	vadd.f32 v43, v47;
	v43 =	vshll.u32 v44, $0x10  }
0x2f6: {  	v45 =	vadd.f32 v45, v52;
	[tilespmem:v1+s18+$0xFFFFFF00] =	vst.idx.msk $0xffff, v39;
	v39 =	vadd.f32 v49, v41;
	v41 =	vshll.u32 v51, $0x10  }
0x2f7: {  	v46 =	vld.idx.msk [tilespmem:v32+s28+$0x0], $0xffff;
	v40 =	vadd.f32 v41, v40;
	v41 =	vadd.f32 v43, v42;
	v42 =	vshll.u32 v48, $0x10  }
0x2f8: {  	v44 =	vadd.f32 v44, v45;
	v45 =	vshll.u32 v50, $0x10;
	v43 =	vld.idx.msk [tilespmem:v25+s29+$0x0], $0xffff;
	v39 =	vadd.f32 v51, v39  }
0x2f9: {  	v47 =	vld.idx.msk [tilespmem:v31+s4+$0x0], $0xffff;
	v40 =	vmul.f32 v40, v8;
	v41 =	vadd.f32 v42, v41;
	v42 =	vshll.u32 v54, $0x10  }
0x2fa: {  	v44 =	vadd.f32 v48, v44;
	v48 =	vshll.u32 v53, $0x10;
	v49 =	vld.idx.msk [tilespmem:v30+s24+$0x0], $0xffff;
	v39 =	vmul.f32 v39, v8  }
0x2fb: {  	v51 =	vld.idx.msk [tilespmem:v38+s5+$0x0], $0xffff;
	[tilespmem:v2+s18+$0x0] =	vst.idx.msk $0xffff, v40;
	v40 =	vadd.f32 v45, v41;
	v41 =	vshll.u32 v55, $0x10  }
0x2fc: {  	v45 =	vld.idx.msk [tilespmem:v34+s22+$0x0], $0xffff;
	[tilespmem:v3+s18+$0x0] =	vst.idx.msk $0xffff, v39;
	v39 =	vadd.f32 v50, v44  }
0x2fd: {  	v44 =	vshll.u32 v46, $0x10;
	v46 =	vadd.f32 $0.0e+00, v46;
	s22 =	simm.s32 $0x1000;
	v50 =	vld.idx.msk [tilespmem:v20+s11+$0x0], $0xffff;
	v40 =	vadd.f32 v42, v40  }
0x2fe: {  	v42 =	vadd.f32 $0.0e+00, v44;
	v44 =	vshll.u32 v43, $0x10;
	v52 =	vld.idx.msk [tilespmem:v33+s9+$0x0], $0xffff;
	v39 =	vadd.f32 v54, v39  }
0x2ff: {  	v43 =	vadd.f32 v43, v46;
	v46 =	vshll.u32 v47, $0x10;
	v54 =	vld.idx.msk [tilespmem:v21+s25+$0x0], $0xffff;
	v40 =	vadd.f32 v48, v40  }
0x300: {  	v42 =	vadd.f32 v44, v42;
	v44 =	vshll.u32 v49, $0x10;
	v48 =	vld.idx.msk [tilespmem:v35+s23+$0x0], $0xffff;
	v39 =	vadd.f32 v53, v39  }
0x301: {  	v43 =	vadd.f32 v47, v43;
	v47 =	vshll.u32 v51, $0x10;
	v53 =	vld.idx.msk [tilespmem:v22+s0+$0x0], $0xffff;
	v41 =	vadd.f32 v41, v40  }
0x302: {  	v42 =	vadd.f32 v46, v42;
	v46 =	vshll.u32 v45, $0x10;
	v55 =	vadd.f32 v55, v39;
	v40 =	vld.idx.msk [tilespmem:v11+s14+$0x0], $0xffff;
	v11 =	vmovc v28  }
0x303: {  	v43 =	vadd.f32 v49, v43;
	v39 =	vshll.u32 v50, $0x10;
	v28 =	vmovc v38;
	v49 =	vld.idx.msk [tilespmem:v24+s1+$0x0], $0xffff;
	v41 =	vmul.f32 v41, v8  }
0x304: {  	v38 =	vadd.f32 v44, v42;
	v56 =	vshll.u32 v52, $0x10;
	v42 =	vadd.f32 $0.0e+00, v39;
	v39 =	vld.idx.msk [tilespmem:v10+s13+$0x0], $0xffff;
	v10 =	vmovc v26;
	v26 =	vmovc v34  }
0x305: {  	v50 =	vadd.f32 $0.0e+00, v50;
	v44 =	vadd.f32 v51, v43;
	v34 =	vshll.u32 v54, $0x10;
	v43 =	vld.idx.msk [tilespmem:v19+s6+$0x0], $0xffff;
	[tilespmem:v4+s16+$0xFFFFFF00] =	vst.idx.msk $0xffff, v41  }
0x306: {  	v38 =	vadd.f32 v47, v38;
	v51 =	vshll.u32 v48, $0x10;
	v41 =	vadd.f32 v34, v42;
	v34 =	vld.idx.msk [tilespmem:v9+s7+$0x0], $0xffff;
	v9 =	vmovc v27  }
0x307: {  	v42 =	vadd.f32 v45, v44;
	v45 =	vadd.f32 v54, v50;
	v47 =	vshll.u32 v53, $0x10;
	v27 =	vmovc v33;
	v44 =	vld.idx.msk [tilespmem:v18+s21+$0x0], $0xffff  }
.Ltmp8:
0x308: {  	v38 =	vadd.f32 v46, v38;
	v41 =	vadd.f32 v47, v41;
	v46 =	vmul.f32 v55, v8;
	v33 =	vld.idx.msk [tilespmem:v12+s8+$0x0], $0xffff;
	(pc) =	sbr.rel @p0 .LBB2_15-.Ltmp8, $4  }
0x309: {  	s11 =	simm.s32 $0x1600;
	v47 =	vadd.f32 v52, v42;
	v50 =	vadd.f32 v53, v45;
	v45 =	vshll.u32 v49, $0x10;
	v12 =	vmovc v29;
	v42 =	vld.idx.msk [tilespmem:v16+s10+$0x0], $0xffff  }
0x30a: {  	v38 =	vadd.f32 v56, v38;
	v52 =	vadd.f32 v45, v41;
	v45 =	vshll.u32 v40, $0x10;
	[tilespmem:v5+s16+$0xFFFFFF00] =	vst.idx.msk $0xffff, v46  }
0x30b: {  	v29 =	vmovc v35;
	s10 =	simm.s32 $0x1700;
	v48 =	vadd.f32 v48, v47;
	v47 =	vadd.f32 v49, v50;
	v46 =	vshll.u32 v43, $0x10;
	v41 =	vld.idx.msk [tilespmem:v13+s2+$0x0], $0xffff  }
0x30c: {  	s20 =	sadd.s32 $0x40, s20;
	v49 =	vadd.f32 v51, v38;
	v46 =	vadd.f32 v46, v52;
	v38 =	vshll.u32 v39, $0x10;
	v35 =	vld.idx.msk [tilespmem:v23+s12+$0x0], $0xffff;
	v23 =	vmovc v32  }
0x30d: {  	_ =	sdelay $0x1  }
0x30e: {  	v32 =	vmul.f32 v49, v8  }
0x30f: {  	v48 =	vmul.f32 v48, v8  }
0x310: {  	[tilespmem:v2+s18+$0xFFFFFF00] =	vst.idx.msk $0xffff, v32  }
0x311: {  	[tilespmem:v3+s18+$0xFFFFFF00] =	vst.idx.msk $0xffff, v48  }
0x312: {  	v32 =	vld.idx.msk [tilespmem:v23+s22+$0x0], $0xffff;
	_ =	sdelay $0x1  }
0x313: {  	v48 =	vld.idx.msk [tilespmem:v25+s25+$0x0], $0xffff  }
0x314: {  	v43 =	vadd.f32 v43, v47;
	v57 =	vshll.u32 v44, $0x10  }
0x315: {  	v37 =	vadd.f32 v45, v37;
	v46 =	vadd.f32 v57, v46;
	v59 =	vld.idx.msk [tilespmem:v31+s0+$0x0], $0xffff  }
0x316: {  	v58 =	vshll.u32 v42, $0x10;
	v43 =	vadd.f32 v44, v43;
	v60 =	vshll.u32 v32, $0x10  }
0x317: {  	v44 =	vadd.f32 v58, v46;
	v62 =	vshll.u32 v41, $0x10;
	v63 =	vld.idx.msk [tilespmem:v30+s1+$0x0], $0xffff;
	v46 =	vadd.f32 $0.0e+00, v60  }
0x318: {  	v61 =	vadd.f32 v42, v43;
	v51 =	vshll.u32 v48, $0x10;
	v32 =	vadd.f32 $0.0e+00, v32  }
0x319: {  	s2 =	simm.s32 $0x1900;
	v43 =	vadd.f32 v62, v44;
	v54 =	vld.idx.msk [tilespmem:v28+s6+$0x0], $0xffff;
	v53 =	vadd.f32 v51, v46  }
0x31a: {  	v17 =	vld.idx.msk [tilespmem:v17+s2+$0x0], $0xffff;
	v52 =	vadd.f32 v41, v61;
	v55 =	vshll.u32 v59, $0x10;
	v32 =	vadd.f32 v48, v32  }
0x31b: {  	v36 =	vadd.f32 v40, v36;
	s19 =	simm.s32 $0x1A00;
	v56 =	vld.idx.msk [tilespmem:v26+s21+$0x0], $0xffff;
	v43 =	vmul.f32 v43, v8;
	v42 =	vadd.f32 v55, v53  }
0x31c: {  	v14 =	vld.idx.msk [tilespmem:v14+s19+$0x0], $0xffff;
	v41 =	vmul.f32 v52, v8;
	v57 =	vshll.u32 v63, $0x10;
	v32 =	vadd.f32 v59, v32  }
0x31d: {  	v37 =	vadd.f32 v38, v37;
	v58 =	vld.idx.msk [tilespmem:v27+s11+$0x0], $0xffff;
	[tilespmem:v4+s18+$0x0] =	vst.idx.msk $0xffff, v43;
	v59 =	vadd.f32 v57, v42  }
0x31e: {  	s4 =	simm.s32 $0x1800;
	v62 =	vld.idx.msk [tilespmem:v29+s10+$0x0], $0xffff;
	[tilespmem:v5+s18+$0x0] =	vst.idx.msk $0xffff, v41;
	v60 =	vshll.u32 v54, $0x10;
	v32 =	vadd.f32 v63, v32  }
0x31f: {  	s7 =	simm.s32 $0x1C00;
	v36 =	vadd.f32 v39, v36;
	v20 =	vld.idx.msk [tilespmem:v20+s4+$0x0], $0xffff;
	v38 =	vadd.f32 v60, v59  }
0x320: {  	v11 =	vld.idx.msk [tilespmem:v11+s7+$0x0], $0xffff;
	v61 =	vshll.u32 v35, $0x10;
	v47 =	vshll.u32 v56, $0x10;
	v32 =	vadd.f32 v54, v32  }
0x321: {  	v39 =	vadd.f32 $0.0e+00, v61;
	v21 =	vld.idx.msk [tilespmem:v21+s2+$0x0], $0xffff;
	v38 =	vadd.f32 v47, v38  }
0x322: {  	s20 =	simm.s32 $0x1B00;
	v49 =	vshll.u32 v17, $0x10;
	v50 =	vshll.u32 v58, $0x10;
	v22 =	vld.idx.msk [tilespmem:v22+s19+$0x0], $0xffff;
	v32 =	vadd.f32 v56, v32  }
0x323: {  	v15 =	vld.idx.msk [tilespmem:v15+s20+$0x0], $0xffff;
	v39 =	vadd.f32 v49, v39;
	v52 =	vshll.u32 v62, $0x10;
	v38 =	vadd.f32 v50, v38  }
0x324: {  	v24 =	vld.idx.msk [tilespmem:v24+s20+$0x0], $0xffff;
	v63 =	vadd.f32 $0.0e+00, v35;
	v51 =	vshll.u32 v20, $0x10;
	v32 =	vadd.f32 v58, v32  }
0x325: {  	s21 =	simm.s32 $0x1D00;
	v49 =	vshll.u32 v11, $0x10;
	v19 =	vld.idx.msk [tilespmem:v19+s7+$0x0], $0xffff;
	v35 =	vadd.f32 $0.0e+00, v51;
	v38 =	vadd.f32 v52, v38  }
0x326: {  	s5 =	simm.s32 $0x1E00;
	v18 =	vld.idx.msk [tilespmem:v18+s21+$0x0], $0xffff;
	v20 =	vadd.f32 $0.0e+00, v20;
	v53 =	vshll.u32 v21, $0x10;
	v32 =	vadd.f32 v62, v32  }
0x327: {  	s22 =	simm.s32 $0x1F00;
	v16 =	vld.idx.msk [tilespmem:v16+s5+$0x0], $0xffff;
	v55 =	vshll.u32 v22, $0x10;
	v35 =	vadd.f32 v53, v35;
	v38 =	vmul.f32 v38, v8  }
0x328: {  	v13 =	vld.idx.msk [tilespmem:v13+s22+$0x0], $0xffff;
	v17 =	vadd.f32 v17, v63;
	v20 =	vadd.f32 v21, v20;
	v32 =	vmul.f32 v32, v8  }
0x329: {  	v54 =	vshll.u32 v14, $0x10;
	v63 =	vadd.f32 v34, v36;
	v21 =	vadd.f32 v55, v35;
	[tilespmem:v4+s18+$0xFFFFFF00] =	vst.idx.msk $0xffff, v38  }
0x32a: {  	v57 =	vshll.u32 v24, $0x10;
	v59 =	vadd.f32 v54, v39;
	v56 =	vadd.f32 v22, v20;
	[tilespmem:v5+s18+$0xFFFFFF00] =	vst.idx.msk $0xffff, v32  }
0x32b: {  	v48 =	vshll.u32 v34, $0x10;
	v14 =	vadd.f32 v14, v17;
	v20 =	vadd.f32 v57, v21;
	v61 =	vld.idx.msk [tilespmem:v23+s4+$0x0], $0xffff  }
0x32c: {  	v10 =	vld.idx.msk [tilespmem:v10+s21+$0x0], $0xffff;
	v60 =	vshll.u32 v19, $0x10;
	v39 =	vadd.f32 v33, v63;
	v17 =	vadd.f32 v24, v56  }
0x32d: {  	v42 =	vshll.u32 v13, $0x10;
	v58 =	vadd.f32 v48, v37;
	v20 =	vadd.f32 v60, v20;
	v36 =	vld.idx.msk [tilespmem:v25+s2+$0x0], $0xffff  }
0x32e: {  	v9 =	vld.idx.msk [tilespmem:v9+s5+$0x0], $0xffff;
	v35 =	vshll.u32 v18, $0x10;
	v14 =	vadd.f32 v15, v14;
	v17 =	vadd.f32 v19, v17  }
0x32f: {  	v15 =	vshll.u32 v15, $0x10;
	v37 =	vshll.u32 v16, $0x10;
	v19 =	vadd.f32 v35, v20;
	v38 =	vld.idx.msk [tilespmem:v31+s19+$0x0], $0xffff  }
0x330: {  	v15 =	vadd.f32 v15, v59;
	v17 =	vadd.f32 v18, v17;
	v40 =	vshll.u32 v61, $0x10  }
0x331: {  	v51 =	vshll.u32 v10, $0x10;
	v18 =	vadd.f32 v37, v19;
	v41 =	vld.idx.msk [tilespmem:v30+s20+$0x0], $0xffff;
	v19 =	vadd.f32 $0.0e+00, v40  }
0x332: {  	v62 =	vshll.u32 v33, $0x10;
	v11 =	vadd.f32 v11, v14;
	v43 =	vshll.u32 v36, $0x10  }
0x333: {  	v55 =	vshll.u32 v9, $0x10;
	v22 =	vadd.f32 v62, v58;
	v44 =	vld.idx.msk [tilespmem:v28+s7+$0x0], $0xffff;
	v19 =	vadd.f32 v43, v19  }
0x334: {  	v12 =	vld.idx.msk [tilespmem:v12+s22+$0x0], $0xffff;
	v15 =	vadd.f32 v49, v15;
	v23 =	vadd.f32 $0.0e+00, v61;
	v45 =	vshll.u32 v38, $0x10  }
0x335: {  	v21 =	vmul.f32 v39, v8;
	v18 =	vadd.f32 v42, v18;
	v48 =	vld.idx.msk [tilespmem:v26+s21+$0x0], $0xffff;
	v47 =	vadd.f32 v45, v19  }
0x336: {  	v10 =	vadd.f32 v10, v11;
	v50 =	vshll.u32 v41, $0x10;
	v23 =	vadd.f32 v36, v23  }
0x337: {  	v15 =	vadd.f32 v51, v15;
	v52 =	vld.idx.msk [tilespmem:v27+s5+$0x0], $0xffff;
	v46 =	vmul.f32 v18, v8;
	v18 =	vadd.f32 v50, v47  }
0x338: {  	v16 =	vadd.f32 v16, v17;
	v54 =	vshll.u32 v44, $0x10;
	v20 =	vadd.f32 v38, v23  }
0x339: {  	v58 =	vshll.u32 v12, $0x10;
	v9 =	vadd.f32 v9, v10;
	v56 =	vld.idx.msk [tilespmem:v29+s22+$0x0], $0xffff;
	v17 =	vadd.f32 v54, v18  }
0x33a: {  	v15 =	vadd.f32 v55, v15;
	v57 =	vshll.u32 v48, $0x10;
	v53 =	vadd.f32 v41, v20  }
0x33b: {  	v22 =	vmul.f32 v22, v8;
	v13 =	vadd.f32 v13, v16;
	v11 =	vadd.f32 v57, v17  }
0x33c: {  	v15 =	vadd.f32 v58, v15;
	v59 =	vshll.u32 v52, $0x10;
	v14 =	vadd.f32 v44, v53  }
0x33d: {  	[tilespmem:v6+s15+$0xFFFFFF00] =	vst.idx.msk $0xffff, v22;
	v9 =	vadd.f32 v12, v9;
	v10 =	vadd.f32 v59, v11  }
0x33e: {  	[tilespmem:v7+s15+$0xFFFFFF00] =	vst.idx.msk $0xffff, v21;
	v62 =	vmul.f32 v15, v8;
	v60 =	vshll.u32 v56, $0x10;
	v14 =	vadd.f32 v48, v14  }
0x33f: {  	v13 =	vmul.f32 v13, v8;
	[tilespmem:v6+s18+$0x0] =	vst.idx.msk $0xffff, v46;
	v10 =	vadd.f32 v60, v10  }
0x340: {  	v9 =	vmul.f32 v9, v8;
	[tilespmem:v6+s16+$0xFFFFFF00] =	vst.idx.msk $0xffff, v62;
	v61 =	vadd.f32 v52, v14  }
0x341: {  	[tilespmem:v7+s18+$0x0] =	vst.idx.msk $0xffff, v13;
	v10 =	vmul.f32 v10, v8  }
0x342: {  	s23 =	rddreg [dreg:$0x2];
	[tilespmem:v7+s16+$0xFFFFFF00] =	vst.idx.msk $0xffff, v9;
	v63 =	vadd.f32 v56, v61  }
0x343: {  	s24 =	rddreg [dreg:$0x14];
	[tilespmem:v6+s18+$0xFFFFFF00] =	vst.idx.msk $0xffff, v10  }
0x344: {  	s0 =	sadd.s32 s23, s24;
	v8 =	vmul.f32 v63, v8;
	s26 =	rddreg [dreg:$0x12]  }
0x345: {  	s17 =	simm.s32 $0x80;
	s15 =	sadd.s32 s26, s0  }
0x346: {  	s16 =	simm.s32 $0x4100;
	[tilespmem:v7+s18+$0xFFFFFF00] =	vst.idx.msk $0xffff, v8;
	s18 =	simm.s32 $0x4200;
	s19 =	sadd.s32 $0x0, s15  }
.LBB2_17:
0x347: {  	[hbm4b:s19+s3] =	stream.linear.scatter [tilespmem:s16], [sflag:$0x4], $0x80, $0x38;
	[tilespmem:$0x6080] =	vst v63  }
0x348: {  	s0 =	smov.u32 s17;
	s16 =	smov.u32 s18;
	p0 =	sne.s32 s17, $0xF80  }
.Ltmp9:
0x349: {  	s17 =	sadd.s32 $0x80, s17;
	(pc) =	sbr.rel @p0 .LBB2_17-.Ltmp9, $2  }
0x34a: {  	_ =	sdelay $0x2  }
0x34b: {  	s18 =	sadd.s32 $0x100, s18;
	s19 =	sadd.s32 s0, s15  }
.Ltmp10:
0x34c: {  	(pc) =	sbr.rel @p1 .LBB2_22-.Ltmp10, $4  }
0x34d: {  	_ = 	snop  }
0x34e: {  	[hbm4b:s19+s3] =	stream.linear.scatter [tilespmem:s16], [sflag:$0x4], $0x80, $0x38;
	[tilespmem:$0x6080] =	vst v63  }
0x34f: {  	s9 =	simm.s32 $0xB00;
	s8 =	simm.s32 $0xC00  }
0x350: {  	s7 =	simm.s32 $0xD00;
	s5 =	simm.s32 $0xE00;
	s4 =	simm.s32 $0xF00  }
0x351: {  	s0 =	rddreg [dreg:$0x10]  }
0x352: {  	s0 =	sadd.s32 $0x2, s0  }
0x353: {  	s1 =	sshll.u32 s0, $0x4  }
0x354: {  	s6 =	rddreg [dreg:$0x4];
	s0 =	sshll.u32 s0, $0x9;
	s1 =	sand.u32 $0x70, s1  }
0x355: {  	s0 =	sand.u32 $0xFFFF000, s0;
	s1 =	sadd.s32 s6, s1  }
0x356: {  	s16 =	simm.s32 $0x2100;
	s15 =	sadd.s32 s0, s1  }
0x357: {  	s17 =	simm.s32 $0x80;
	s18 =	simm.s32 $0x2200;
	s19 =	sadd.s32 $0x0, s15  }
.LBB2_20:
0x358: {  	[tilespmem:s16], [sflag:$0x2] =	stream.linear.gather [hbm4b:s19+s3], $0x80, $0x38;
	[tilespmem:$0x6080] =	vst v63  }
0x359: {  	s0 =	smov.u32 s17;
	s16 =	smov.u32 s18;
	p0 =	sne.s32 s17, $0xF80  }
.Ltmp11:
0x35a: {  	s17 =	sadd.s32 $0x80, s17;
	(pc) =	sbr.rel @p0 .LBB2_20-.Ltmp11, $2  }
0x35b: {  	_ =	sdelay $0x2  }
0x35c: {  	s18 =	sadd.s32 $0x100, s18;
	s19 =	sadd.s32 s0, s15  }
.Ltmp12:
0x35d: {  	(pc) =	sbr.rel .LBB2_6-.Ltmp12, $4  }
0x35e: {  	_ = 	snop  }
0x35f: {  	[tilespmem:s16], [sflag:$0x2] =	stream.linear.gather [hbm4b:s19+s3], $0x80, $0x38;
	[tilespmem:$0x6080] =	vst v63  }
0x360: {  	s2 =	rddreg [dreg:$0xc]  }
0x361: {  	s2 =	sadd.s32 $0x1, s2  }
.LBB2_23:
0x362: {  	_ =	sfence.sel $0x180000  }
0x363: {  	[bflag:$0x0] =	sbarrier.arrive $0xFFFF  }
0x364: {  	_ =	strace $0x9000004A  }
0x365: {  	s0 =	stileid.u32;
	[bflag:$0x2] =	sbarrier.arrive $0xFFFF  }
0x366: {  	p0 =	sne.s32 s0, $0x0;
	s0 =	rddreg [dreg:$0x3]  }
0x367: {  	s0 =	sadd.s32 @!p0 $0x100000, s0  }
0x368: {  	[sflag:s0] =	ssyncadd.tile.s32 @!p0 $0x1;
	_ =	shalt  }
.Lfunc_end2:
_tile_overlayer_lowered:
.L_overlay_start_2:
0x369: {  	(tag) =	ssettag $0x2  }
0x36a: {  	s0 =	rddreg [dreg:$0x0];
	s2 =	stileid.u32  }
0x36b: {  	s1 =	rddreg [dreg:$0x1];
	p0 =	sne.s32 s2, $0x0  }
0x36c: {  	s3 =	rddreg [dreg:$0x2];
	[bflag:$0x3] =	sbarrier.arrive $0xFFFF;
	s2 =	simm.s32 @!p0 $0x1C05  }
0x36d: {  	[timem:s3], [sflag:s2] =	dma.local @!p0 [hbm:s0], s1  }
0x36e: {  	s0 =	simm.s32 @!p0 $0x5  }
0x36f: {  	_ =	swait.ge @!p0 [sflag:s0], s1  }
0x370: {  	s1 =	ssub.s32 @!p0 $0x0, s1;
	[sflag:s0] =	ssyncset.done @!p0 $0x0  }
0x371: {  	[sflag:s0] =	ssyncadd.s32 @!p0 s1  }
0x372: {  	[bflag:$0x3] =	sbarrier.arrive $0xFFFF  }
0x373: {  	_ =	shalt  }

// kernel: sparse-core-data-format-call.cloned.1.call-start
scs
called_computation_lowered:
.L_overlay_start_0:
0x0: {  	s2 =	sld [smem:$0x3FD9]  }
0x1: {  	s3 =	sld [smem:$0x3FFE];
	_ =	sdelay $0x1  }
0x2: {  	s1 =	srdreg.scid  }
0x3: {  	s0 =	sand.u32 $0x1, s1  }
0x4: {  	s18 =	sshll.u32 s0, $0xA;
	s2 =	sadd.s32 s3, s2  }
0x5: {  	s2 =	sadd.s32 s2, s18  }
0x6: {  	[smem:$0x3FC5] =	sst s2  }
0x7: {  	_ = 	snop  }
0x8: {  	s2 =	sld [smem:$0x3FC9];
	(tm) =	ssettm $0x1  }
0x9: {  	s19 =	sld [smem:$0x3FFB];
	_ =	sdelay $0x3  }
0xa: {  	_ =	strace s19  }
0xb: {  	s3 =	sld [smem:$0x3FFC];
	_ =	sdelay $0x3  }
0xc: {  	_ =	strace s3  }
0xd: {  	s3 =	sld [smem:$0x3FFD];
	_ =	sdelay $0x3  }
0xe: {  	_ =	strace s3  }
0xf: {  	_ =	strace $0x8FFFFFFF  }
0x10: {  	s20 =	sld [smem:$0x3FDB];
	_ =	sdelay $0x1  }
0x11: {  	s4 =	simm.s32 $_scs_section_size  }
0x12: {  	s5 =	simm.s32 $_size__tile_overlayer_lowered;
	s6 =	simm.s32 $_tile_overlayer_lowered  }
0x13: {  	s23 =	simm.s32 $0x1BFF;
	s22 =	sshll.u32 s6, $0x1;
	s3 =	sadd.s32 s4, s20  }
0x14: {  	s7 =	simm.s32 $0x0;
	s21 =	sshll.u32 s5, $0x1;
	s5 =	sadd.s32 s22, s3  }
0x15: {  	[timem:s7], [sflag:s23] =	dma.local [hbm:s5], s21  }
0x16: {  	_ =	swait.ge [sflag:s23], s21  }
0x17: {  	s4 =	ssub.s32 $0x0, s21;
	[sflag:s23] =	ssyncset.done $0x0  }
0x18: {  	[sflag:s23] =	ssyncadd.s32 s4;
	_ =	sdelay $0x1  }
0x19: {  	s24 =	simm.s32 $0x1B8B  }
0x1a: {  	_ =	swait.ge [sflag:s24], $0x1  }
0x1b: {  	[sflag:s24] =	ssyncset.done $0x0  }
0x1c: {  	s26 =	simm.s32 $0x1B8E;
	s25 =	sld [smem:$0x3FFE];
	[sflag:s24] =	ssyncadd.s32 $0xFFFFFFFF  }
0x1d: {  	s27 =	simm.s32 $execute0_lowered;
	[smem:$0x3FD2] =	sst s26  }
0x1e: {  	s5 =	sshll.u32 s27, $0x1;
	_ =	strace $0x80000046;
	[dreg:$0x1] =	wrdreg $0xFFFFFFFF  }
0x1f: {  	s28 =	simm.s32 $_size_execute0_lowered;
	s3 =	sadd.s32 s3, s5;
	[dreg:$0x0] =	wrdreg $0x0  }
0x20: {  	s5 =	sshll.u32 s28, $0x1;
	[dreg:$0x2] =	wrdreg s3  }
0x21: {  	[dreg:$0x3] =	wrdreg s5  }
0x22: {  	[dreg:$0x4] =	wrdreg $0xC0  }
0x23: {  	_ =	task [dreg:s7], $0x5FFFF  }
0x24: {  	[dreg:$0x1] =	wrdreg $0xFFFFFFFF  }
0x25: {  	[dreg:$0x0] =	wrdreg $0x60  }
0x26: {  	[dreg:$0x2] =	wrdreg s2  }
0x27: {  	[dreg:$0x3] =	wrdreg s25  }
0x28: {  	[dreg:$0x4] =	wrdreg $0x9  }
0x29: {  	_ =	task.clear_ibuf [dreg:s7], $0x5FFFF;
	_ =	strace $0x90000046  }
0x2a: {  	s29 =	simm.s32 $0x9;
	_ =	strace $0x80000048  }
0x2b: {  	_ =	swait.ge [sflag:s29], $0x1  }
0x2c: {  	[sflag:s29] =	ssyncadd.s32 $0xFFFFFFFF  }
0x2d: {  	_ =	strace $0x90000048  }
0x2e: {  	_ =	sfence  }
0x2f: {  	s30 =	sld [smem:$0x0];
	_ =	sdelay $0x2  }
0x30: {  	s31 =	sshll.u32 s1, $0xD;
	s1 =	sshrl.u32 s1, $0x2  }
0x31: {  	s3 =	sand.u32 $0x4000, s31;
	s1 =	sadd.s32 s1, s30  }
0x32: {  	s0 =	sor.u32 s3, s0;
	s1 =	sshll.u32 s1, $0x11  }
0x33: {  	s0 =	sor.u32 s1, s0  }
0x34: {  	s0 =	sadd.s32 $0x8F2B, s0  }
0x35: {  	[sflag:s0] =	ssyncadd.remote.s32 $0x1  }
0x36: {  	_ =	sfence.sel $0xFFFF  }
0x37: {  	[dreg:$0x0] =	wrdreg $0xFFFFFFFF;
	(pc) =	sbr.abs _section_cstart, $3  }
0x38: {  	[dreg:$0x1] =	wrdreg $0xFFFFFFFF  }
0x39: {  	_ =	task.clear_ibuf [dreg:s7], $0x2FFFF;
	_ =	strace $0x9FFFFFFF  }
0x3a: {  	(tm) =	ssettm $0x7FFFFFFF  }
0x3b: {  	_ =	shalt  }
tec
execute0_lowered:
.L_overlay_start_1:
0x0: {  	(tag) =	ssettag $0x1  }
0x1: {  	s2 =	rddreg [dreg:$0x0]  }
0x2: {  	s1 =	rddreg [dreg:$0x1]  }
0x3: {  	s0 =	rddreg [dreg:$0x2];
	_ =	strace $0x80000047;
	s4 =	srdreg.scid  }
0x4: {  	s6 =	simm.s32 $0x2;
	s12 =	simm.s32 $0x0;
	p0 =	por $0x0, $0x0  }
0x5: {  	s13 =	simm.s32 $0x0;
	s15 =	simm.s32 $0x0;
	s14 =	simm.s32 $0x0  }
.Ltmp0:
0x6: {  	s8 =	simm.s32 $0x0;
	s9 =	simm.s32 $0x0;
	(pc) =	sbr.rel .LBB1_1-.Ltmp0, $4  }
0x7: {  	s10 =	simm.s32 $0x0;
	s3 =	sadd.s32 $0xA00, s1;
	s5 =	sshll.u32 s4, $0x4  }
0x8: {  	s1 =	stileid.u32;
	s4 =	simm.s32 $0x1;
	s5 =	sand.u32 $0x10, s5  }
0x9: {  	s7 =	simm.s32 $0x0;
	[sflag:s4] =	ssyncpa.u1 $0x0;
	s5 =	sor.u32 s1, s5  }
0xa: {  	[sflag:s6] =	ssyncpa.u1 $0x0;
	s6 =	simm.s32 $0x1000;
	s11 =	smov.u32 s5  }
.LBB1_7:
0xb: {  	s16 =	sadd.s32 $0x100, s8  }
0xc: {  	s12 =	sadd.s32 $0x8, s9;
	s17 =	smov.u32 s9;
	p2 =	sgt.s32 s16, $0x1FF  }
0xd: {  	s17 =	smov.u32 @p2 s12  }
0xe: {  	s18 =	smov.u32 s10;
	s12 =	sadd.s32 $0x8, s10;
	p3 =	sgt.s32 s17, $0x7  }
0xf: {  	s18 =	smov.u32 @p3 s12  }
0x10: {  	s19 =	smov.u32 s11;
	s12 =	sadd.s32 $0x20, s11;
	p4 =	sgt.s32 s18, $0x7  }
0x11: {  	p1 =	slt.u32 s7, $0x2;
	s19 =	smov.u32 @p4 s12  }
0x12: {  	s7 =	sadd.s32 $0x1, s7;
	s16 =	simm.s32 @p2 $0x0;
	p2 =	sgt.s32 s19, $0x1FF  }
0x13: {  	s20 =	simm.s32 @!p1 $0x2;
	s19 =	smov.u32 @p2 s5;
	p2 =	sne.s32 s7, $0x22  }
.Ltmp1:
0x14: {  	s13 =	smov.u32 s9;
	_ =	swait.ge @!p1 [sflag:s20], $0x4000;
	(pc) =	sbr.rel @!p2 .LBB1_8-.Ltmp1, $4  }
0x15: {  	s15 =	smov.u32 s10;
	s14 =	smov.u32 s11;
	[sflag:s20] =	ssyncset.done @!p1 $0x0  }
0x16: {  	p0 =	por !p0, !p0;
	s17 =	simm.s32 @p3 $0x0;
	[sflag:s20] =	ssyncadd.s32 @!p1 $0xFFFFC000  }
0x17: {  	s9 =	smov.u32 s17;
	s18 =	simm.s32 @p4 $0x0;
	s12 =	smov.u32 s8  }
0x18: {  	s8 =	smov.u32 s16;
	s10 =	smov.u32 s18;
	s11 =	smov.u32 s19  }
.LBB1_1:
0x19: {  	p1 =	sgt.u32 s7, $0x1F  }
0x1a: {  	s16 =	sxor.u32 @!p1 $0xFFFFFFFF, s7;
	s17 =	sshll.u32 @!p1 s8, $0x3  }
0x1b: {  	s18 =	sshll.u32 @!p1 s9, $0x7;
	s19 =	sand.u32 @!p1 $0x78, s8;
	s20 =	sshll.u32 @!p1 s11, $0xC  }
0x1c: {  	s21 =	sshll.u32 @!p1 s10, $0x9;
	s16 =	sshll.u32 @!p1 s16, $0xE;
	s18 =	sand.u32 @!p1 $0x380, s18  }
0x1d: {  	s17 =	sand.u32 @!p1 $0xC00, s17;
	s16 =	sand.u32 @!p1 $0x4000, s16;
	s18 =	sor.u32 @!p1 s19, s18  }
0x1e: {  	s19 =	sand.u32 @!p1 $0x7, s8;
	s17 =	sor.u32 @!p1 s17, s18;
	s18 =	sadd.s32 @!p1 s2, s20  }
0x1f: {  	s19 =	sshll.u32 @!p1 s19, $0x12;
	s17 =	sshrl.u32 @!p1 s17, $0x3;
	s18 =	sadd.s32 @!p1 s21, s18  }
0x20: {  	s17 =	sadd.s32 @!p1 s17, s18;
	s18 =	sor.u32 @!p1 $0x800, s19;
	s19 =	simm.s32 @!p1 $0x1000  }
0x21: {  	[tilespmem:s16], [sflag:$0x1] =	stream.strided.gather @!p1 [hbm4b:s17+s18], $0x4000, s19, s18, $0x38;
	[tilespmem:$0x10000] =	vst v63  }
0x22: {  	p1 =	seq.s32 s7, $0x0  }
0x23: {  	p2 =	seq.s32 @!p1 s7, $0x21  }
0x24: {  	p1 =	por p1, p2  }
.Ltmp2:
0x25: {  	_ = 	snop;
	(pc) =	sbr.rel @p1 .LBB1_7-.Ltmp2, $1  }
0x26: {  	_ =	sdelay $0x3  }
0x27: {  	s16 =	simm.s32 $0x1;
	_ =	swait.ge [sflag:s4], $0x4000  }
0x28: {  	s31 =	sshll.u32 s7, $0xE;
	s21 =	simm.s32 $0x0;
	p1 =	por $0x0, $0x0  }
0x29: {  	s22 =	simm.s32 $0x0;
	s23 =	simm.s32 $0x0;
	s16 =	simm.s32 @!p0 $0x0  }
0x2a: {  	[sflag:s4] =	ssyncset.done $0x0;
	s19 =	sand.u32 $0x4000, s31;
	s16 =	sshll.u32 s16, $0x10  }
0x2b: {  	[sflag:s4] =	ssyncadd.s32 $0xFFFFC000;
	s20 =	sshrl.u32 s16, $0x2;
	s16 =	sor.u32 $0x8000, s19  }
0x2c: {  	s17 =	sor.u32 $0x40, s20;
	s18 =	sor.u32 $0x8410, s20;
	s20 =	sadd.s32 $0x8400, s20  }
.LBB1_3:
0x2d: {  	v1 =	vld [tilespmem:s17+$0xFFFFFFD0]  }
0x2e: {  	v2 =	vld [tilespmem:s17+$0x430]  }
0x2f: {  	s24 =	sshll.u32 s23, $0xB;
	v4 =	vld [tilespmem:s17+$0xFFFFFFE0]  }
0x30: {  	v7 =	vld [tilespmem:s17+$0xFFFFFFF0];
	v0 =	vmov s24  }
0x31: {  	v8 =	vld [tilespmem:s17+$0x0]  }
0x32: {  	s30 =	sand.u32 $0x300, s21;
	v9 =	vld [tilespmem:s17+$0x10]  }
0x33: {  	s25 =	sand.u32 $0x80, s21;
	v10 =	vld [tilespmem:s17+$0x20];
	s24 =	sadd.s32 s30, s19  }
0x34: {  	v11 =	vld [tilespmem:s17+$0x30];
	s24 =	sadd.s32 s25, s24;
	s25 =	simm.s32 $0x1;
	[tilespmem:s18+$0x60] =	vst v2  }
0x35: {  	s31 =	sshll.u32 s22, $0x2;
	s25 =	simm.s32 @!p1 $0x0;
	[tilespmem:s18+$0xFFFFFC00] =	vst v1;
	v3 =	vld.idx.msk [tilespmem:v0+s24+$0x400 ss:$0x1], $0xffff  }
0x36: {  	v6 =	vld [tilespmem:s17+$0x3D0];
	s25 =	sshll.u32 s25, $0x9;
	[tilespmem:s18+$0xFFFFFC10] =	vst v4;
	s24 =	sand.u32 $0xFFFFFC00, s31  }
0x37: {  	v5 =	vld [tilespmem:s17+$0x3E0];
	[tilespmem:s18+$0xFFFFFC20] =	vst v7;
	s24 =	sor.u32 s25, s24  }
0x38: {  	[tilespmem:s18+$0xFFFFFC30] =	vst v8;
	v4 =	vld [tilespmem:s17+$0x400];
	s24 =	sshrl.u32 s24, $0x2  }
0x39: {  	[tilespmem:s18+$0xFFFFFC40] =	vst v9;
	v1 =	vld [tilespmem:s17+$0x410];
	s24 =	sadd.s32 s24, s20  }
0x3a: {  	[tilespmem:s24+$0x0] =	vst v3;
	v3 =	vld [tilespmem:s17+$0x3F0]  }
0x3b: {  	s28 =	simm.s32 $0x80;
	s27 =	simm.s32 $0x100;
	[tilespmem:s18+$0xFFFFFC50] =	vst v10;
	v2 =	vld [tilespmem:s17+$0x420]  }
0x3c: {  	s26 =	smov.u32 s18;
	s29 =	sand.u32 $0x300, s28;
	v7 =	vld [tilespmem:s17+$0xFFFFFFC0];
	[tilespmem:s18+$0xFFFFFC60] =	vst v11;
	s25 =	sadd.s32 $0x80, s17  }
.LBB1_4:
0x3d: {  	p2 =	sne.s32 s27, $0x380;
	v8 =	vld [tilespmem:s25+$0xFFFFFFD0];
	s28 =	sand.u32 $0x80, s28;
	s29 =	sadd.s32 s29, s19;
	[tilespmem:s26+$0x0] =	vst v6  }
0x3e: {  	s29 =	sadd.s32 s28, s29;
	v6 =	vld [tilespmem:s25+$0x430];
	[tilespmem:s26+$0x10] =	vst v5;
	s28 =	smov.u32 s27  }
0x3f: {  	v5 =	vld.idx.msk [tilespmem:v0+s29+$0x400 ss:$0x1], $0xffff;
	[tilespmem:s26+$0x20] =	vst v3  }
0x40: {  	v3 =	vld [tilespmem:s25+$0xFFFFFFE0];
	[tilespmem:s26+$0x30] =	vst v4  }
0x41: {  	v4 =	vld [tilespmem:s25+$0xFFFFFFF0];
	[tilespmem:s26+$0xFFFFFBF0] =	vst v7  }
0x42: {  	v7 =	vld [tilespmem:s25+$0x0];
	[tilespmem:s26+$0x40] =	vst v1  }
0x43: {  	v1 =	vld [tilespmem:s25+$0x10];
	[tilespmem:s26+$0x50] =	vst v2;
	s26 =	sadd.s32 $0x800, s26  }
0x44: {  	s24 =	sadd.s32 $0x800, s24;
	v2 =	vld [tilespmem:s25+$0x20];
	[tilespmem:s26+$0x60] =	vst v6  }
0x45: {  	v9 =	vld [tilespmem:s25+$0x30];
	[tilespmem:s24+$0x0] =	vst v5  }
0x46: {  	[tilespmem:s26+$0xFFFFFC00] =	vst v8;
	v6 =	vld [tilespmem:s25+$0x3D0]  }
0x47: {  	[tilespmem:s26+$0xFFFFFC10] =	vst v3;
	v5 =	vld [tilespmem:s25+$0x3E0]  }
.Ltmp3:
0x48: {  	[tilespmem:s26+$0xFFFFFC20] =	vst v4;
	v3 =	vld [tilespmem:s25+$0x3F0];
	(pc) =	sbr.rel @p2 .LBB1_4-.Ltmp3, $4  }
0x49: {  	[tilespmem:s26+$0xFFFFFC30] =	vst v7;
	v4 =	vld [tilespmem:s25+$0x400]  }
0x4a: {  	[tilespmem:s26+$0xFFFFFC40] =	vst v1;
	v1 =	vld [tilespmem:s25+$0x410]  }
0x4b: {  	[tilespmem:s26+$0xFFFFFC50] =	vst v2;
	v2 =	vld [tilespmem:s25+$0x420]  }
0x4c: {  	s27 =	sadd.s32 $0x80, s27;
	s29 =	sand.u32 $0x300, s28;
	v7 =	vld [tilespmem:s25+$0xFFFFFFC0];
	[tilespmem:s26+$0xFFFFFC60] =	vst v9;
	s25 =	sadd.s32 $0x80, s25  }
0x4d: {  	[tilespmem:s26+$0x0] =	vst v6  }
0x4e: {  	[tilespmem:s26+$0x10] =	vst v5  }
0x4f: {  	v49 =	vld [tilespmem:s25+$0x430];
	[tilespmem:s26+$0x20] =	vst v3  }
0x50: {  	v50 =	vld [tilespmem:s25+$0xFFFFFFD0];
	[tilespmem:s26+$0x30] =	vst v4  }
0x51: {  	v51 =	vld [tilespmem:s25+$0xFFFFFFE0];
	[tilespmem:s26+$0x40] =	vst v1  }
0x52: {  	v52 =	vld [tilespmem:s25+$0xFFFFFFF0];
	[tilespmem:s26+$0x50] =	vst v2  }
0x53: {  	s31 =	sadd.s32 $0x800, s26;
	v53 =	vld [tilespmem:s25+$0x0];
	[tilespmem:s26+$0xFFFFFBF0] =	vst v7  }
0x54: {  	v54 =	vld [tilespmem:s25+$0x10];
	[tilespmem:s31+$0x60] =	vst v49  }
0x55: {  	v55 =	vld [tilespmem:s25+$0x20];
	[tilespmem:s31+$0xFFFFFC00] =	vst v50  }
0x56: {  	v56 =	vld [tilespmem:s25+$0x30];
	[tilespmem:s31+$0xFFFFFC10] =	vst v51  }
0x57: {  	v57 =	vld [tilespmem:s25+$0x3D0];
	[tilespmem:s31+$0xFFFFFC20] =	vst v52  }
0x58: {  	v58 =	vld [tilespmem:s25+$0x3E0];
	[tilespmem:s31+$0xFFFFFC30] =	vst v53  }
0x59: {  	v59 =	vld [tilespmem:s25+$0x3F0];
	[tilespmem:s31+$0xFFFFFC40] =	vst v54  }
0x5a: {  	v60 =	vld [tilespmem:s25+$0x400];
	[tilespmem:s31+$0xFFFFFC50] =	vst v55  }
0x5b: {  	v61 =	vld [tilespmem:s25+$0xFFFFFFC0];
	[tilespmem:s31+$0xFFFFFC60] =	vst v56  }
0x5c: {  	s27 =	sand.u32 $0x80, s28;
	s30 =	sadd.s32 s29, s19;
	v62 =	vld [tilespmem:s25+$0x410];
	[tilespmem:s31+$0x0] =	vst v57  }
0x5d: {  	v63 =	vld [tilespmem:s25+$0x420];
	s23 =	sadd.s32 $0x1, s23;
	s27 =	sadd.s32 s27, s30;
	[tilespmem:s31+$0x10] =	vst v58  }
0x5e: {  	p2 =	sne.s32 s23, $0x8;
	v0 =	vld.idx.msk [tilespmem:v0+s27+$0x400 ss:$0x1], $0xffff;
	[tilespmem:s31+$0x20] =	vst v59  }
.Ltmp4:
0x5f: {  	[tilespmem:s31+$0x30] =	vst v60;
	(pc) =	sbr.rel @p2 .LBB1_3-.Ltmp4, $4  }
0x60: {  	[tilespmem:s31+$0xFFFFFBF0] =	vst v61  }
0x61: {  	[tilespmem:s31+$0x40] =	vst v62  }
0x62: {  	s24 =	sadd.s32 $0x800, s24;
	s17 =	sadd.s32 $0x800, s17;
	[tilespmem:s31+$0x50] =	vst v63  }
0x63: {  	s22 =	sadd.s32 $0x80, s22;
	p1 =	por !p1, !p1;
	s18 =	sadd.s32 $0x80, s18;
	[tilespmem:s24+$0x0] =	vst v0  }
0x64: {  	s17 =	sshll.u32 s12, $0x3;
	s15 =	sshll.u32 s15, $0x7;
	s18 =	sand.u32 $0x78, s12  }
0x65: {  	s14 =	sshll.u32 s14, $0xC;
	s13 =	sshll.u32 s13, $0x9;
	s15 =	sand.u32 $0x380, s15  }
.Ltmp5:
0x66: {  	s17 =	sand.u32 $0xC00, s17;
	s15 =	sor.u32 s18, s15;
	(pc) =	sbr.rel .LBB1_7-.Ltmp5, $4  }
0x67: {  	s31 =	sand.u32 $0x7, s12;
	s14 =	sadd.s32 s3, s14;
	s15 =	sor.u32 s17, s15  }
0x68: {  	s12 =	sshll.u32 s31, $0x12;
	s13 =	sadd.s32 s13, s14;
	s15 =	sshrl.u32 s15, $0x3  }
0x69: {  	s12 =	sor.u32 $0x800, s12;
	s13 =	sadd.s32 s15, s13  }
0x6a: {  	[hbm4b:s13+s12] =	stream.strided.scatter [tilespmem:s16], [sflag:$0x2], $0x4000, s6, s12, $0x38;
	[tilespmem:$0x10000] =	vst v63  }
.LBB1_8:
0x6b: {  	_ =	sfence.sel $0x180000  }
0x6c: {  	s2 =	simm.s32 $0x1;
	[bflag:$0x0] =	sbarrier.arrive $0xFFFF  }
0x6d: {  	s31 =	simm.s32 $0x2;
	[sflag:s2] =	ssyncpa.u1 $0x1  }
0x6e: {  	[sflag:s31] =	ssyncpa.u1 $0x1  }
0x6f: {  	p0 =	sne.s32 s1, $0x0;
	_ =	strace $0x90000047  }
0x70: {  	s0 =	sadd.s32 @!p0 $0x100000, s0;
	[bflag:$0x2] =	sbarrier.arrive $0xFFFF  }
0x71: {  	[sflag:s0] =	ssyncadd.tile.s32 @!p0 $0x1;
	_ =	shalt  }
.Lfunc_end1:
_tile_overlayer_lowered:
.L_overlay_start_2:
0x72: {  	(tag) =	ssettag $0x2  }
0x73: {  	s0 =	rddreg [dreg:$0x0];
	s2 =	stileid.u32  }
0x74: {  	s1 =	rddreg [dreg:$0x1];
	p0 =	sne.s32 s2, $0x0  }
0x75: {  	s3 =	rddreg [dreg:$0x2];
	[bflag:$0x3] =	sbarrier.arrive $0xFFFF;
	s2 =	simm.s32 @!p0 $0x1C01  }
0x76: {  	[timem:s3], [sflag:s2] =	dma.local @!p0 [hbm:s0], s1  }
0x77: {  	s0 =	simm.s32 @!p0 $0x1  }
0x78: {  	_ =	swait.ge @!p0 [sflag:s0], s1  }
0x79: {  	s1 =	ssub.s32 @!p0 $0x0, s1;
	[sflag:s0] =	ssyncset.done @!p0 $0x0  }
0x7a: {  	[sflag:s0] =	ssyncadd.s32 @!p0 s1  }
0x7b: {  	[bflag:$0x3] =	sbarrier.arrive $0xFFFF  }
0x7c: {  	_ =	shalt  }

</sc_bundles>
